<compile_context>
chip_gen: v7x
topology: tpu7x:2x2x1
jax: 0.10.2.dev20260603
libtpu: 0.0.44.dev20260713+nightly
codegen_flags: <defaults>
</compile_context>

<pallas_src>
import jax
import jax.numpy as jnp
from jax import lax
from jax.experimental import pallas as pl
from jax.experimental.pallas import tpu as pltpu
from jax.experimental.pallas import tpu_sc as plsc

VOCAB = 100000
EMBED = 64
B = 1024
L = 50

NC = 2
NS = 16
NW = NC * NS
ROWS_PER_W = B // NW
IDX_PER_W = ROWS_PER_W * L

_BOUNDS = list(range(0, IDX_PER_W, 128)) + [IDX_PER_W]
_CHUNKS = [(s, e - s) for s, e in zip(_BOUNDS[:-1], _BOUNDS[1:])]


def _pool_body(x_hbm, table_hbm, out_hbm, idx_v, rows_v, acc_v, sem):
    wid = lax.axis_index("s") * NC + lax.axis_index("c")
    pltpu.sync_copy(x_hbm.at[pl.ds(wid * ROWS_PER_W, ROWS_PER_W)], idx_v)
    copies = []
    for r in range(ROWS_PER_W):
        copies.append(
            pltpu.async_copy(
                table_hbm.at[idx_v.at[r]],
                rows_v.at[r],
                sem,
            )
        )
    for cp in copies:
        cp.wait()

    def row_body(r, _):
        for j in range(EMBED // 16):
            acc = rows_v[r, 0, pl.ds(j * 16, 16)]
            for l in range(1, L):
                acc = acc + rows_v[r, l, pl.ds(j * 16, 16)]
            acc_v[r, pl.ds(j * 16, 16)] = acc
        return 0

    lax.fori_loop(0, ROWS_PER_W, row_body, 0)
    pltpu.sync_copy(acc_v, out_hbm.at[pl.ds(wid * ROWS_PER_W, ROWS_PER_W)])


def _pool(x_in, table):
    mesh = plsc.VectorSubcoreMesh(core_axis_name="c", subcore_axis_name="s")
    f = pl.kernel(
        _pool_body,
        out_type=jax.ShapeDtypeStruct((B, EMBED), jnp.float32),
        mesh=mesh,
        scratch_types=[
            pltpu.VMEM((ROWS_PER_W, L), jnp.int32),
            pltpu.VMEM((ROWS_PER_W, L, EMBED), jnp.float32),
            pltpu.VMEM((ROWS_PER_W, EMBED), jnp.float32),
            pltpu.SemaphoreType.DMA,
        ],
        compiler_params=pltpu.CompilerParams(use_tc_tiling_on_sc=False),
    )
    return f(x_in, table)


BR = 64


def _mm_body(x_ref, wt_ref, b_ref, o_ref):
    y = (
        lax.dot_general(
            x_ref[...],
            wt_ref[...],
            dimension_numbers=(((1,), (0,)), ((), ())),
            preferred_element_type=jnp.float32,
        )
        + b_ref[...]
    )
    o_ref[...] = y.astype(jnp.bfloat16)


def _matmul(x_sum, Wt, b2d):
    return pl.pallas_call(
        _mm_body,
        grid=(B // BR,),
        in_specs=[
            pl.BlockSpec((BR, EMBED), lambda j: (j, 0)),
            pl.BlockSpec((EMBED, VOCAB), lambda j: (0, 0)),
            pl.BlockSpec((1, VOCAB), lambda j: (0, 0)),
        ],
        out_specs=pl.BlockSpec((BR, VOCAB), lambda j: (j, 0)),
        out_shape=jax.ShapeDtypeStruct((B, VOCAB), jnp.bfloat16),
        compiler_params=pltpu.CompilerParams(
            vmem_limit_bytes=62 * 1024 * 1024,
        ),
    )(x_sum, Wt, b2d)


@jax.jit
def kernel(x_in, table, W, b):
    x_sum = _pool(x_in.astype(jnp.int32), table)
    return _matmul(
        x_sum.astype(jnp.bfloat16),
        W.T.astype(jnp.bfloat16),
        b.reshape(1, VOCAB),
    ).astype(jnp.float32)

# --- scband reference (transcript-rebuilt; emitter-appended) ---
"""Pipeline reference for scband-cbowclassifier-8366596293156 (READ-ONLY COPY).

The authoritative reference and input builder live on the scoring server;
editing this copy changes nothing except your own understanding.
"""

import jax, jax.numpy as jnp
import numpy as np

VOCAB = 100000
EMBED = 64
B = 1024
L = 50

def setup_inputs(seed: int = 0) -> dict:
    key = jax.random.key(seed)
    k1, k2, k3, k4 = jax.random.split(key, 4)
    x_in = jax.random.randint(k1, (B, L), 0, VOCAB, dtype=jnp.int64)
    table = jax.random.normal(k2, (VOCAB, EMBED), dtype=jnp.float32) * 0.02
    table = table.at[0].set(0.0)  # padding_idx = 0
    W = jax.random.normal(k3, (VOCAB, EMBED), dtype=jnp.float32) * 0.02
    b = jax.random.normal(k4, (VOCAB,), dtype=jnp.float32) * 0.02
    return {"x_in": x_in, "table": table, "W": W, "b": b}

def reference(x_in, table, W, b):
    # embedding lookup with padding_idx=0 (row 0 forced to zero)
    t = table.at[0].set(0.0)
    emb = jnp.take(t, x_in, axis=0)            # [B, L, D]
    x_sum = jnp.sum(emb, axis=1)               # [B, D]
    # dropout(p=0.3) treated as identity (inference mode) for determinism
    y_out = x_sum @ W.T + b                    # [B, VOCAB]
    return y_out

if __name__ == "__main__":
    import jax
    _d = setup_inputs()
    print(jax.jit(kernel)(*tuple(_d.values())))

</pallas_src>

<mosaic_0001>
#map = affine_map<(d0, d1) -> (0, 0)>
module attributes {stable_mosaic.version = 14 : i64} {
  func.func @_pool_body(%arg0: i32, %arg1: i32, %arg2: memref<1024x50xi32, #tpu.memory_space<hbm>>, %arg3: memref<100000x64xf32, #tpu.memory_space<hbm>>, %arg4: memref<1024x64xf32, #tpu.memory_space<hbm>>, %arg5: memref<32x50xi32, #tpu.memory_space<vmem>>, %arg6: memref<32x50x64xf32, #tpu.memory_space<vmem>>, %arg7: memref<32x64xf32, #tpu.memory_space<vmem>>, %arg8: memref<!tpu.dma_semaphore, #tpu.memory_space<semaphore_mem>>) attributes {dimension_semantics = [#tpu.dimension_semantics<core_parallel>, #tpu.dimension_semantics<subcore_parallel>], iteration_bounds = array<i64: 2, 16>, scalar_prefetch = 0 : i64, scratch_operands = 4 : i64, tpu.core_type = #tpu.core_type<sc_vector_subcore>, window_params = [{transform_indices = #map}, {transform_indices = #map}, {transform_indices = #map}]} {
    %mul3A = arith.constant 2 : i32
    %mul3A_0 = arith.muli %arg1, %mul3A : i32
    %add3A = arith.addi %mul3A_0, %arg0 : i32
    %mul3A_1 = arith.constant 32 : i32
    %mul3A_2 = arith.muli %add3A, %mul3A_1 : i32
    "tpu.region"() ({
      %run_scoped3A = tpu.sem_alloc : memref<!tpu.dma_semaphore, #tpu.memory_space<semaphore_mem>>
      %dma_start3A_777 = arith.constant 0 : i32
      %dma_start3A_778 = tpu.memref_slice %arg2[%mul3A_2, %dma_start3A_777] : memref<1024x50xi32, #tpu.memory_space<hbm>> -> memref<32x50xi32, #tpu.memory_space<hbm>>
      %dma_start3A_779 = arith.constant 0 : i32
      %dma_start3A_780 = tpu.memref_slice %arg2[%mul3A_2, %dma_start3A_779] : memref<1024x50xi32, #tpu.memory_space<hbm>> -> memref<32x50xi32, #tpu.memory_space<hbm>>
      tpu.enqueue_dma source(%dma_start3A_780 : memref<32x50xi32, #tpu.memory_space<hbm>>) target(%arg5 : memref<32x50xi32, #tpu.memory_space<vmem>>) target_semaphore(%run_scoped3A : memref<!tpu.dma_semaphore, #tpu.memory_space<semaphore_mem>>)
      %dma_wait3A_781 = arith.constant 0 : i32
      %dma_wait3A_782 = tpu.memref_slice %arg2[%mul3A_2, %dma_wait3A_781] : memref<1024x50xi32, #tpu.memory_space<hbm>> -> memref<32x50xi32, #tpu.memory_space<hbm>>
      %dma_wait3A_783 = arith.constant 0 : i32
      %dma_wait3A_784 = tpu.memref_slice %arg2[%mul3A_2, %dma_wait3A_783] : memref<1024x50xi32, #tpu.memory_space<hbm>> -> memref<32x50xi32, #tpu.memory_space<hbm>>
      tpu.wait_dma2 semaphore(%run_scoped3A : memref<!tpu.dma_semaphore, #tpu.memory_space<semaphore_mem>>) src(%dma_wait3A_784 : memref<32x50xi32, #tpu.memory_space<hbm>>) dst(%arg5 : memref<32x50xi32, #tpu.memory_space<vmem>>)
      tpu.yield
    }) : () -> ()
    %dma_start3A = arith.constant 0 : i32
    %dma_start3A_3 = arith.constant 0 : i32
    %dma_start3A_4 = arith.constant 0 : i32
    %dma_start3A_5 = arith.constant 0 : i32
    %dma_start3A_6 = tpu.memref_slice %arg6[%dma_start3A_3, %dma_start3A_4, %dma_start3A_5] : memref<32x50x64xf32, #tpu.memory_space<vmem>> -> memref<1x50x64xf32, #tpu.memory_space<vmem>>
    %dma_start3A_7 = tpu.memref_squeeze %dma_start3A_6 : memref<1x50x64xf32, #tpu.memory_space<vmem>> -> memref<50x64xf32, #tpu.memory_space<vmem>>
    %dma_start3A_8 = arith.constant 0 : i32
    %dma_start3A_9 = tpu.memref_slice %arg5[%dma_start3A, %dma_start3A_8] : memref<32x50xi32, #tpu.memory_space<vmem>> -> memref<1x50xi32, #tpu.memory_space<vmem>>
    %dma_start3A_10 = tpu.memref_squeeze %dma_start3A_9 : memref<1x50xi32, #tpu.memory_space<vmem>> -> memref<50xi32, #tpu.memory_space<vmem>>
    %dma_start3A_11 = arith.constant 0 : i32
    %dma_start3A_12 = arith.constant 0 : i32
    %dma_start3A_13 = tpu.memref_slice %arg3[%dma_start3A_11, %dma_start3A_12] : memref<100000x64xf32, #tpu.memory_space<hbm>> -> memref<100000x64xf32, #tpu.memory_space<hbm>>
    tpu.enqueue_indirect_dma source(%dma_start3A_13 : memref<100000x64xf32, #tpu.memory_space<hbm>>) target(%dma_start3A_7 : memref<50x64xf32, #tpu.memory_space<vmem>>) offsets(%dma_start3A_10 : memref<50xi32, #tpu.memory_space<vmem>>) semaphore(%arg8 : memref<!tpu.dma_semaphore, #tpu.memory_space<semaphore_mem>>)
    %dma_start3A_14 = arith.constant 1 : i32
    %dma_start3A_15 = arith.constant 1 : i32
    %dma_start3A_16 = arith.constant 0 : i32
    %dma_start3A_17 = arith.constant 0 : i32
    %dma_start3A_18 = tpu.memref_slice %arg6[%dma_start3A_15, %dma_start3A_16, %dma_start3A_17] : memref<32x50x64xf32, #tpu.memory_space<vmem>> -> memref<1x50x64xf32, #tpu.memory_space<vmem>>
    %dma_start3A_19 = tpu.memref_squeeze %dma_start3A_18 : memref<1x50x64xf32, #tpu.memory_space<vmem>> -> memref<50x64xf32, #tpu.memory_space<vmem>>
    %dma_start3A_20 = arith.constant 0 : i32
    %dma_start3A_21 = tpu.memref_slice %arg5[%dma_start3A_14, %dma_start3A_20] : memref<32x50xi32, #tpu.memory_space<vmem>> -> memref<1x50xi32, #tpu.memory_space<vmem>>
    %dma_start3A_22 = tpu.memref_squeeze %dma_start3A_21 : memref<1x50xi32, #tpu.memory_space<vmem>> -> memref<50xi32, #tpu.memory_space<vmem>>
    %dma_start3A_23 = arith.constant 0 : i32
    %dma_start3A_24 = arith.constant 0 : i32
    %dma_start3A_25 = tpu.memref_slice %arg3[%dma_start3A_23, %dma_start3A_24] : memref<100000x64xf32, #tpu.memory_space<hbm>> -> memref<100000x64xf32, #tpu.memory_space<hbm>>
    tpu.enqueue_indirect_dma source(%dma_start3A_25 : memref<100000x64xf32, #tpu.memory_space<hbm>>) target(%dma_start3A_19 : memref<50x64xf32, #tpu.memory_space<vmem>>) offsets(%dma_start3A_22 : memref<50xi32, #tpu.memory_space<vmem>>) semaphore(%arg8 : memref<!tpu.dma_semaphore, #tpu.memory_space<semaphore_mem>>)
    %dma_start3A_26 = arith.constant 2 : i32
    %dma_start3A_27 = arith.constant 2 : i32
    %dma_start3A_28 = arith.constant 0 : i32
    %dma_start3A_29 = arith.constant 0 : i32
    %dma_start3A_30 = tpu.memref_slice %arg6[%dma_start3A_27, %dma_start3A_28, %dma_start3A_29] : memref<32x50x64xf32, #tpu.memory_space<vmem>> -> memref<1x50x64xf32, #tpu.memory_space<vmem>>
    %dma_start3A_31 = tpu.memref_squeeze %dma_start3A_30 : memref<1x50x64xf32, #tpu.memory_space<vmem>> -> memref<50x64xf32, #tpu.memory_space<vmem>>
    %dma_start3A_32 = arith.constant 0 : i32
    %dma_start3A_33 = tpu.memref_slice %arg5[%dma_start3A_26, %dma_start3A_32] : memref<32x50xi32, #tpu.memory_space<vmem>> -> memref<1x50xi32, #tpu.memory_space<vmem>>
    %dma_start3A_34 = tpu.memref_squeeze %dma_start3A_33 : memref<1x50xi32, #tpu.memory_space<vmem>> -> memref<50xi32, #tpu.memory_space<vmem>>
    %dma_start3A_35 = arith.constant 0 : i32
    %dma_start3A_36 = arith.constant 0 : i32
    %dma_start3A_37 = tpu.memref_slice %arg3[%dma_start3A_35, %dma_start3A_36] : memref<100000x64xf32, #tpu.memory_space<hbm>> -> memref<100000x64xf32, #tpu.memory_space<hbm>>
    tpu.enqueue_indirect_dma source(%dma_start3A_37 : memref<100000x64xf32, #tpu.memory_space<hbm>>) target(%dma_start3A_31 : memref<50x64xf32, #tpu.memory_space<vmem>>) offsets(%dma_start3A_34 : memref<50xi32, #tpu.memory_space<vmem>>) semaphore(%arg8 : memref<!tpu.dma_semaphore, #tpu.memory_space<semaphore_mem>>)
    %dma_start3A_38 = arith.constant 3 : i32
    %dma_start3A_39 = arith.constant 3 : i32
    %dma_start3A_40 = arith.constant 0 : i32
    %dma_start3A_41 = arith.constant 0 : i32
    %dma_start3A_42 = tpu.memref_slice %arg6[%dma_start3A_39, %dma_start3A_40, %dma_start3A_41] : memref<32x50x64xf32, #tpu.memory_space<vmem>> -> memref<1x50x64xf32, #tpu.memory_space<vmem>>
    %dma_start3A_43 = tpu.memref_squeeze %dma_start3A_42 : memref<1x50x64xf32, #tpu.memory_space<vmem>> -> memref<50x64xf32, #tpu.memory_space<vmem>>
    %dma_start3A_44 = arith.constant 0 : i32
    %dma_start3A_45 = tpu.memref_slice %arg5[%dma_start3A_38, %dma_start3A_44] : memref<32x50xi32, #tpu.memory_space<vmem>> -> memref<1x50xi32, #tpu.memory_space<vmem>>
    %dma_start3A_46 = tpu.memref_squeeze %dma_start3A_45 : memref<1x50xi32, #tpu.memory_space<vmem>> -> memref<50xi32, #tpu.memory_space<vmem>>
    %dma_start3A_47 = arith.constant 0 : i32
    %dma_start3A_48 = arith.constant 0 : i32
    %dma_start3A_49 = tpu.memref_slice %arg3[%dma_start3A_47, %dma_start3A_48] : memref<100000x64xf32, #tpu.memory_space<hbm>> -> memref<100000x64xf32, #tpu.memory_space<hbm>>
    tpu.enqueue_indirect_dma source(%dma_start3A_49 : memref<100000x64xf32, #tpu.memory_space<hbm>>) target(%dma_start3A_43 : memref<50x64xf32, #tpu.memory_space<vmem>>) offsets(%dma_start3A_46 : memref<50xi32, #tpu.memory_space<vmem>>) semaphore(%arg8 : memref<!tpu.dma_semaphore, #tpu.memory_space<semaphore_mem>>)
    %dma_start3A_50 = arith.constant 4 : i32
    %dma_start3A_51 = arith.constant 4 : i32
    %dma_start3A_52 = arith.constant 0 : i32
    %dma_start3A_53 = arith.constant 0 : i32
    %dma_start3A_54 = tpu.memref_slice %arg6[%dma_start3A_51, %dma_start3A_52, %dma_start3A_53] : memref<32x50x64xf32, #tpu.memory_space<vmem>> -> memref<1x50x64xf32, #tpu.memory_space<vmem>>
    %dma_start3A_55 = tpu.memref_squeeze %dma_start3A_54 : memref<1x50x64xf32, #tpu.memory_space<vmem>> -> memref<50x64xf32, #tpu.memory_space<vmem>>
    %dma_start3A_56 = arith.constant 0 : i32
    %dma_start3A_57 = tpu.memref_slice %arg5[%dma_start3A_50, %dma_start3A_56] : memref<32x50xi32, #tpu.memory_space<vmem>> -> memref<1x50xi32, #tpu.memory_space<vmem>>
    %dma_start3A_58 = tpu.memref_squeeze %dma_start3A_57 : memref<1x50xi32, #tpu.memory_space<vmem>> -> memref<50xi32, #tpu.memory_space<vmem>>
    %dma_start3A_59 = arith.constant 0 : i32
    %dma_start3A_60 = arith.constant 0 : i32
    %dma_start3A_61 = tpu.memref_slice %arg3[%dma_start3A_59, %dma_start3A_60] : memref<100000x64xf32, #tpu.memory_space<hbm>> -> memref<100000x64xf32, #tpu.memory_space<hbm>>
    tpu.enqueue_indirect_dma source(%dma_start3A_61 : memref<100000x64xf32, #tpu.memory_space<hbm>>) target(%dma_start3A_55 : memref<50x64xf32, #tpu.memory_space<vmem>>) offsets(%dma_start3A_58 : memref<50xi32, #tpu.memory_space<vmem>>) semaphore(%arg8 : memref<!tpu.dma_semaphore, #tpu.memory_space<semaphore_mem>>)
    %dma_start3A_62 = arith.constant 5 : i32
    %dma_start3A_63 = arith.constant 5 : i32
    %dma_start3A_64 = arith.constant 0 : i32
    %dma_start3A_65 = arith.constant 0 : i32
    %dma_start3A_66 = tpu.memref_slice %arg6[%dma_start3A_63, %dma_start3A_64, %dma_start3A_65] : memref<32x50x64xf32, #tpu.memory_space<vmem>> -> memref<1x50x64xf32, #tpu.memory_space<vmem>>
    %dma_start3A_67 = tpu.memref_squeeze %dma_start3A_66 : memref<1x50x64xf32, #tpu.memory_space<vmem>> -> memref<50x64xf32, #tpu.memory_space<vmem>>
    %dma_start3A_68 = arith.constant 0 : i32
    %dma_start3A_69 = tpu.memref_slice %arg5[%dma_start3A_62, %dma_start3A_68] : memref<32x50xi32, #tpu.memory_space<vmem>> -> memref<1x50xi32, #tpu.memory_space<vmem>>
    %dma_start3A_70 = tpu.memref_squeeze %dma_start3A_69 : memref<1x50xi32, #tpu.memory_space<vmem>> -> memref<50xi32, #tpu.memory_space<vmem>>
    %dma_start3A_71 = arith.constant 0 : i32
    %dma_start3A_72 = arith.constant 0 : i32
    %dma_start3A_73 = tpu.memref_slice %arg3[%dma_start3A_71, %dma_start3A_72] : memref<100000x64xf32, #tpu.memory_space<hbm>> -> memref<100000x64xf32, #tpu.memory_space<hbm>>
    tpu.enqueue_indirect_dma source(%dma_start3A_73 : memref<100000x64xf32, #tpu.memory_space<hbm>>) target(%dma_start3A_67 : memref<50x64xf32, #tpu.memory_space<vmem>>) offsets(%dma_start3A_70 : memref<50xi32, #tpu.memory_space<vmem>>) semaphore(%arg8 : memref<!tpu.dma_semaphore, #tpu.memory_space<semaphore_mem>>)
    %dma_start3A_74 = arith.constant 6 : i32
    %dma_start3A_75 = arith.constant 6 : i32
    %dma_start3A_76 = arith.constant 0 : i32
    %dma_start3A_77 = arith.constant 0 : i32
    %dma_start3A_78 = tpu.memref_slice %arg6[%dma_start3A_75, %dma_start3A_76, %dma_start3A_77] : memref<32x50x64xf32, #tpu.memory_space<vmem>> -> memref<1x50x64xf32, #tpu.memory_space<vmem>>
    %dma_start3A_79 = tpu.memref_squeeze %dma_start3A_78 : memref<1x50x64xf32, #tpu.memory_space<vmem>> -> memref<50x64xf32, #tpu.memory_space<vmem>>
    %dma_start3A_80 = arith.constant 0 : i32
    %dma_start3A_81 = tpu.memref_slice %arg5[%dma_start3A_74, %dma_start3A_80] : memref<32x50xi32, #tpu.memory_space<vmem>> -> memref<1x50xi32, #tpu.memory_space<vmem>>
    %dma_start3A_82 = tpu.memref_squeeze %dma_start3A_81 : memref<1x50xi32, #tpu.memory_space<vmem>> -> memref<50xi32, #tpu.memory_space<vmem>>
    %dma_start3A_83 = arith.constant 0 : i32
    %dma_start3A_84 = arith.constant 0 : i32
    %dma_start3A_85 = tpu.memref_slice %arg3[%dma_start3A_83, %dma_start3A_84] : memref<100000x64xf32, #tpu.memory_space<hbm>> -> memref<100000x64xf32, #tpu.memory_space<hbm>>
    tpu.enqueue_indirect_dma source(%dma_start3A_85 : memref<100000x64xf32, #tpu.memory_space<hbm>>) target(%dma_start3A_79 : memref<50x64xf32, #tpu.memory_space<vmem>>) offsets(%dma_start3A_82 : memref<50xi32, #tpu.memory_space<vmem>>) semaphore(%arg8 : memref<!tpu.dma_semaphore, #tpu.memory_space<semaphore_mem>>)
    %dma_start3A_86 = arith.constant 7 : i32
    %dma_start3A_87 = arith.constant 7 : i32
    %dma_start3A_88 = arith.constant 0 : i32
    %dma_start3A_89 = arith.constant 0 : i32
    %dma_start3A_90 = tpu.memref_slice %arg6[%dma_start3A_87, %dma_start3A_88, %dma_start3A_89] : memref<32x50x64xf32, #tpu.memory_space<vmem>> -> memref<1x50x64xf32, #tpu.memory_space<vmem>>
    %dma_start3A_91 = tpu.memref_squeeze %dma_start3A_90 : memref<1x50x64xf32, #tpu.memory_space<vmem>> -> memref<50x64xf32, #tpu.memory_space<vmem>>
    %dma_start3A_92 = arith.constant 0 : i32
    %dma_start3A_93 = tpu.memref_slice %arg5[%dma_start3A_86, %dma_start3A_92] : memref<32x50xi32, #tpu.memory_space<vmem>> -> memref<1x50xi32, #tpu.memory_space<vmem>>
    %dma_start3A_94 = tpu.memref_squeeze %dma_start3A_93 : memref<1x50xi32, #tpu.memory_space<vmem>> -> memref<50xi32, #tpu.memory_space<vmem>>
    %dma_start3A_95 = arith.constant 0 : i32
    %dma_start3A_96 = arith.constant 0 : i32
    %dma_start3A_97 = tpu.memref_slice %arg3[%dma_start3A_95, %dma_start3A_96] : memref<100000x64xf32, #tpu.memory_space<hbm>> -> memref<100000x64xf32, #tpu.memory_space<hbm>>
    tpu.enqueue_indirect_dma source(%dma_start3A_97 : memref<100000x64xf32, #tpu.memory_space<hbm>>) target(%dma_start3A_91 : memref<50x64xf32, #tpu.memory_space<vmem>>) offsets(%dma_start3A_94 : memref<50xi32, #tpu.memory_space<vmem>>) semaphore(%arg8 : memref<!tpu.dma_semaphore, #tpu.memory_space<semaphore_mem>>)
    %dma_start3A_98 = arith.constant 8 : i32
    %dma_start3A_99 = arith.constant 8 : i32
    %dma_start3A_100 = arith.constant 0 : i32
    %dma_start3A_101 = arith.constant 0 : i32
    %dma_start3A_102 = tpu.memref_slice %arg6[%dma_start3A_99, %dma_start3A_100, %dma_start3A_101] : memref<32x50x64xf32, #tpu.memory_space<vmem>> -> memref<1x50x64xf32, #tpu.memory_space<vmem>>
    %dma_start3A_103 = tpu.memref_squeeze %dma_start3A_102 : memref<1x50x64xf32, #tpu.memory_space<vmem>> -> memref<50x64xf32, #tpu.memory_space<vmem>>
    %dma_start3A_104 = arith.constant 0 : i32
    %dma_start3A_105 = tpu.memref_slice %arg5[%dma_start3A_98, %dma_start3A_104] : memref<32x50xi32, #tpu.memory_space<vmem>> -> memref<1x50xi32, #tpu.memory_space<vmem>>
    %dma_start3A_106 = tpu.memref_squeeze %dma_start3A_105 : memref<1x50xi32, #tpu.memory_space<vmem>> -> memref<50xi32, #tpu.memory_space<vmem>>
    %dma_start3A_107 = arith.constant 0 : i32
    %dma_start3A_108 = arith.constant 0 : i32
    %dma_start3A_109 = tpu.memref_slice %arg3[%dma_start3A_107, %dma_start3A_108] : memref<100000x64xf32, #tpu.memory_space<hbm>> -> memref<100000x64xf32, #tpu.memory_space<hbm>>
    tpu.enqueue_indirect_dma source(%dma_start3A_109 : memref<100000x64xf32, #tpu.memory_space<hbm>>) target(%dma_start3A_103 : memref<50x64xf32, #tpu.memory_space<vmem>>) offsets(%dma_start3A_106 : memref<50xi32, #tpu.memory_space<vmem>>) semaphore(%arg8 : memref<!tpu.dma_semaphore, #tpu.memory_space<semaphore_mem>>)
    %dma_start3A_110 = arith.constant 9 : i32
    %dma_start3A_111 = arith.constant 9 : i32
    %dma_start3A_112 = arith.constant 0 : i32
    %dma_start3A_113 = arith.constant 0 : i32
    %dma_start3A_114 = tpu.memref_slice %arg6[%dma_start3A_111, %dma_start3A_112, %dma_start3A_113] : memref<32x50x64xf32, #tpu.memory_space<vmem>> -> memref<1x50x64xf32, #tpu.memory_space<vmem>>
    %dma_start3A_115 = tpu.memref_squeeze %dma_start3A_114 : memref<1x50x64xf32, #tpu.memory_space<vmem>> -> memref<50x64xf32, #tpu.memory_space<vmem>>
    %dma_start3A_116 = arith.constant 0 : i32
    %dma_start3A_117 = tpu.memref_slice %arg5[%dma_start3A_110, %dma_start3A_116] : memref<32x50xi32, #tpu.memory_space<vmem>> -> memref<1x50xi32, #tpu.memory_space<vmem>>
    %dma_start3A_118 = tpu.memref_squeeze %dma_start3A_117 : memref<1x50xi32, #tpu.memory_space<vmem>> -> memref<50xi32, #tpu.memory_space<vmem>>
    %dma_start3A_119 = arith.constant 0 : i32
    %dma_start3A_120 = arith.constant 0 : i32
    %dma_start3A_121 = tpu.memref_slice %arg3[%dma_start3A_119, %dma_start3A_120] : memref<100000x64xf32, #tpu.memory_space<hbm>> -> memref<100000x64xf32, #tpu.memory_space<hbm>>
    tpu.enqueue_indirect_dma source(%dma_start3A_121 : memref<100000x64xf32, #tpu.memory_space<hbm>>) target(%dma_start3A_115 : memref<50x64xf32, #tpu.memory_space<vmem>>) offsets(%dma_start3A_118 : memref<50xi32, #tpu.memory_space<vmem>>) semaphore(%arg8 : memref<!tpu.dma_semaphore, #tpu.memory_space<semaphore_mem>>)
    %dma_start3A_122 = arith.constant 10 : i32
    %dma_start3A_123 = arith.constant 10 : i32
    %dma_start3A_124 = arith.constant 0 : i32
    %dma_start3A_125 = arith.constant 0 : i32
    %dma_start3A_126 = tpu.memref_slice %arg6[%dma_start3A_123, %dma_start3A_124, %dma_start3A_125] : memref<32x50x64xf32, #tpu.memory_space<vmem>> -> memref<1x50x64xf32, #tpu.memory_space<vmem>>
    %dma_start3A_127 = tpu.memref_squeeze %dma_start3A_126 : memref<1x50x64xf32, #tpu.memory_space<vmem>> -> memref<50x64xf32, #tpu.memory_space<vmem>>
    %dma_start3A_128 = arith.constant 0 : i32
    %dma_start3A_129 = tpu.memref_slice %arg5[%dma_start3A_122, %dma_start3A_128] : memref<32x50xi32, #tpu.memory_space<vmem>> -> memref<1x50xi32, #tpu.memory_space<vmem>>
    %dma_start3A_130 = tpu.memref_squeeze %dma_start3A_129 : memref<1x50xi32, #tpu.memory_space<vmem>> -> memref<50xi32, #tpu.memory_space<vmem>>
    %dma_start3A_131 = arith.constant 0 : i32
    %dma_start3A_132 = arith.constant 0 : i32
    %dma_start3A_133 = tpu.memref_slice %arg3[%dma_start3A_131, %dma_start3A_132] : memref<100000x64xf32, #tpu.memory_space<hbm>> -> memref<100000x64xf32, #tpu.memory_space<hbm>>
    tpu.enqueue_indirect_dma source(%dma_start3A_133 : memref<100000x64xf32, #tpu.memory_space<hbm>>) target(%dma_start3A_127 : memref<50x64xf32, #tpu.memory_space<vmem>>) offsets(%dma_start3A_130 : memref<50xi32, #tpu.memory_space<vmem>>) semaphore(%arg8 : memref<!tpu.dma_semaphore, #tpu.memory_space<semaphore_mem>>)
    %dma_start3A_134 = arith.constant 11 : i32
    %dma_start3A_135 = arith.constant 11 : i32
    %dma_start3A_136 = arith.constant 0 : i32
    %dma_start3A_137 = arith.constant 0 : i32
    %dma_start3A_138 = tpu.memref_slice %arg6[%dma_start3A_135, %dma_start3A_136, %dma_start3A_137] : memref<32x50x64xf32, #tpu.memory_space<vmem>> -> memref<1x50x64xf32, #tpu.memory_space<vmem>>
    %dma_start3A_139 = tpu.memref_squeeze %dma_start3A_138 : memref<1x50x64xf32, #tpu.memory_space<vmem>> -> memref<50x64xf32, #tpu.memory_space<vmem>>
    %dma_start3A_140 = arith.constant 0 : i32
    %dma_start3A_141 = tpu.memref_slice %arg5[%dma_start3A_134, %dma_start3A_140] : memref<32x50xi32, #tpu.memory_space<vmem>> -> memref<1x50xi32, #tpu.memory_space<vmem>>
    %dma_start3A_142 = tpu.memref_squeeze %dma_start3A_141 : memref<1x50xi32, #tpu.memory_space<vmem>> -> memref<50xi32, #tpu.memory_space<vmem>>
    %dma_start3A_143 = arith.constant 0 : i32
    %dma_start3A_144 = arith.constant 0 : i32
    %dma_start3A_145 = tpu.memref_slice %arg3[%dma_start3A_143, %dma_start3A_144] : memref<100000x64xf32, #tpu.memory_space<hbm>> -> memref<100000x64xf32, #tpu.memory_space<hbm>>
    tpu.enqueue_indirect_dma source(%dma_start3A_145 : memref<100000x64xf32, #tpu.memory_space<hbm>>) target(%dma_start3A_139 : memref<50x64xf32, #tpu.memory_space<vmem>>) offsets(%dma_start3A_142 : memref<50xi32, #tpu.memory_space<vmem>>) semaphore(%arg8 : memref<!tpu.dma_semaphore, #tpu.memory_space<semaphore_mem>>)
    %dma_start3A_146 = arith.constant 12 : i32
    %dma_start3A_147 = arith.constant 12 : i32
    %dma_start3A_148 = arith.constant 0 : i32
    %dma_start3A_149 = arith.constant 0 : i32
    %dma_start3A_150 = tpu.memref_slice %arg6[%dma_start3A_147, %dma_start3A_148, %dma_start3A_149] : memref<32x50x64xf32, #tpu.memory_space<vmem>> -> memref<1x50x64xf32, #tpu.memory_space<vmem>>
    %dma_start3A_151 = tpu.memref_squeeze %dma_start3A_150 : memref<1x50x64xf32, #tpu.memory_space<vmem>> -> memref<50x64xf32, #tpu.memory_space<vmem>>
    %dma_start3A_152 = arith.constant 0 : i32
    %dma_start3A_153 = tpu.memref_slice %arg5[%dma_start3A_146, %dma_start3A_152] : memref<32x50xi32, #tpu.memory_space<vmem>> -> memref<1x50xi32, #tpu.memory_space<vmem>>
    %dma_start3A_154 = tpu.memref_squeeze %dma_start3A_153 : memref<1x50xi32, #tpu.memory_space<vmem>> -> memref<50xi32, #tpu.memory_space<vmem>>
    %dma_start3A_155 = arith.constant 0 : i32
    %dma_start3A_156 = arith.constant 0 : i32
    %dma_start3A_157 = tpu.memref_slice %arg3[%dma_start3A_155, %dma_start3A_156] : memref<100000x64xf32, #tpu.memory_space<hbm>> -> memref<100000x64xf32, #tpu.memory_space<hbm>>
    tpu.enqueue_indirect_dma source(%dma_start3A_157 : memref<100000x64xf32, #tpu.memory_space<hbm>>) target(%dma_start3A_151 : memref<50x64xf32, #tpu.memory_space<vmem>>) offsets(%dma_start3A_154 : memref<50xi32, #tpu.memory_space<vmem>>) semaphore(%arg8 : memref<!tpu.dma_semaphore, #tpu.memory_space<semaphore_mem>>)
    %dma_start3A_158 = arith.constant 13 : i32
    %dma_start3A_159 = arith.constant 13 : i32
    %dma_start3A_160 = arith.constant 0 : i32
    %dma_start3A_161 = arith.constant 0 : i32
    %dma_start3A_162 = tpu.memref_slice %arg6[%dma_start3A_159, %dma_start3A_160, %dma_start3A_161] : memref<32x50x64xf32, #tpu.memory_space<vmem>> -> memref<1x50x64xf32, #tpu.memory_space<vmem>>
    %dma_start3A_163 = tpu.memref_squeeze %dma_start3A_162 : memref<1x50x64xf32, #tpu.memory_space<vmem>> -> memref<50x64xf32, #tpu.memory_space<vmem>>
    %dma_start3A_164 = arith.constant 0 : i32
    %dma_start3A_165 = tpu.memref_slice %arg5[%dma_start3A_158, %dma_start3A_164] : memref<32x50xi32, #tpu.memory_space<vmem>> -> memref<1x50xi32, #tpu.memory_space<vmem>>
    %dma_start3A_166 = tpu.memref_squeeze %dma_start3A_165 : memref<1x50xi32, #tpu.memory_space<vmem>> -> memref<50xi32, #tpu.memory_space<vmem>>
    %dma_start3A_167 = arith.constant 0 : i32
    %dma_start3A_168 = arith.constant 0 : i32
    %dma_start3A_169 = tpu.memref_slice %arg3[%dma_start3A_167, %dma_start3A_168] : memref<100000x64xf32, #tpu.memory_space<hbm>> -> memref<100000x64xf32, #tpu.memory_space<hbm>>
    tpu.enqueue_indirect_dma source(%dma_start3A_169 : memref<100000x64xf32, #tpu.memory_space<hbm>>) target(%dma_start3A_163 : memref<50x64xf32, #tpu.memory_space<vmem>>) offsets(%dma_start3A_166 : memref<50xi32, #tpu.memory_space<vmem>>) semaphore(%arg8 : memref<!tpu.dma_semaphore, #tpu.memory_space<semaphore_mem>>)
    %dma_start3A_170 = arith.constant 14 : i32
    %dma_start3A_171 = arith.constant 14 : i32
    %dma_start3A_172 = arith.constant 0 : i32
    %dma_start3A_173 = arith.constant 0 : i32
    %dma_start3A_174 = tpu.memref_slice %arg6[%dma_start3A_171, %dma_start3A_172, %dma_start3A_173] : memref<32x50x64xf32, #tpu.memory_space<vmem>> -> memref<1x50x64xf32, #tpu.memory_space<vmem>>
    %dma_start3A_175 = tpu.memref_squeeze %dma_start3A_174 : memref<1x50x64xf32, #tpu.memory_space<vmem>> -> memref<50x64xf32, #tpu.memory_space<vmem>>
    %dma_start3A_176 = arith.constant 0 : i32
    %dma_start3A_177 = tpu.memref_slice %arg5[%dma_start3A_170, %dma_start3A_176] : memref<32x50xi32, #tpu.memory_space<vmem>> -> memref<1x50xi32, #tpu.memory_space<vmem>>
    %dma_start3A_178 = tpu.memref_squeeze %dma_start3A_177 : memref<1x50xi32, #tpu.memory_space<vmem>> -> memref<50xi32, #tpu.memory_space<vmem>>
    %dma_start3A_179 = arith.constant 0 : i32
    %dma_start3A_180 = arith.constant 0 : i32
    %dma_start3A_181 = tpu.memref_slice %arg3[%dma_start3A_179, %dma_start3A_180] : memref<100000x64xf32, #tpu.memory_space<hbm>> -> memref<100000x64xf32, #tpu.memory_space<hbm>>
    tpu.enqueue_indirect_dma source(%dma_start3A_181 : memref<100000x64xf32, #tpu.memory_space<hbm>>) target(%dma_start3A_175 : memref<50x64xf32, #tpu.memory_space<vmem>>) offsets(%dma_start3A_178 : memref<50xi32, #tpu.memory_space<vmem>>) semaphore(%arg8 : memref<!tpu.dma_semaphore, #tpu.memory_space<semaphore_mem>>)
    %dma_start3A_182 = arith.constant 15 : i32
    %dma_start3A_183 = arith.constant 15 : i32
    %dma_start3A_184 = arith.constant 0 : i32
    %dma_start3A_185 = arith.constant 0 : i32
    %dma_start3A_186 = tpu.memref_slice %arg6[%dma_start3A_183, %dma_start3A_184, %dma_start3A_185] : memref<32x50x64xf32, #tpu.memory_space<vmem>> -> memref<1x50x64xf32, #tpu.memory_space<vmem>>
    %dma_start3A_187 = tpu.memref_squeeze %dma_start3A_186 : memref<1x50x64xf32, #tpu.memory_space<vmem>> -> memref<50x64xf32, #tpu.memory_space<vmem>>
    %dma_start3A_188 = arith.constant 0 : i32
    %dma_start3A_189 = tpu.memref_slice %arg5[%dma_start3A_182, %dma_start3A_188] : memref<32x50xi32, #tpu.memory_space<vmem>> -> memref<1x50xi32, #tpu.memory_space<vmem>>
    %dma_start3A_190 = tpu.memref_squeeze %dma_start3A_189 : memref<1x50xi32, #tpu.memory_space<vmem>> -> memref<50xi32, #tpu.memory_space<vmem>>
    %dma_start3A_191 = arith.constant 0 : i32
    %dma_start3A_192 = arith.constant 0 : i32
    %dma_start3A_193 = tpu.memref_slice %arg3[%dma_start3A_191, %dma_start3A_192] : memref<100000x64xf32, #tpu.memory_space<hbm>> -> memref<100000x64xf32, #tpu.memory_space<hbm>>
    tpu.enqueue_indirect_dma source(%dma_start3A_193 : memref<100000x64xf32, #tpu.memory_space<hbm>>) target(%dma_start3A_187 : memref<50x64xf32, #tpu.memory_space<vmem>>) offsets(%dma_start3A_190 : memref<50xi32, #tpu.memory_space<vmem>>) semaphore(%arg8 : memref<!tpu.dma_semaphore, #tpu.memory_space<semaphore_mem>>)
    %dma_start3A_194 = arith.constant 16 : i32
    %dma_start3A_195 = arith.constant 16 : i32
    %dma_start3A_196 = arith.constant 0 : i32
    %dma_start3A_197 = arith.constant 0 : i32
    %dma_start3A_198 = tpu.memref_slice %arg6[%dma_start3A_195, %dma_start3A_196, %dma_start3A_197] : memref<32x50x64xf32, #tpu.memory_space<vmem>> -> memref<1x50x64xf32, #tpu.memory_space<vmem>>
    %dma_start3A_199 = tpu.memref_squeeze %dma_start3A_198 : memref<1x50x64xf32, #tpu.memory_space<vmem>> -> memref<50x64xf32, #tpu.memory_space<vmem>>
    %dma_start3A_200 = arith.constant 0 : i32
    %dma_start3A_201 = tpu.memref_slice %arg5[%dma_start3A_194, %dma_start3A_200] : memref<32x50xi32, #tpu.memory_space<vmem>> -> memref<1x50xi32, #tpu.memory_space<vmem>>
    %dma_start3A_202 = tpu.memref_squeeze %dma_start3A_201 : memref<1x50xi32, #tpu.memory_space<vmem>> -> memref<50xi32, #tpu.memory_space<vmem>>
    %dma_start3A_203 = arith.constant 0 : i32
    %dma_start3A_204 = arith.constant 0 : i32
    %dma_start3A_205 = tpu.memref_slice %arg3[%dma_start3A_203, %dma_start3A_204] : memref<100000x64xf32, #tpu.memory_space<hbm>> -> memref<100000x64xf32, #tpu.memory_space<hbm>>
    tpu.enqueue_indirect_dma source(%dma_start3A_205 : memref<100000x64xf32, #tpu.memory_space<hbm>>) target(%dma_start3A_199 : memref<50x64xf32, #tpu.memory_space<vmem>>) offsets(%dma_start3A_202 : memref<50xi32, #tpu.memory_space<vmem>>) semaphore(%arg8 : memref<!tpu.dma_semaphore, #tpu.memory_space<semaphore_mem>>)
    %dma_start3A_206 = arith.constant 17 : i32
    %dma_start3A_207 = arith.constant 17 : i32
    %dma_start3A_208 = arith.constant 0 : i32
    %dma_start3A_209 = arith.constant 0 : i32
    %dma_start3A_210 = tpu.memref_slice %arg6[%dma_start3A_207, %dma_start3A_208, %dma_start3A_209] : memref<32x50x64xf32, #tpu.memory_space<vmem>> -> memref<1x50x64xf32, #tpu.memory_space<vmem>>
    %dma_start3A_211 = tpu.memref_squeeze %dma_start3A_210 : memref<1x50x64xf32, #tpu.memory_space<vmem>> -> memref<50x64xf32, #tpu.memory_space<vmem>>
    %dma_start3A_212 = arith.constant 0 : i32
    %dma_start3A_213 = tpu.memref_slice %arg5[%dma_start3A_206, %dma_start3A_212] : memref<32x50xi32, #tpu.memory_space<vmem>> -> memref<1x50xi32, #tpu.memory_space<vmem>>
    %dma_start3A_214 = tpu.memref_squeeze %dma_start3A_213 : memref<1x50xi32, #tpu.memory_space<vmem>> -> memref<50xi32, #tpu.memory_space<vmem>>
    %dma_start3A_215 = arith.constant 0 : i32
    %dma_start3A_216 = arith.constant 0 : i32
    %dma_start3A_217 = tpu.memref_slice %arg3[%dma_start3A_215, %dma_start3A_216] : memref<100000x64xf32, #tpu.memory_space<hbm>> -> memref<100000x64xf32, #tpu.memory_space<hbm>>
    tpu.enqueue_indirect_dma source(%dma_start3A_217 : memref<100000x64xf32, #tpu.memory_space<hbm>>) target(%dma_start3A_211 : memref<50x64xf32, #tpu.memory_space<vmem>>) offsets(%dma_start3A_214 : memref<50xi32, #tpu.memory_space<vmem>>) semaphore(%arg8 : memref<!tpu.dma_semaphore, #tpu.memory_space<semaphore_mem>>)
    %dma_start3A_218 = arith.constant 18 : i32
    %dma_start3A_219 = arith.constant 18 : i32
    %dma_start3A_220 = arith.constant 0 : i32
    %dma_start3A_221 = arith.constant 0 : i32
    %dma_start3A_222 = tpu.memref_slice %arg6[%dma_start3A_219, %dma_start3A_220, %dma_start3A_221] : memref<32x50x64xf32, #tpu.memory_space<vmem>> -> memref<1x50x64xf32, #tpu.memory_space<vmem>>
    %dma_start3A_223 = tpu.memref_squeeze %dma_start3A_222 : memref<1x50x64xf32, #tpu.memory_space<vmem>> -> memref<50x64xf32, #tpu.memory_space<vmem>>
    %dma_start3A_224 = arith.constant 0 : i32
    %dma_start3A_225 = tpu.memref_slice %arg5[%dma_start3A_218, %dma_start3A_224] : memref<32x50xi32, #tpu.memory_space<vmem>> -> memref<1x50xi32, #tpu.memory_space<vmem>>
    %dma_start3A_226 = tpu.memref_squeeze %dma_start3A_225 : memref<1x50xi32, #tpu.memory_space<vmem>> -> memref<50xi32, #tpu.memory_space<vmem>>
    %dma_start3A_227 = arith.constant 0 : i32
    %dma_start3A_228 = arith.constant 0 : i32
    %dma_start3A_229 = tpu.memref_slice %arg3[%dma_start3A_227, %dma_start3A_228] : memref<100000x64xf32, #tpu.memory_space<hbm>> -> memref<100000x64xf32, #tpu.memory_space<hbm>>
    tpu.enqueue_indirect_dma source(%dma_start3A_229 : memref<100000x64xf32, #tpu.memory_space<hbm>>) target(%dma_start3A_223 : memref<50x64xf32, #tpu.memory_space<vmem>>) offsets(%dma_start3A_226 : memref<50xi32, #tpu.memory_space<vmem>>) semaphore(%arg8 : memref<!tpu.dma_semaphore, #tpu.memory_space<semaphore_mem>>)
    %dma_start3A_230 = arith.constant 19 : i32
    %dma_start3A_231 = arith.constant 19 : i32
    %dma_start3A_232 = arith.constant 0 : i32
    %dma_start3A_233 = arith.constant 0 : i32
    %dma_start3A_234 = tpu.memref_slice %arg6[%dma_start3A_231, %dma_start3A_232, %dma_start3A_233] : memref<32x50x64xf32, #tpu.memory_space<vmem>> -> memref<1x50x64xf32, #tpu.memory_space<vmem>>
    %dma_start3A_235 = tpu.memref_squeeze %dma_start3A_234 : memref<1x50x64xf32, #tpu.memory_space<vmem>> -> memref<50x64xf32, #tpu.memory_space<vmem>>
    %dma_start3A_236 = arith.constant 0 : i32
    %dma_start3A_237 = tpu.memref_slice %arg5[%dma_start3A_230, %dma_start3A_236] : memref<32x50xi32, #tpu.memory_space<vmem>> -> memref<1x50xi32, #tpu.memory_space<vmem>>
    %dma_start3A_238 = tpu.memref_squeeze %dma_start3A_237 : memref<1x50xi32, #tpu.memory_space<vmem>> -> memref<50xi32, #tpu.memory_space<vmem>>
    %dma_start3A_239 = arith.constant 0 : i32
    %dma_start3A_240 = arith.constant 0 : i32
    %dma_start3A_241 = tpu.memref_slice %arg3[%dma_start3A_239, %dma_start3A_240] : memref<100000x64xf32, #tpu.memory_space<hbm>> -> memref<100000x64xf32, #tpu.memory_space<hbm>>
    tpu.enqueue_indirect_dma source(%dma_start3A_241 : memref<100000x64xf32, #tpu.memory_space<hbm>>) target(%dma_start3A_235 : memref<50x64xf32, #tpu.memory_space<vmem>>) offsets(%dma_start3A_238 : memref<50xi32, #tpu.memory_space<vmem>>) semaphore(%arg8 : memref<!tpu.dma_semaphore, #tpu.memory_space<semaphore_mem>>)
    %dma_start3A_242 = arith.constant 20 : i32
    %dma_start3A_243 = arith.constant 20 : i32
    %dma_start3A_244 = arith.constant 0 : i32
    %dma_start3A_245 = arith.constant 0 : i32
    %dma_start3A_246 = tpu.memref_slice %arg6[%dma_start3A_243, %dma_start3A_244, %dma_start3A_245] : memref<32x50x64xf32, #tpu.memory_space<vmem>> -> memref<1x50x64xf32, #tpu.memory_space<vmem>>
    %dma_start3A_247 = tpu.memref_squeeze %dma_start3A_246 : memref<1x50x64xf32, #tpu.memory_space<vmem>> -> memref<50x64xf32, #tpu.memory_space<vmem>>
    %dma_start3A_248 = arith.constant 0 : i32
    %dma_start3A_249 = tpu.memref_slice %arg5[%dma_start3A_242, %dma_start3A_248] : memref<32x50xi32, #tpu.memory_space<vmem>> -> memref<1x50xi32, #tpu.memory_space<vmem>>
    %dma_start3A_250 = tpu.memref_squeeze %dma_start3A_249 : memref<1x50xi32, #tpu.memory_space<vmem>> -> memref<50xi32, #tpu.memory_space<vmem>>
    %dma_start3A_251 = arith.constant 0 : i32
    %dma_start3A_252 = arith.constant 0 : i32
    %dma_start3A_253 = tpu.memref_slice %arg3[%dma_start3A_251, %dma_start3A_252] : memref<100000x64xf32, #tpu.memory_space<hbm>> -> memref<100000x64xf32, #tpu.memory_space<hbm>>
    tpu.enqueue_indirect_dma source(%dma_start3A_253 : memref<100000x64xf32, #tpu.memory_space<hbm>>) target(%dma_start3A_247 : memref<50x64xf32, #tpu.memory_space<vmem>>) offsets(%dma_start3A_250 : memref<50xi32, #tpu.memory_space<vmem>>) semaphore(%arg8 : memref<!tpu.dma_semaphore, #tpu.memory_space<semaphore_mem>>)
    %dma_start3A_254 = arith.constant 21 : i32
    %dma_start3A_255 = arith.constant 21 : i32
    %dma_start3A_256 = arith.constant 0 : i32
    %dma_start3A_257 = arith.constant 0 : i32
    %dma_start3A_258 = tpu.memref_slice %arg6[%dma_start3A_255, %dma_start3A_256, %dma_start3A_257] : memref<32x50x64xf32, #tpu.memory_space<vmem>> -> memref<1x50x64xf32, #tpu.memory_space<vmem>>
    %dma_start3A_259 = tpu.memref_squeeze %dma_start3A_258 : memref<1x50x64xf32, #tpu.memory_space<vmem>> -> memref<50x64xf32, #tpu.memory_space<vmem>>
    %dma_start3A_260 = arith.constant 0 : i32
    %dma_start3A_261 = tpu.memref_slice %arg5[%dma_start3A_254, %dma_start3A_260] : memref<32x50xi32, #tpu.memory_space<vmem>> -> memref<1x50xi32, #tpu.memory_space<vmem>>
    %dma_start3A_262 = tpu.memref_squeeze %dma_start3A_261 : memref<1x50xi32, #tpu.memory_space<vmem>> -> memref<50xi32, #tpu.memory_space<vmem>>
    %dma_start3A_263 = arith.constant 0 : i32
    %dma_start3A_264 = arith.constant 0 : i32
    %dma_start3A_265 = tpu.memref_slice %arg3[%dma_start3A_263, %dma_start3A_264] : memref<100000x64xf32, #tpu.memory_space<hbm>> -> memref<100000x64xf32, #tpu.memory_space<hbm>>
    tpu.enqueue_indirect_dma source(%dma_start3A_265 : memref<100000x64xf32, #tpu.memory_space<hbm>>) target(%dma_start3A_259 : memref<50x64xf32, #tpu.memory_space<vmem>>) offsets(%dma_start3A_262 : memref<50xi32, #tpu.memory_space<vmem>>) semaphore(%arg8 : memref<!tpu.dma_semaphore, #tpu.memory_space<semaphore_mem>>)
    %dma_start3A_266 = arith.constant 22 : i32
    %dma_start3A_267 = arith.constant 22 : i32
    %dma_start3A_268 = arith.constant 0 : i32
    %dma_start3A_269 = arith.constant 0 : i32
    %dma_start3A_270 = tpu.memref_slice %arg6[%dma_start3A_267, %dma_start3A_268, %dma_start3A_269] : memref<32x50x64xf32, #tpu.memory_space<vmem>> -> memref<1x50x64xf32, #tpu.memory_space<vmem>>
    %dma_start3A_271 = tpu.memref_squeeze %dma_start3A_270 : memref<1x50x64xf32, #tpu.memory_space<vmem>> -> memref<50x64xf32, #tpu.memory_space<vmem>>
    %dma_start3A_272 = arith.constant 0 : i32
    %dma_start3A_273 = tpu.memref_slice %arg5[%dma_start3A_266, %dma_start3A_272] : memref<32x50xi32, #tpu.memory_space<vmem>> -> memref<1x50xi32, #tpu.memory_space<vmem>>
    %dma_start3A_274 = tpu.memref_squeeze %dma_start3A_273 : memref<1x50xi32, #tpu.memory_space<vmem>> -> memref<50xi32, #tpu.memory_space<vmem>>
    %dma_start3A_275 = arith.constant 0 : i32
    %dma_start3A_276 = arith.constant 0 : i32
    %dma_start3A_277 = tpu.memref_slice %arg3[%dma_start3A_275, %dma_start3A_276] : memref<100000x64xf32, #tpu.memory_space<hbm>> -> memref<100000x64xf32, #tpu.memory_space<hbm>>
    tpu.enqueue_indirect_dma source(%dma_start3A_277 : memref<100000x64xf32, #tpu.memory_space<hbm>>) target(%dma_start3A_271 : memref<50x64xf32, #tpu.memory_space<vmem>>) offsets(%dma_start3A_274 : memref<50xi32, #tpu.memory_space<vmem>>) semaphore(%arg8 : memref<!tpu.dma_semaphore, #tpu.memory_space<semaphore_mem>>)
    %dma_start3A_278 = arith.constant 23 : i32
    %dma_start3A_279 = arith.constant 23 : i32
    %dma_start3A_280 = arith.constant 0 : i32
    %dma_start3A_281 = arith.constant 0 : i32
    %dma_start3A_282 = tpu.memref_slice %arg6[%dma_start3A_279, %dma_start3A_280, %dma_start3A_281] : memref<32x50x64xf32, #tpu.memory_space<vmem>> -> memref<1x50x64xf32, #tpu.memory_space<vmem>>
    %dma_start3A_283 = tpu.memref_squeeze %dma_start3A_282 : memref<1x50x64xf32, #tpu.memory_space<vmem>> -> memref<50x64xf32, #tpu.memory_space<vmem>>
    %dma_start3A_284 = arith.constant 0 : i32
    %dma_start3A_285 = tpu.memref_slice %arg5[%dma_start3A_278, %dma_start3A_284] : memref<32x50xi32, #tpu.memory_space<vmem>> -> memref<1x50xi32, #tpu.memory_space<vmem>>
    %dma_start3A_286 = tpu.memref_squeeze %dma_start3A_285 : memref<1x50xi32, #tpu.memory_space<vmem>> -> memref<50xi32, #tpu.memory_space<vmem>>
    %dma_start3A_287 = arith.constant 0 : i32
    %dma_start3A_288 = arith.constant 0 : i32
    %dma_start3A_289 = tpu.memref_slice %arg3[%dma_start3A_287, %dma_start3A_288] : memref<100000x64xf32, #tpu.memory_space<hbm>> -> memref<100000x64xf32, #tpu.memory_space<hbm>>
    tpu.enqueue_indirect_dma source(%dma_start3A_289 : memref<100000x64xf32, #tpu.memory_space<hbm>>) target(%dma_start3A_283 : memref<50x64xf32, #tpu.memory_space<vmem>>) offsets(%dma_start3A_286 : memref<50xi32, #tpu.memory_space<vmem>>) semaphore(%arg8 : memref<!tpu.dma_semaphore, #tpu.memory_space<semaphore_mem>>)
    %dma_start3A_290 = arith.constant 24 : i32
    %dma_start3A_291 = arith.constant 24 : i32
    %dma_start3A_292 = arith.constant 0 : i32
    %dma_start3A_293 = arith.constant 0 : i32
    %dma_start3A_294 = tpu.memref_slice %arg6[%dma_start3A_291, %dma_start3A_292, %dma_start3A_293] : memref<32x50x64xf32, #tpu.memory_space<vmem>> -> memref<1x50x64xf32, #tpu.memory_space<vmem>>
    %dma_start3A_295 = tpu.memref_squeeze %dma_start3A_294 : memref<1x50x64xf32, #tpu.memory_space<vmem>> -> memref<50x64xf32, #tpu.memory_space<vmem>>
    %dma_start3A_296 = arith.constant 0 : i32
    %dma_start3A_297 = tpu.memref_slice %arg5[%dma_start3A_290, %dma_start3A_296] : memref<32x50xi32, #tpu.memory_space<vmem>> -> memref<1x50xi32, #tpu.memory_space<vmem>>
    %dma_start3A_298 = tpu.memref_squeeze %dma_start3A_297 : memref<1x50xi32, #tpu.memory_space<vmem>> -> memref<50xi32, #tpu.memory_space<vmem>>
    %dma_start3A_299 = arith.constant 0 : i32
    %dma_start3A_300 = arith.constant 0 : i32
    %dma_start3A_301 = tpu.memref_slice %arg3[%dma_start3A_299, %dma_start3A_300] : memref<100000x64xf32, #tpu.memory_space<hbm>> -> memref<100000x64xf32, #tpu.memory_space<hbm>>
    tpu.enqueue_indirect_dma source(%dma_start3A_301 : memref<100000x64xf32, #tpu.memory_space<hbm>>) target(%dma_start3A_295 : memref<50x64xf32, #tpu.memory_space<vmem>>) offsets(%dma_start3A_298 : memref<50xi32, #tpu.memory_space<vmem>>) semaphore(%arg8 : memref<!tpu.dma_semaphore, #tpu.memory_space<semaphore_mem>>)
    %dma_start3A_302 = arith.constant 25 : i32
    %dma_start3A_303 = arith.constant 25 : i32
    %dma_start3A_304 = arith.constant 0 : i32
    %dma_start3A_305 = arith.constant 0 : i32
    %dma_start3A_306 = tpu.memref_slice %arg6[%dma_start3A_303, %dma_start3A_304, %dma_start3A_305] : memref<32x50x64xf32, #tpu.memory_space<vmem>> -> memref<1x50x64xf32, #tpu.memory_space<vmem>>
    %dma_start3A_307 = tpu.memref_squeeze %dma_start3A_306 : memref<1x50x64xf32, #tpu.memory_space<vmem>> -> memref<50x64xf32, #tpu.memory_space<vmem>>
    %dma_start3A_308 = arith.constant 0 : i32
    %dma_start3A_309 = tpu.memref_slice %arg5[%dma_start3A_302, %dma_start3A_308] : memref<32x50xi32, #tpu.memory_space<vmem>> -> memref<1x50xi32, #tpu.memory_space<vmem>>
    %dma_start3A_310 = tpu.memref_squeeze %dma_start3A_309 : memref<1x50xi32, #tpu.memory_space<vmem>> -> memref<50xi32, #tpu.memory_space<vmem>>
    %dma_start3A_311 = arith.constant 0 : i32
    %dma_start3A_312 = arith.constant 0 : i32
    %dma_start3A_313 = tpu.memref_slice %arg3[%dma_start3A_311, %dma_start3A_312] : memref<100000x64xf32, #tpu.memory_space<hbm>> -> memref<100000x64xf32, #tpu.memory_space<hbm>>
    tpu.enqueue_indirect_dma source(%dma_start3A_313 : memref<100000x64xf32, #tpu.memory_space<hbm>>) target(%dma_start3A_307 : memref<50x64xf32, #tpu.memory_space<vmem>>) offsets(%dma_start3A_310 : memref<50xi32, #tpu.memory_space<vmem>>) semaphore(%arg8 : memref<!tpu.dma_semaphore, #tpu.memory_space<semaphore_mem>>)
    %dma_start3A_314 = arith.constant 26 : i32
    %dma_start3A_315 = arith.constant 26 : i32
    %dma_start3A_316 = arith.constant 0 : i32
    %dma_start3A_317 = arith.constant 0 : i32
    %dma_start3A_318 = tpu.memref_slice %arg6[%dma_start3A_315, %dma_start3A_316, %dma_start3A_317] : memref<32x50x64xf32, #tpu.memory_space<vmem>> -> memref<1x50x64xf32, #tpu.memory_space<vmem>>
    %dma_start3A_319 = tpu.memref_squeeze %dma_start3A_318 : memref<1x50x64xf32, #tpu.memory_space<vmem>> -> memref<50x64xf32, #tpu.memory_space<vmem>>
    %dma_start3A_320 = arith.constant 0 : i32
    %dma_start3A_321 = tpu.memref_slice %arg5[%dma_start3A_314, %dma_start3A_320] : memref<32x50xi32, #tpu.memory_space<vmem>> -> memref<1x50xi32, #tpu.memory_space<vmem>>
    %dma_start3A_322 = tpu.memref_squeeze %dma_start3A_321 : memref<1x50xi32, #tpu.memory_space<vmem>> -> memref<50xi32, #tpu.memory_space<vmem>>
    %dma_start3A_323 = arith.constant 0 : i32
    %dma_start3A_324 = arith.constant 0 : i32
    %dma_start3A_325 = tpu.memref_slice %arg3[%dma_start3A_323, %dma_start3A_324] : memref<100000x64xf32, #tpu.memory_space<hbm>> -> memref<100000x64xf32, #tpu.memory_space<hbm>>
    tpu.enqueue_indirect_dma source(%dma_start3A_325 : memref<100000x64xf32, #tpu.memory_space<hbm>>) target(%dma_start3A_319 : memref<50x64xf32, #tpu.memory_space<vmem>>) offsets(%dma_start3A_322 : memref<50xi32, #tpu.memory_space<vmem>>) semaphore(%arg8 : memref<!tpu.dma_semaphore, #tpu.memory_space<semaphore_mem>>)
    %dma_start3A_326 = arith.constant 27 : i32
    %dma_start3A_327 = arith.constant 27 : i32
    %dma_start3A_328 = arith.constant 0 : i32
    %dma_start3A_329 = arith.constant 0 : i32
    %dma_start3A_330 = tpu.memref_slice %arg6[%dma_start3A_327, %dma_start3A_328, %dma_start3A_329] : memref<32x50x64xf32, #tpu.memory_space<vmem>> -> memref<1x50x64xf32, #tpu.memory_space<vmem>>
    %dma_start3A_331 = tpu.memref_squeeze %dma_start3A_330 : memref<1x50x64xf32, #tpu.memory_space<vmem>> -> memref<50x64xf32, #tpu.memory_space<vmem>>
    %dma_start3A_332 = arith.constant 0 : i32
    %dma_start3A_333 = tpu.memref_slice %arg5[%dma_start3A_326, %dma_start3A_332] : memref<32x50xi32, #tpu.memory_space<vmem>> -> memref<1x50xi32, #tpu.memory_space<vmem>>
    %dma_start3A_334 = tpu.memref_squeeze %dma_start3A_333 : memref<1x50xi32, #tpu.memory_space<vmem>> -> memref<50xi32, #tpu.memory_space<vmem>>
    %dma_start3A_335 = arith.constant 0 : i32
    %dma_start3A_336 = arith.constant 0 : i32
    %dma_start3A_337 = tpu.memref_slice %arg3[%dma_start3A_335, %dma_start3A_336] : memref<100000x64xf32, #tpu.memory_space<hbm>> -> memref<100000x64xf32, #tpu.memory_space<hbm>>
    tpu.enqueue_indirect_dma source(%dma_start3A_337 : memref<100000x64xf32, #tpu.memory_space<hbm>>) target(%dma_start3A_331 : memref<50x64xf32, #tpu.memory_space<vmem>>) offsets(%dma_start3A_334 : memref<50xi32, #tpu.memory_space<vmem>>) semaphore(%arg8 : memref<!tpu.dma_semaphore, #tpu.memory_space<semaphore_mem>>)
    %dma_start3A_338 = arith.constant 28 : i32
    %dma_start3A_339 = arith.constant 28 : i32
    %dma_start3A_340 = arith.constant 0 : i32
    %dma_start3A_341 = arith.constant 0 : i32
    %dma_start3A_342 = tpu.memref_slice %arg6[%dma_start3A_339, %dma_start3A_340, %dma_start3A_341] : memref<32x50x64xf32, #tpu.memory_space<vmem>> -> memref<1x50x64xf32, #tpu.memory_space<vmem>>
    %dma_start3A_343 = tpu.memref_squeeze %dma_start3A_342 : memref<1x50x64xf32, #tpu.memory_space<vmem>> -> memref<50x64xf32, #tpu.memory_space<vmem>>
    %dma_start3A_344 = arith.constant 0 : i32
    %dma_start3A_345 = tpu.memref_slice %arg5[%dma_start3A_338, %dma_start3A_344] : memref<32x50xi32, #tpu.memory_space<vmem>> -> memref<1x50xi32, #tpu.memory_space<vmem>>
    %dma_start3A_346 = tpu.memref_squeeze %dma_start3A_345 : memref<1x50xi32, #tpu.memory_space<vmem>> -> memref<50xi32, #tpu.memory_space<vmem>>
    %dma_start3A_347 = arith.constant 0 : i32
    %dma_start3A_348 = arith.constant 0 : i32
    %dma_start3A_349 = tpu.memref_slice %arg3[%dma_start3A_347, %dma_start3A_348] : memref<100000x64xf32, #tpu.memory_space<hbm>> -> memref<100000x64xf32, #tpu.memory_space<hbm>>
    tpu.enqueue_indirect_dma source(%dma_start3A_349 : memref<100000x64xf32, #tpu.memory_space<hbm>>) target(%dma_start3A_343 : memref<50x64xf32, #tpu.memory_space<vmem>>) offsets(%dma_start3A_346 : memref<50xi32, #tpu.memory_space<vmem>>) semaphore(%arg8 : memref<!tpu.dma_semaphore, #tpu.memory_space<semaphore_mem>>)
    %dma_start3A_350 = arith.constant 29 : i32
    %dma_start3A_351 = arith.constant 29 : i32
    %dma_start3A_352 = arith.constant 0 : i32
    %dma_start3A_353 = arith.constant 0 : i32
    %dma_start3A_354 = tpu.memref_slice %arg6[%dma_start3A_351, %dma_start3A_352, %dma_start3A_353] : memref<32x50x64xf32, #tpu.memory_space<vmem>> -> memref<1x50x64xf32, #tpu.memory_space<vmem>>
    %dma_start3A_355 = tpu.memref_squeeze %dma_start3A_354 : memref<1x50x64xf32, #tpu.memory_space<vmem>> -> memref<50x64xf32, #tpu.memory_space<vmem>>
    %dma_start3A_356 = arith.constant 0 : i32
    %dma_start3A_357 = tpu.memref_slice %arg5[%dma_start3A_350, %dma_start3A_356] : memref<32x50xi32, #tpu.memory_space<vmem>> -> memref<1x50xi32, #tpu.memory_space<vmem>>
    %dma_start3A_358 = tpu.memref_squeeze %dma_start3A_357 : memref<1x50xi32, #tpu.memory_space<vmem>> -> memref<50xi32, #tpu.memory_space<vmem>>
    %dma_start3A_359 = arith.constant 0 : i32
    %dma_start3A_360 = arith.constant 0 : i32
    %dma_start3A_361 = tpu.memref_slice %arg3[%dma_start3A_359, %dma_start3A_360] : memref<100000x64xf32, #tpu.memory_space<hbm>> -> memref<100000x64xf32, #tpu.memory_space<hbm>>
    tpu.enqueue_indirect_dma source(%dma_start3A_361 : memref<100000x64xf32, #tpu.memory_space<hbm>>) target(%dma_start3A_355 : memref<50x64xf32, #tpu.memory_space<vmem>>) offsets(%dma_start3A_358 : memref<50xi32, #tpu.memory_space<vmem>>) semaphore(%arg8 : memref<!tpu.dma_semaphore, #tpu.memory_space<semaphore_mem>>)
    %dma_start3A_362 = arith.constant 30 : i32
    %dma_start3A_363 = arith.constant 30 : i32
    %dma_start3A_364 = arith.constant 0 : i32
    %dma_start3A_365 = arith.constant 0 : i32
    %dma_start3A_366 = tpu.memref_slice %arg6[%dma_start3A_363, %dma_start3A_364, %dma_start3A_365] : memref<32x50x64xf32, #tpu.memory_space<vmem>> -> memref<1x50x64xf32, #tpu.memory_space<vmem>>
    %dma_start3A_367 = tpu.memref_squeeze %dma_start3A_366 : memref<1x50x64xf32, #tpu.memory_space<vmem>> -> memref<50x64xf32, #tpu.memory_space<vmem>>
    %dma_start3A_368 = arith.constant 0 : i32
    %dma_start3A_369 = tpu.memref_slice %arg5[%dma_start3A_362, %dma_start3A_368] : memref<32x50xi32, #tpu.memory_space<vmem>> -> memref<1x50xi32, #tpu.memory_space<vmem>>
    %dma_start3A_370 = tpu.memref_squeeze %dma_start3A_369 : memref<1x50xi32, #tpu.memory_space<vmem>> -> memref<50xi32, #tpu.memory_space<vmem>>
    %dma_start3A_371 = arith.constant 0 : i32
    %dma_start3A_372 = arith.constant 0 : i32
    %dma_start3A_373 = tpu.memref_slice %arg3[%dma_start3A_371, %dma_start3A_372] : memref<100000x64xf32, #tpu.memory_space<hbm>> -> memref<100000x64xf32, #tpu.memory_space<hbm>>
    tpu.enqueue_indirect_dma source(%dma_start3A_373 : memref<100000x64xf32, #tpu.memory_space<hbm>>) target(%dma_start3A_367 : memref<50x64xf32, #tpu.memory_space<vmem>>) offsets(%dma_start3A_370 : memref<50xi32, #tpu.memory_space<vmem>>) semaphore(%arg8 : memref<!tpu.dma_semaphore, #tpu.memory_space<semaphore_mem>>)
    %dma_start3A_374 = arith.constant 31 : i32
    %dma_start3A_375 = arith.constant 31 : i32
    %dma_start3A_376 = arith.constant 0 : i32
    %dma_start3A_377 = arith.constant 0 : i32
    %dma_start3A_378 = tpu.memref_slice %arg6[%dma_start3A_375, %dma_start3A_376, %dma_start3A_377] : memref<32x50x64xf32, #tpu.memory_space<vmem>> -> memref<1x50x64xf32, #tpu.memory_space<vmem>>
    %dma_start3A_379 = tpu.memref_squeeze %dma_start3A_378 : memref<1x50x64xf32, #tpu.memory_space<vmem>> -> memref<50x64xf32, #tpu.memory_space<vmem>>
    %dma_start3A_380 = arith.constant 0 : i32
    %dma_start3A_381 = tpu.memref_slice %arg5[%dma_start3A_374, %dma_start3A_380] : memref<32x50xi32, #tpu.memory_space<vmem>> -> memref<1x50xi32, #tpu.memory_space<vmem>>
    %dma_start3A_382 = tpu.memref_squeeze %dma_start3A_381 : memref<1x50xi32, #tpu.memory_space<vmem>> -> memref<50xi32, #tpu.memory_space<vmem>>
    %dma_start3A_383 = arith.constant 0 : i32
    %dma_start3A_384 = arith.constant 0 : i32
    %dma_start3A_385 = tpu.memref_slice %arg3[%dma_start3A_383, %dma_start3A_384] : memref<100000x64xf32, #tpu.memory_space<hbm>> -> memref<100000x64xf32, #tpu.memory_space<hbm>>
    tpu.enqueue_indirect_dma source(%dma_start3A_385 : memref<100000x64xf32, #tpu.memory_space<hbm>>) target(%dma_start3A_379 : memref<50x64xf32, #tpu.memory_space<vmem>>) offsets(%dma_start3A_382 : memref<50xi32, #tpu.memory_space<vmem>>) semaphore(%arg8 : memref<!tpu.dma_semaphore, #tpu.memory_space<semaphore_mem>>)
    %dma_wait3A = arith.constant 0 : i32
    %dma_wait3A_386 = arith.constant 0 : i32
    %dma_wait3A_387 = arith.constant 0 : i32
    %dma_wait3A_388 = arith.constant 0 : i32
    %dma_wait3A_389 = tpu.memref_slice %arg6[%dma_wait3A_386, %dma_wait3A_387, %dma_wait3A_388] : memref<32x50x64xf32, #tpu.memory_space<vmem>> -> memref<1x50x64xf32, #tpu.memory_space<vmem>>
    %dma_wait3A_390 = tpu.memref_squeeze %dma_wait3A_389 : memref<1x50x64xf32, #tpu.memory_space<vmem>> -> memref<50x64xf32, #tpu.memory_space<vmem>>
    %dma_wait3A_391 = arith.constant 0 : i32
    %dma_wait3A_392 = tpu.memref_slice %arg5[%dma_wait3A, %dma_wait3A_391] : memref<32x50xi32, #tpu.memory_space<vmem>> -> memref<1x50xi32, #tpu.memory_space<vmem>>
    %dma_wait3A_393 = tpu.memref_squeeze %dma_wait3A_392 : memref<1x50xi32, #tpu.memory_space<vmem>> -> memref<50xi32, #tpu.memory_space<vmem>>
    %dma_wait3A_394 = arith.constant 0 : i32
    %dma_wait3A_395 = arith.constant 0 : i32
    %dma_wait3A_396 = tpu.memref_slice %arg3[%dma_wait3A_394, %dma_wait3A_395] : memref<100000x64xf32, #tpu.memory_space<hbm>> -> memref<100000x64xf32, #tpu.memory_space<hbm>>
    tpu.wait_indirect_dma semaphore(%arg8 : memref<!tpu.dma_semaphore, #tpu.memory_space<semaphore_mem>>) src(%dma_wait3A_396 : memref<100000x64xf32, #tpu.memory_space<hbm>>) dst(%dma_wait3A_390 : memref<50x64xf32, #tpu.memory_space<vmem>>)
    %dma_wait3A_397 = arith.constant 1 : i32
    %dma_wait3A_398 = arith.constant 1 : i32
    %dma_wait3A_399 = arith.constant 0 : i32
    %dma_wait3A_400 = arith.constant 0 : i32
    %dma_wait3A_401 = tpu.memref_slice %arg6[%dma_wait3A_398, %dma_wait3A_399, %dma_wait3A_400] : memref<32x50x64xf32, #tpu.memory_space<vmem>> -> memref<1x50x64xf32, #tpu.memory_space<vmem>>
    %dma_wait3A_402 = tpu.memref_squeeze %dma_wait3A_401 : memref<1x50x64xf32, #tpu.memory_space<vmem>> -> memref<50x64xf32, #tpu.memory_space<vmem>>
    %dma_wait3A_403 = arith.constant 0 : i32
    %dma_wait3A_404 = tpu.memref_slice %arg5[%dma_wait3A_397, %dma_wait3A_403] : memref<32x50xi32, #tpu.memory_space<vmem>> -> memref<1x50xi32, #tpu.memory_space<vmem>>
    %dma_wait3A_405 = tpu.memref_squeeze %dma_wait3A_404 : memref<1x50xi32, #tpu.memory_space<vmem>> -> memref<50xi32, #tpu.memory_space<vmem>>
    %dma_wait3A_406 = arith.constant 0 : i32
    %dma_wait3A_407 = arith.constant 0 : i32
    %dma_wait3A_408 = tpu.memref_slice %arg3[%dma_wait3A_406, %dma_wait3A_407] : memref<100000x64xf32, #tpu.memory_space<hbm>> -> memref<100000x64xf32, #tpu.memory_space<hbm>>
    tpu.wait_indirect_dma semaphore(%arg8 : memref<!tpu.dma_semaphore, #tpu.memory_space<semaphore_mem>>) src(%dma_wait3A_408 : memref<100000x64xf32, #tpu.memory_space<hbm>>) dst(%dma_wait3A_402 : memref<50x64xf32, #tpu.memory_space<vmem>>)
    %dma_wait3A_409 = arith.constant 2 : i32
    %dma_wait3A_410 = arith.constant 2 : i32
    %dma_wait3A_411 = arith.constant 0 : i32
    %dma_wait3A_412 = arith.constant 0 : i32
    %dma_wait3A_413 = tpu.memref_slice %arg6[%dma_wait3A_410, %dma_wait3A_411, %dma_wait3A_412] : memref<32x50x64xf32, #tpu.memory_space<vmem>> -> memref<1x50x64xf32, #tpu.memory_space<vmem>>
    %dma_wait3A_414 = tpu.memref_squeeze %dma_wait3A_413 : memref<1x50x64xf32, #tpu.memory_space<vmem>> -> memref<50x64xf32, #tpu.memory_space<vmem>>
    %dma_wait3A_415 = arith.constant 0 : i32
    %dma_wait3A_416 = tpu.memref_slice %arg5[%dma_wait3A_409, %dma_wait3A_415] : memref<32x50xi32, #tpu.memory_space<vmem>> -> memref<1x50xi32, #tpu.memory_space<vmem>>
    %dma_wait3A_417 = tpu.memref_squeeze %dma_wait3A_416 : memref<1x50xi32, #tpu.memory_space<vmem>> -> memref<50xi32, #tpu.memory_space<vmem>>
    %dma_wait3A_418 = arith.constant 0 : i32
    %dma_wait3A_419 = arith.constant 0 : i32
    %dma_wait3A_420 = tpu.memref_slice %arg3[%dma_wait3A_418, %dma_wait3A_419] : memref<100000x64xf32, #tpu.memory_space<hbm>> -> memref<100000x64xf32, #tpu.memory_space<hbm>>
    tpu.wait_indirect_dma semaphore(%arg8 : memref<!tpu.dma_semaphore, #tpu.memory_space<semaphore_mem>>) src(%dma_wait3A_420 : memref<100000x64xf32, #tpu.memory_space<hbm>>) dst(%dma_wait3A_414 : memref<50x64xf32, #tpu.memory_space<vmem>>)
    %dma_wait3A_421 = arith.constant 3 : i32
    %dma_wait3A_422 = arith.constant 3 : i32
    %dma_wait3A_423 = arith.constant 0 : i32
    %dma_wait3A_424 = arith.constant 0 : i32
    %dma_wait3A_425 = tpu.memref_slice %arg6[%dma_wait3A_422, %dma_wait3A_423, %dma_wait3A_424] : memref<32x50x64xf32, #tpu.memory_space<vmem>> -> memref<1x50x64xf32, #tpu.memory_space<vmem>>
    %dma_wait3A_426 = tpu.memref_squeeze %dma_wait3A_425 : memref<1x50x64xf32, #tpu.memory_space<vmem>> -> memref<50x64xf32, #tpu.memory_space<vmem>>
    %dma_wait3A_427 = arith.constant 0 : i32
    %dma_wait3A_428 = tpu.memref_slice %arg5[%dma_wait3A_421, %dma_wait3A_427] : memref<32x50xi32, #tpu.memory_space<vmem>> -> memref<1x50xi32, #tpu.memory_space<vmem>>
    %dma_wait3A_429 = tpu.memref_squeeze %dma_wait3A_428 : memref<1x50xi32, #tpu.memory_space<vmem>> -> memref<50xi32, #tpu.memory_space<vmem>>
    %dma_wait3A_430 = arith.constant 0 : i32
    %dma_wait3A_431 = arith.constant 0 : i32
    %dma_wait3A_432 = tpu.memref_slice %arg3[%dma_wait3A_430, %dma_wait3A_431] : memref<100000x64xf32, #tpu.memory_space<hbm>> -> memref<100000x64xf32, #tpu.memory_space<hbm>>
    tpu.wait_indirect_dma semaphore(%arg8 : memref<!tpu.dma_semaphore, #tpu.memory_space<semaphore_mem>>) src(%dma_wait3A_432 : memref<100000x64xf32, #tpu.memory_space<hbm>>) dst(%dma_wait3A_426 : memref<50x64xf32, #tpu.memory_space<vmem>>)
    %dma_wait3A_433 = arith.constant 4 : i32
    %dma_wait3A_434 = arith.constant 4 : i32
    %dma_wait3A_435 = arith.constant 0 : i32
    %dma_wait3A_436 = arith.constant 0 : i32
    %dma_wait3A_437 = tpu.memref_slice %arg6[%dma_wait3A_434, %dma_wait3A_435, %dma_wait3A_436] : memref<32x50x64xf32, #tpu.memory_space<vmem>> -> memref<1x50x64xf32, #tpu.memory_space<vmem>>
    %dma_wait3A_438 = tpu.memref_squeeze %dma_wait3A_437 : memref<1x50x64xf32, #tpu.memory_space<vmem>> -> memref<50x64xf32, #tpu.memory_space<vmem>>
    %dma_wait3A_439 = arith.constant 0 : i32
    %dma_wait3A_440 = tpu.memref_slice %arg5[%dma_wait3A_433, %dma_wait3A_439] : memref<32x50xi32, #tpu.memory_space<vmem>> -> memref<1x50xi32, #tpu.memory_space<vmem>>
    %dma_wait3A_441 = tpu.memref_squeeze %dma_wait3A_440 : memref<1x50xi32, #tpu.memory_space<vmem>> -> memref<50xi32, #tpu.memory_space<vmem>>
    %dma_wait3A_442 = arith.constant 0 : i32
    %dma_wait3A_443 = arith.constant 0 : i32
    %dma_wait3A_444 = tpu.memref_slice %arg3[%dma_wait3A_442, %dma_wait3A_443] : memref<100000x64xf32, #tpu.memory_space<hbm>> -> memref<100000x64xf32, #tpu.memory_space<hbm>>
    tpu.wait_indirect_dma semaphore(%arg8 : memref<!tpu.dma_semaphore, #tpu.memory_space<semaphore_mem>>) src(%dma_wait3A_444 : memref<100000x64xf32, #tpu.memory_space<hbm>>) dst(%dma_wait3A_438 : memref<50x64xf32, #tpu.memory_space<vmem>>)
    %dma_wait3A_445 = arith.constant 5 : i32
    %dma_wait3A_446 = arith.constant 5 : i32
    %dma_wait3A_447 = arith.constant 0 : i32
    %dma_wait3A_448 = arith.constant 0 : i32
    %dma_wait3A_449 = tpu.memref_slice %arg6[%dma_wait3A_446, %dma_wait3A_447, %dma_wait3A_448] : memref<32x50x64xf32, #tpu.memory_space<vmem>> -> memref<1x50x64xf32, #tpu.memory_space<vmem>>
    %dma_wait3A_450 = tpu.memref_squeeze %dma_wait3A_449 : memref<1x50x64xf32, #tpu.memory_space<vmem>> -> memref<50x64xf32, #tpu.memory_space<vmem>>
    %dma_wait3A_451 = arith.constant 0 : i32
    %dma_wait3A_452 = tpu.memref_slice %arg5[%dma_wait3A_445, %dma_wait3A_451] : memref<32x50xi32, #tpu.memory_space<vmem>> -> memref<1x50xi32, #tpu.memory_space<vmem>>
    %dma_wait3A_453 = tpu.memref_squeeze %dma_wait3A_452 : memref<1x50xi32, #tpu.memory_space<vmem>> -> memref<50xi32, #tpu.memory_space<vmem>>
    %dma_wait3A_454 = arith.constant 0 : i32
    %dma_wait3A_455 = arith.constant 0 : i32
    %dma_wait3A_456 = tpu.memref_slice %arg3[%dma_wait3A_454, %dma_wait3A_455] : memref<100000x64xf32, #tpu.memory_space<hbm>> -> memref<100000x64xf32, #tpu.memory_space<hbm>>
    tpu.wait_indirect_dma semaphore(%arg8 : memref<!tpu.dma_semaphore, #tpu.memory_space<semaphore_mem>>) src(%dma_wait3A_456 : memref<100000x64xf32, #tpu.memory_space<hbm>>) dst(%dma_wait3A_450 : memref<50x64xf32, #tpu.memory_space<vmem>>)
    %dma_wait3A_457 = arith.constant 6 : i32
    %dma_wait3A_458 = arith.constant 6 : i32
    %dma_wait3A_459 = arith.constant 0 : i32
    %dma_wait3A_460 = arith.constant 0 : i32
    %dma_wait3A_461 = tpu.memref_slice %arg6[%dma_wait3A_458, %dma_wait3A_459, %dma_wait3A_460] : memref<32x50x64xf32, #tpu.memory_space<vmem>> -> memref<1x50x64xf32, #tpu.memory_space<vmem>>
    %dma_wait3A_462 = tpu.memref_squeeze %dma_wait3A_461 : memref<1x50x64xf32, #tpu.memory_space<vmem>> -> memref<50x64xf32, #tpu.memory_space<vmem>>
    %dma_wait3A_463 = arith.constant 0 : i32
    %dma_wait3A_464 = tpu.memref_slice %arg5[%dma_wait3A_457, %dma_wait3A_463] : memref<32x50xi32, #tpu.memory_space<vmem>> -> memref<1x50xi32, #tpu.memory_space<vmem>>
    %dma_wait3A_465 = tpu.memref_squeeze %dma_wait3A_464 : memref<1x50xi32, #tpu.memory_space<vmem>> -> memref<50xi32, #tpu.memory_space<vmem>>
    %dma_wait3A_466 = arith.constant 0 : i32
    %dma_wait3A_467 = arith.constant 0 : i32
    %dma_wait3A_468 = tpu.memref_slice %arg3[%dma_wait3A_466, %dma_wait3A_467] : memref<100000x64xf32, #tpu.memory_space<hbm>> -> memref<100000x64xf32, #tpu.memory_space<hbm>>
    tpu.wait_indirect_dma semaphore(%arg8 : memref<!tpu.dma_semaphore, #tpu.memory_space<semaphore_mem>>) src(%dma_wait3A_468 : memref<100000x64xf32, #tpu.memory_space<hbm>>) dst(%dma_wait3A_462 : memref<50x64xf32, #tpu.memory_space<vmem>>)
    %dma_wait3A_469 = arith.constant 7 : i32
    %dma_wait3A_470 = arith.constant 7 : i32
    %dma_wait3A_471 = arith.constant 0 : i32
    %dma_wait3A_472 = arith.constant 0 : i32
    %dma_wait3A_473 = tpu.memref_slice %arg6[%dma_wait3A_470, %dma_wait3A_471, %dma_wait3A_472] : memref<32x50x64xf32, #tpu.memory_space<vmem>> -> memref<1x50x64xf32, #tpu.memory_space<vmem>>
    %dma_wait3A_474 = tpu.memref_squeeze %dma_wait3A_473 : memref<1x50x64xf32, #tpu.memory_space<vmem>> -> memref<50x64xf32, #tpu.memory_space<vmem>>
    %dma_wait3A_475 = arith.constant 0 : i32
    %dma_wait3A_476 = tpu.memref_slice %arg5[%dma_wait3A_469, %dma_wait3A_475] : memref<32x50xi32, #tpu.memory_space<vmem>> -> memref<1x50xi32, #tpu.memory_space<vmem>>
    %dma_wait3A_477 = tpu.memref_squeeze %dma_wait3A_476 : memref<1x50xi32, #tpu.memory_space<vmem>> -> memref<50xi32, #tpu.memory_space<vmem>>
    %dma_wait3A_478 = arith.constant 0 : i32
    %dma_wait3A_479 = arith.constant 0 : i32
    %dma_wait3A_480 = tpu.memref_slice %arg3[%dma_wait3A_478, %dma_wait3A_479] : memref<100000x64xf32, #tpu.memory_space<hbm>> -> memref<100000x64xf32, #tpu.memory_space<hbm>>
    tpu.wait_indirect_dma semaphore(%arg8 : memref<!tpu.dma_semaphore, #tpu.memory_space<semaphore_mem>>) src(%dma_wait3A_480 : memref<100000x64xf32, #tpu.memory_space<hbm>>) dst(%dma_wait3A_474 : memref<50x64xf32, #tpu.memory_space<vmem>>)
    %dma_wait3A_481 = arith.constant 8 : i32
    %dma_wait3A_482 = arith.constant 8 : i32
    %dma_wait3A_483 = arith.constant 0 : i32
    %dma_wait3A_484 = arith.constant 0 : i32
    %dma_wait3A_485 = tpu.memref_slice %arg6[%dma_wait3A_482, %dma_wait3A_483, %dma_wait3A_484] : memref<32x50x64xf32, #tpu.memory_space<vmem>> -> memref<1x50x64xf32, #tpu.memory_space<vmem>>
    %dma_wait3A_486 = tpu.memref_squeeze %dma_wait3A_485 : memref<1x50x64xf32, #tpu.memory_space<vmem>> -> memref<50x64xf32, #tpu.memory_space<vmem>>
    %dma_wait3A_487 = arith.constant 0 : i32
    %dma_wait3A_488 = tpu.memref_slice %arg5[%dma_wait3A_481, %dma_wait3A_487] : memref<32x50xi32, #tpu.memory_space<vmem>> -> memref<1x50xi32, #tpu.memory_space<vmem>>
    %dma_wait3A_489 = tpu.memref_squeeze %dma_wait3A_488 : memref<1x50xi32, #tpu.memory_space<vmem>> -> memref<50xi32, #tpu.memory_space<vmem>>
    %dma_wait3A_490 = arith.constant 0 : i32
    %dma_wait3A_491 = arith.constant 0 : i32
    %dma_wait3A_492 = tpu.memref_slice %arg3[%dma_wait3A_490, %dma_wait3A_491] : memref<100000x64xf32, #tpu.memory_space<hbm>> -> memref<100000x64xf32, #tpu.memory_space<hbm>>
    tpu.wait_indirect_dma semaphore(%arg8 : memref<!tpu.dma_semaphore, #tpu.memory_space<semaphore_mem>>) src(%dma_wait3A_492 : memref<100000x64xf32, #tpu.memory_space<hbm>>) dst(%dma_wait3A_486 : memref<50x64xf32, #tpu.memory_space<vmem>>)
    %dma_wait3A_493 = arith.constant 9 : i32
    %dma_wait3A_494 = arith.constant 9 : i32
    %dma_wait3A_495 = arith.constant 0 : i32
    %dma_wait3A_496 = arith.constant 0 : i32
    %dma_wait3A_497 = tpu.memref_slice %arg6[%dma_wait3A_494, %dma_wait3A_495, %dma_wait3A_496] : memref<32x50x64xf32, #tpu.memory_space<vmem>> -> memref<1x50x64xf32, #tpu.memory_space<vmem>>
    %dma_wait3A_498 = tpu.memref_squeeze %dma_wait3A_497 : memref<1x50x64xf32, #tpu.memory_space<vmem>> -> memref<50x64xf32, #tpu.memory_space<vmem>>
    %dma_wait3A_499 = arith.constant 0 : i32
    %dma_wait3A_500 = tpu.memref_slice %arg5[%dma_wait3A_493, %dma_wait3A_499] : memref<32x50xi32, #tpu.memory_space<vmem>> -> memref<1x50xi32, #tpu.memory_space<vmem>>
    %dma_wait3A_501 = tpu.memref_squeeze %dma_wait3A_500 : memref<1x50xi32, #tpu.memory_space<vmem>> -> memref<50xi32, #tpu.memory_space<vmem>>
    %dma_wait3A_502 = arith.constant 0 : i32
    %dma_wait3A_503 = arith.constant 0 : i32
    %dma_wait3A_504 = tpu.memref_slice %arg3[%dma_wait3A_502, %dma_wait3A_503] : memref<100000x64xf32, #tpu.memory_space<hbm>> -> memref<100000x64xf32, #tpu.memory_space<hbm>>
    tpu.wait_indirect_dma semaphore(%arg8 : memref<!tpu.dma_semaphore, #tpu.memory_space<semaphore_mem>>) src(%dma_wait3A_504 : memref<100000x64xf32, #tpu.memory_space<hbm>>) dst(%dma_wait3A_498 : memref<50x64xf32, #tpu.memory_space<vmem>>)
    %dma_wait3A_505 = arith.constant 10 : i32
    %dma_wait3A_506 = arith.constant 10 : i32
    %dma_wait3A_507 = arith.constant 0 : i32
    %dma_wait3A_508 = arith.constant 0 : i32
    %dma_wait3A_509 = tpu.memref_slice %arg6[%dma_wait3A_506, %dma_wait3A_507, %dma_wait3A_508] : memref<32x50x64xf32, #tpu.memory_space<vmem>> -> memref<1x50x64xf32, #tpu.memory_space<vmem>>
    %dma_wait3A_510 = tpu.memref_squeeze %dma_wait3A_509 : memref<1x50x64xf32, #tpu.memory_space<vmem>> -> memref<50x64xf32, #tpu.memory_space<vmem>>
    %dma_wait3A_511 = arith.constant 0 : i32
    %dma_wait3A_512 = tpu.memref_slice %arg5[%dma_wait3A_505, %dma_wait3A_511] : memref<32x50xi32, #tpu.memory_space<vmem>> -> memref<1x50xi32, #tpu.memory_space<vmem>>
    %dma_wait3A_513 = tpu.memref_squeeze %dma_wait3A_512 : memref<1x50xi32, #tpu.memory_space<vmem>> -> memref<50xi32, #tpu.memory_space<vmem>>
    %dma_wait3A_514 = arith.constant 0 : i32
    %dma_wait3A_515 = arith.constant 0 : i32
    %dma_wait3A_516 = tpu.memref_slice %arg3[%dma_wait3A_514, %dma_wait3A_515] : memref<100000x64xf32, #tpu.memory_space<hbm>> -> memref<100000x64xf32, #tpu.memory_space<hbm>>
    tpu.wait_indirect_dma semaphore(%arg8 : memref<!tpu.dma_semaphore, #tpu.memory_space<semaphore_mem>>) src(%dma_wait3A_516 : memref<100000x64xf32, #tpu.memory_space<hbm>>) dst(%dma_wait3A_510 : memref<50x64xf32, #tpu.memory_space<vmem>>)
    %dma_wait3A_517 = arith.constant 11 : i32
    %dma_wait3A_518 = arith.constant 11 : i32
    %dma_wait3A_519 = arith.constant 0 : i32
    %dma_wait3A_520 = arith.constant 0 : i32
    %dma_wait3A_521 = tpu.memref_slice %arg6[%dma_wait3A_518, %dma_wait3A_519, %dma_wait3A_520] : memref<32x50x64xf32, #tpu.memory_space<vmem>> -> memref<1x50x64xf32, #tpu.memory_space<vmem>>
    %dma_wait3A_522 = tpu.memref_squeeze %dma_wait3A_521 : memref<1x50x64xf32, #tpu.memory_space<vmem>> -> memref<50x64xf32, #tpu.memory_space<vmem>>
    %dma_wait3A_523 = arith.constant 0 : i32
    %dma_wait3A_524 = tpu.memref_slice %arg5[%dma_wait3A_517, %dma_wait3A_523] : memref<32x50xi32, #tpu.memory_space<vmem>> -> memref<1x50xi32, #tpu.memory_space<vmem>>
    %dma_wait3A_525 = tpu.memref_squeeze %dma_wait3A_524 : memref<1x50xi32, #tpu.memory_space<vmem>> -> memref<50xi32, #tpu.memory_space<vmem>>
    %dma_wait3A_526 = arith.constant 0 : i32
    %dma_wait3A_527 = arith.constant 0 : i32
    %dma_wait3A_528 = tpu.memref_slice %arg3[%dma_wait3A_526, %dma_wait3A_527] : memref<100000x64xf32, #tpu.memory_space<hbm>> -> memref<100000x64xf32, #tpu.memory_space<hbm>>
    tpu.wait_indirect_dma semaphore(%arg8 : memref<!tpu.dma_semaphore, #tpu.memory_space<semaphore_mem>>) src(%dma_wait3A_528 : memref<100000x64xf32, #tpu.memory_space<hbm>>) dst(%dma_wait3A_522 : memref<50x64xf32, #tpu.memory_space<vmem>>)
    %dma_wait3A_529 = arith.constant 12 : i32
    %dma_wait3A_530 = arith.constant 12 : i32
    %dma_wait3A_531 = arith.constant 0 : i32
    %dma_wait3A_532 = arith.constant 0 : i32
    %dma_wait3A_533 = tpu.memref_slice %arg6[%dma_wait3A_530, %dma_wait3A_531, %dma_wait3A_532] : memref<32x50x64xf32, #tpu.memory_space<vmem>> -> memref<1x50x64xf32, #tpu.memory_space<vmem>>
    %dma_wait3A_534 = tpu.memref_squeeze %dma_wait3A_533 : memref<1x50x64xf32, #tpu.memory_space<vmem>> -> memref<50x64xf32, #tpu.memory_space<vmem>>
    %dma_wait3A_535 = arith.constant 0 : i32
    %dma_wait3A_536 = tpu.memref_slice %arg5[%dma_wait3A_529, %dma_wait3A_535] : memref<32x50xi32, #tpu.memory_space<vmem>> -> memref<1x50xi32, #tpu.memory_space<vmem>>
    %dma_wait3A_537 = tpu.memref_squeeze %dma_wait3A_536 : memref<1x50xi32, #tpu.memory_space<vmem>> -> memref<50xi32, #tpu.memory_space<vmem>>
    %dma_wait3A_538 = arith.constant 0 : i32
    %dma_wait3A_539 = arith.constant 0 : i32
    %dma_wait3A_540 = tpu.memref_slice %arg3[%dma_wait3A_538, %dma_wait3A_539] : memref<100000x64xf32, #tpu.memory_space<hbm>> -> memref<100000x64xf32, #tpu.memory_space<hbm>>
    tpu.wait_indirect_dma semaphore(%arg8 : memref<!tpu.dma_semaphore, #tpu.memory_space<semaphore_mem>>) src(%dma_wait3A_540 : memref<100000x64xf32, #tpu.memory_space<hbm>>) dst(%dma_wait3A_534 : memref<50x64xf32, #tpu.memory_space<vmem>>)
    %dma_wait3A_541 = arith.constant 13 : i32
    %dma_wait3A_542 = arith.constant 13 : i32
    %dma_wait3A_543 = arith.constant 0 : i32
    %dma_wait3A_544 = arith.constant 0 : i32
    %dma_wait3A_545 = tpu.memref_slice %arg6[%dma_wait3A_542, %dma_wait3A_543, %dma_wait3A_544] : memref<32x50x64xf32, #tpu.memory_space<vmem>> -> memref<1x50x64xf32, #tpu.memory_space<vmem>>
    %dma_wait3A_546 = tpu.memref_squeeze %dma_wait3A_545 : memref<1x50x64xf32, #tpu.memory_space<vmem>> -> memref<50x64xf32, #tpu.memory_space<vmem>>
    %dma_wait3A_547 = arith.constant 0 : i32
    %dma_wait3A_548 = tpu.memref_slice %arg5[%dma_wait3A_541, %dma_wait3A_547] : memref<32x50xi32, #tpu.memory_space<vmem>> -> memref<1x50xi32, #tpu.memory_space<vmem>>
    %dma_wait3A_549 = tpu.memref_squeeze %dma_wait3A_548 : memref<1x50xi32, #tpu.memory_space<vmem>> -> memref<50xi32, #tpu.memory_space<vmem>>
    %dma_wait3A_550 = arith.constant 0 : i32
    %dma_wait3A_551 = arith.constant 0 : i32
    %dma_wait3A_552 = tpu.memref_slice %arg3[%dma_wait3A_550, %dma_wait3A_551] : memref<100000x64xf32, #tpu.memory_space<hbm>> -> memref<100000x64xf32, #tpu.memory_space<hbm>>
    tpu.wait_indirect_dma semaphore(%arg8 : memref<!tpu.dma_semaphore, #tpu.memory_space<semaphore_mem>>) src(%dma_wait3A_552 : memref<100000x64xf32, #tpu.memory_space<hbm>>) dst(%dma_wait3A_546 : memref<50x64xf32, #tpu.memory_space<vmem>>)
    %dma_wait3A_553 = arith.constant 14 : i32
    %dma_wait3A_554 = arith.constant 14 : i32
    %dma_wait3A_555 = arith.constant 0 : i32
    %dma_wait3A_556 = arith.constant 0 : i32
    %dma_wait3A_557 = tpu.memref_slice %arg6[%dma_wait3A_554, %dma_wait3A_555, %dma_wait3A_556] : memref<32x50x64xf32, #tpu.memory_space<vmem>> -> memref<1x50x64xf32, #tpu.memory_space<vmem>>
    %dma_wait3A_558 = tpu.memref_squeeze %dma_wait3A_557 : memref<1x50x64xf32, #tpu.memory_space<vmem>> -> memref<50x64xf32, #tpu.memory_space<vmem>>
    %dma_wait3A_559 = arith.constant 0 : i32
    %dma_wait3A_560 = tpu.memref_slice %arg5[%dma_wait3A_553, %dma_wait3A_559] : memref<32x50xi32, #tpu.memory_space<vmem>> -> memref<1x50xi32, #tpu.memory_space<vmem>>
    %dma_wait3A_561 = tpu.memref_squeeze %dma_wait3A_560 : memref<1x50xi32, #tpu.memory_space<vmem>> -> memref<50xi32, #tpu.memory_space<vmem>>
    %dma_wait3A_562 = arith.constant 0 : i32
    %dma_wait3A_563 = arith.constant 0 : i32
    %dma_wait3A_564 = tpu.memref_slice %arg3[%dma_wait3A_562, %dma_wait3A_563] : memref<100000x64xf32, #tpu.memory_space<hbm>> -> memref<100000x64xf32, #tpu.memory_space<hbm>>
    tpu.wait_indirect_dma semaphore(%arg8 : memref<!tpu.dma_semaphore, #tpu.memory_space<semaphore_mem>>) src(%dma_wait3A_564 : memref<100000x64xf32, #tpu.memory_space<hbm>>) dst(%dma_wait3A_558 : memref<50x64xf32, #tpu.memory_space<vmem>>)
    %dma_wait3A_565 = arith.constant 15 : i32
    %dma_wait3A_566 = arith.constant 15 : i32
    %dma_wait3A_567 = arith.constant 0 : i32
    %dma_wait3A_568 = arith.constant 0 : i32
    %dma_wait3A_569 = tpu.memref_slice %arg6[%dma_wait3A_566, %dma_wait3A_567, %dma_wait3A_568] : memref<32x50x64xf32, #tpu.memory_space<vmem>> -> memref<1x50x64xf32, #tpu.memory_space<vmem>>
    %dma_wait3A_570 = tpu.memref_squeeze %dma_wait3A_569 : memref<1x50x64xf32, #tpu.memory_space<vmem>> -> memref<50x64xf32, #tpu.memory_space<vmem>>
    %dma_wait3A_571 = arith.constant 0 : i32
    %dma_wait3A_572 = tpu.memref_slice %arg5[%dma_wait3A_565, %dma_wait3A_571] : memref<32x50xi32, #tpu.memory_space<vmem>> -> memref<1x50xi32, #tpu.memory_space<vmem>>
    %dma_wait3A_573 = tpu.memref_squeeze %dma_wait3A_572 : memref<1x50xi32, #tpu.memory_space<vmem>> -> memref<50xi32, #tpu.memory_space<vmem>>
    %dma_wait3A_574 = arith.constant 0 : i32
    %dma_wait3A_575 = arith.constant 0 : i32
    %dma_wait3A_576 = tpu.memref_slice %arg3[%dma_wait3A_574, %dma_wait3A_575] : memref<100000x64xf32, #tpu.memory_space<hbm>> -> memref<100000x64xf32, #tpu.memory_space<hbm>>
    tpu.wait_indirect_dma semaphore(%arg8 : memref<!tpu.dma_semaphore, #tpu.memory_space<semaphore_mem>>) src(%dma_wait3A_576 : memref<100000x64xf32, #tpu.memory_space<hbm>>) dst(%dma_wait3A_570 : memref<50x64xf32, #tpu.memory_space<vmem>>)
    %dma_wait3A_577 = arith.constant 16 : i32
    %dma_wait3A_578 = arith.constant 16 : i32
    %dma_wait3A_579 = arith.constant 0 : i32
    %dma_wait3A_580 = arith.constant 0 : i32
    %dma_wait3A_581 = tpu.memref_slice %arg6[%dma_wait3A_578, %dma_wait3A_579, %dma_wait3A_580] : memref<32x50x64xf32, #tpu.memory_space<vmem>> -> memref<1x50x64xf32, #tpu.memory_space<vmem>>
    %dma_wait3A_582 = tpu.memref_squeeze %dma_wait3A_581 : memref<1x50x64xf32, #tpu.memory_space<vmem>> -> memref<50x64xf32, #tpu.memory_space<vmem>>
    %dma_wait3A_583 = arith.constant 0 : i32
    %dma_wait3A_584 = tpu.memref_slice %arg5[%dma_wait3A_577, %dma_wait3A_583] : memref<32x50xi32, #tpu.memory_space<vmem>> -> memref<1x50xi32, #tpu.memory_space<vmem>>
    %dma_wait3A_585 = tpu.memref_squeeze %dma_wait3A_584 : memref<1x50xi32, #tpu.memory_space<vmem>> -> memref<50xi32, #tpu.memory_space<vmem>>
    %dma_wait3A_586 = arith.constant 0 : i32
    %dma_wait3A_587 = arith.constant 0 : i32
    %dma_wait3A_588 = tpu.memref_slice %arg3[%dma_wait3A_586, %dma_wait3A_587] : memref<100000x64xf32, #tpu.memory_space<hbm>> -> memref<100000x64xf32, #tpu.memory_space<hbm>>
    tpu.wait_indirect_dma semaphore(%arg8 : memref<!tpu.dma_semaphore, #tpu.memory_space<semaphore_mem>>) src(%dma_wait3A_588 : memref<100000x64xf32, #tpu.memory_space<hbm>>) dst(%dma_wait3A_582 : memref<50x64xf32, #tpu.memory_space<vmem>>)
    %dma_wait3A_589 = arith.constant 17 : i32
    %dma_wait3A_590 = arith.constant 17 : i32
    %dma_wait3A_591 = arith.constant 0 : i32
    %dma_wait3A_592 = arith.constant 0 : i32
    %dma_wait3A_593 = tpu.memref_slice %arg6[%dma_wait3A_590, %dma_wait3A_591, %dma_wait3A_592] : memref<32x50x64xf32, #tpu.memory_space<vmem>> -> memref<1x50x64xf32, #tpu.memory_space<vmem>>
    %dma_wait3A_594 = tpu.memref_squeeze %dma_wait3A_593 : memref<1x50x64xf32, #tpu.memory_space<vmem>> -> memref<50x64xf32, #tpu.memory_space<vmem>>
    %dma_wait3A_595 = arith.constant 0 : i32
    %dma_wait3A_596 = tpu.memref_slice %arg5[%dma_wait3A_589, %dma_wait3A_595] : memref<32x50xi32, #tpu.memory_space<vmem>> -> memref<1x50xi32, #tpu.memory_space<vmem>>
    %dma_wait3A_597 = tpu.memref_squeeze %dma_wait3A_596 : memref<1x50xi32, #tpu.memory_space<vmem>> -> memref<50xi32, #tpu.memory_space<vmem>>
    %dma_wait3A_598 = arith.constant 0 : i32
    %dma_wait3A_599 = arith.constant 0 : i32
    %dma_wait3A_600 = tpu.memref_slice %arg3[%dma_wait3A_598, %dma_wait3A_599] : memref<100000x64xf32, #tpu.memory_space<hbm>> -> memref<100000x64xf32, #tpu.memory_space<hbm>>
    tpu.wait_indirect_dma semaphore(%arg8 : memref<!tpu.dma_semaphore, #tpu.memory_space<semaphore_mem>>) src(%dma_wait3A_600 : memref<100000x64xf32, #tpu.memory_space<hbm>>) dst(%dma_wait3A_594 : memref<50x64xf32, #tpu.memory_space<vmem>>)
    %dma_wait3A_601 = arith.constant 18 : i32
    %dma_wait3A_602 = arith.constant 18 : i32
    %dma_wait3A_603 = arith.constant 0 : i32
    %dma_wait3A_604 = arith.constant 0 : i32
    %dma_wait3A_605 = tpu.memref_slice %arg6[%dma_wait3A_602, %dma_wait3A_603, %dma_wait3A_604] : memref<32x50x64xf32, #tpu.memory_space<vmem>> -> memref<1x50x64xf32, #tpu.memory_space<vmem>>
    %dma_wait3A_606 = tpu.memref_squeeze %dma_wait3A_605 : memref<1x50x64xf32, #tpu.memory_space<vmem>> -> memref<50x64xf32, #tpu.memory_space<vmem>>
    %dma_wait3A_607 = arith.constant 0 : i32
    %dma_wait3A_608 = tpu.memref_slice %arg5[%dma_wait3A_601, %dma_wait3A_607] : memref<32x50xi32, #tpu.memory_space<vmem>> -> memref<1x50xi32, #tpu.memory_space<vmem>>
    %dma_wait3A_609 = tpu.memref_squeeze %dma_wait3A_608 : memref<1x50xi32, #tpu.memory_space<vmem>> -> memref<50xi32, #tpu.memory_space<vmem>>
    %dma_wait3A_610 = arith.constant 0 : i32
    %dma_wait3A_611 = arith.constant 0 : i32
    %dma_wait3A_612 = tpu.memref_slice %arg3[%dma_wait3A_610, %dma_wait3A_611] : memref<100000x64xf32, #tpu.memory_space<hbm>> -> memref<100000x64xf32, #tpu.memory_space<hbm>>
    tpu.wait_indirect_dma semaphore(%arg8 : memref<!tpu.dma_semaphore, #tpu.memory_space<semaphore_mem>>) src(%dma_wait3A_612 : memref<100000x64xf32, #tpu.memory_space<hbm>>) dst(%dma_wait3A_606 : memref<50x64xf32, #tpu.memory_space<vmem>>)
    %dma_wait3A_613 = arith.constant 19 : i32
    %dma_wait3A_614 = arith.constant 19 : i32
    %dma_wait3A_615 = arith.constant 0 : i32
    %dma_wait3A_616 = arith.constant 0 : i32
    %dma_wait3A_617 = tpu.memref_slice %arg6[%dma_wait3A_614, %dma_wait3A_615, %dma_wait3A_616] : memref<32x50x64xf32, #tpu.memory_space<vmem>> -> memref<1x50x64xf32, #tpu.memory_space<vmem>>
    %dma_wait3A_618 = tpu.memref_squeeze %dma_wait3A_617 : memref<1x50x64xf32, #tpu.memory_space<vmem>> -> memref<50x64xf32, #tpu.memory_space<vmem>>
    %dma_wait3A_619 = arith.constant 0 : i32
    %dma_wait3A_620 = tpu.memref_slice %arg5[%dma_wait3A_613, %dma_wait3A_619] : memref<32x50xi32, #tpu.memory_space<vmem>> -> memref<1x50xi32, #tpu.memory_space<vmem>>
    %dma_wait3A_621 = tpu.memref_squeeze %dma_wait3A_620 : memref<1x50xi32, #tpu.memory_space<vmem>> -> memref<50xi32, #tpu.memory_space<vmem>>
    %dma_wait3A_622 = arith.constant 0 : i32
    %dma_wait3A_623 = arith.constant 0 : i32
    %dma_wait3A_624 = tpu.memref_slice %arg3[%dma_wait3A_622, %dma_wait3A_623] : memref<100000x64xf32, #tpu.memory_space<hbm>> -> memref<100000x64xf32, #tpu.memory_space<hbm>>
    tpu.wait_indirect_dma semaphore(%arg8 : memref<!tpu.dma_semaphore, #tpu.memory_space<semaphore_mem>>) src(%dma_wait3A_624 : memref<100000x64xf32, #tpu.memory_space<hbm>>) dst(%dma_wait3A_618 : memref<50x64xf32, #tpu.memory_space<vmem>>)
    %dma_wait3A_625 = arith.constant 20 : i32
    %dma_wait3A_626 = arith.constant 20 : i32
    %dma_wait3A_627 = arith.constant 0 : i32
    %dma_wait3A_628 = arith.constant 0 : i32
    %dma_wait3A_629 = tpu.memref_slice %arg6[%dma_wait3A_626, %dma_wait3A_627, %dma_wait3A_628] : memref<32x50x64xf32, #tpu.memory_space<vmem>> -> memref<1x50x64xf32, #tpu.memory_space<vmem>>
    %dma_wait3A_630 = tpu.memref_squeeze %dma_wait3A_629 : memref<1x50x64xf32, #tpu.memory_space<vmem>> -> memref<50x64xf32, #tpu.memory_space<vmem>>
    %dma_wait3A_631 = arith.constant 0 : i32
    %dma_wait3A_632 = tpu.memref_slice %arg5[%dma_wait3A_625, %dma_wait3A_631] : memref<32x50xi32, #tpu.memory_space<vmem>> -> memref<1x50xi32, #tpu.memory_space<vmem>>
    %dma_wait3A_633 = tpu.memref_squeeze %dma_wait3A_632 : memref<1x50xi32, #tpu.memory_space<vmem>> -> memref<50xi32, #tpu.memory_space<vmem>>
    %dma_wait3A_634 = arith.constant 0 : i32
    %dma_wait3A_635 = arith.constant 0 : i32
    %dma_wait3A_636 = tpu.memref_slice %arg3[%dma_wait3A_634, %dma_wait3A_635] : memref<100000x64xf32, #tpu.memory_space<hbm>> -> memref<100000x64xf32, #tpu.memory_space<hbm>>
    tpu.wait_indirect_dma semaphore(%arg8 : memref<!tpu.dma_semaphore, #tpu.memory_space<semaphore_mem>>) src(%dma_wait3A_636 : memref<100000x64xf32, #tpu.memory_space<hbm>>) dst(%dma_wait3A_630 : memref<50x64xf32, #tpu.memory_space<vmem>>)
    %dma_wait3A_637 = arith.constant 21 : i32
    %dma_wait3A_638 = arith.constant 21 : i32
    %dma_wait3A_639 = arith.constant 0 : i32
    %dma_wait3A_640 = arith.constant 0 : i32
    %dma_wait3A_641 = tpu.memref_slice %arg6[%dma_wait3A_638, %dma_wait3A_639, %dma_wait3A_640] : memref<32x50x64xf32, #tpu.memory_space<vmem>> -> memref<1x50x64xf32, #tpu.memory_space<vmem>>
    %dma_wait3A_642 = tpu.memref_squeeze %dma_wait3A_641 : memref<1x50x64xf32, #tpu.memory_space<vmem>> -> memref<50x64xf32, #tpu.memory_space<vmem>>
    %dma_wait3A_643 = arith.constant 0 : i32
    %dma_wait3A_644 = tpu.memref_slice %arg5[%dma_wait3A_637, %dma_wait3A_643] : memref<32x50xi32, #tpu.memory_space<vmem>> -> memref<1x50xi32, #tpu.memory_space<vmem>>
    %dma_wait3A_645 = tpu.memref_squeeze %dma_wait3A_644 : memref<1x50xi32, #tpu.memory_space<vmem>> -> memref<50xi32, #tpu.memory_space<vmem>>
    %dma_wait3A_646 = arith.constant 0 : i32
    %dma_wait3A_647 = arith.constant 0 : i32
    %dma_wait3A_648 = tpu.memref_slice %arg3[%dma_wait3A_646, %dma_wait3A_647] : memref<100000x64xf32, #tpu.memory_space<hbm>> -> memref<100000x64xf32, #tpu.memory_space<hbm>>
    tpu.wait_indirect_dma semaphore(%arg8 : memref<!tpu.dma_semaphore, #tpu.memory_space<semaphore_mem>>) src(%dma_wait3A_648 : memref<100000x64xf32, #tpu.memory_space<hbm>>) dst(%dma_wait3A_642 : memref<50x64xf32, #tpu.memory_space<vmem>>)
    %dma_wait3A_649 = arith.constant 22 : i32
    %dma_wait3A_650 = arith.constant 22 : i32
    %dma_wait3A_651 = arith.constant 0 : i32
    %dma_wait3A_652 = arith.constant 0 : i32
    %dma_wait3A_653 = tpu.memref_slice %arg6[%dma_wait3A_650, %dma_wait3A_651, %dma_wait3A_652] : memref<32x50x64xf32, #tpu.memory_space<vmem>> -> memref<1x50x64xf32, #tpu.memory_space<vmem>>
    %dma_wait3A_654 = tpu.memref_squeeze %dma_wait3A_653 : memref<1x50x64xf32, #tpu.memory_space<vmem>> -> memref<50x64xf32, #tpu.memory_space<vmem>>
    %dma_wait3A_655 = arith.constant 0 : i32
    %dma_wait3A_656 = tpu.memref_slice %arg5[%dma_wait3A_649, %dma_wait3A_655] : memref<32x50xi32, #tpu.memory_space<vmem>> -> memref<1x50xi32, #tpu.memory_space<vmem>>
    %dma_wait3A_657 = tpu.memref_squeeze %dma_wait3A_656 : memref<1x50xi32, #tpu.memory_space<vmem>> -> memref<50xi32, #tpu.memory_space<vmem>>
    %dma_wait3A_658 = arith.constant 0 : i32
    %dma_wait3A_659 = arith.constant 0 : i32
    %dma_wait3A_660 = tpu.memref_slice %arg3[%dma_wait3A_658, %dma_wait3A_659] : memref<100000x64xf32, #tpu.memory_space<hbm>> -> memref<100000x64xf32, #tpu.memory_space<hbm>>
    tpu.wait_indirect_dma semaphore(%arg8 : memref<!tpu.dma_semaphore, #tpu.memory_space<semaphore_mem>>) src(%dma_wait3A_660 : memref<100000x64xf32, #tpu.memory_space<hbm>>) dst(%dma_wait3A_654 : memref<50x64xf32, #tpu.memory_space<vmem>>)
    %dma_wait3A_661 = arith.constant 23 : i32
    %dma_wait3A_662 = arith.constant 23 : i32
    %dma_wait3A_663 = arith.constant 0 : i32
    %dma_wait3A_664 = arith.constant 0 : i32
    %dma_wait3A_665 = tpu.memref_slice %arg6[%dma_wait3A_662, %dma_wait3A_663, %dma_wait3A_664] : memref<32x50x64xf32, #tpu.memory_space<vmem>> -> memref<1x50x64xf32, #tpu.memory_space<vmem>>
    %dma_wait3A_666 = tpu.memref_squeeze %dma_wait3A_665 : memref<1x50x64xf32, #tpu.memory_space<vmem>> -> memref<50x64xf32, #tpu.memory_space<vmem>>
    %dma_wait3A_667 = arith.constant 0 : i32
    %dma_wait3A_668 = tpu.memref_slice %arg5[%dma_wait3A_661, %dma_wait3A_667] : memref<32x50xi32, #tpu.memory_space<vmem>> -> memref<1x50xi32, #tpu.memory_space<vmem>>
    %dma_wait3A_669 = tpu.memref_squeeze %dma_wait3A_668 : memref<1x50xi32, #tpu.memory_space<vmem>> -> memref<50xi32, #tpu.memory_space<vmem>>
    %dma_wait3A_670 = arith.constant 0 : i32
    %dma_wait3A_671 = arith.constant 0 : i32
    %dma_wait3A_672 = tpu.memref_slice %arg3[%dma_wait3A_670, %dma_wait3A_671] : memref<100000x64xf32, #tpu.memory_space<hbm>> -> memref<100000x64xf32, #tpu.memory_space<hbm>>
    tpu.wait_indirect_dma semaphore(%arg8 : memref<!tpu.dma_semaphore, #tpu.memory_space<semaphore_mem>>) src(%dma_wait3A_672 : memref<100000x64xf32, #tpu.memory_space<hbm>>) dst(%dma_wait3A_666 : memref<50x64xf32, #tpu.memory_space<vmem>>)
    %dma_wait3A_673 = arith.constant 24 : i32
    %dma_wait3A_674 = arith.constant 24 : i32
    %dma_wait3A_675 = arith.constant 0 : i32
    %dma_wait3A_676 = arith.constant 0 : i32
    %dma_wait3A_677 = tpu.memref_slice %arg6[%dma_wait3A_674, %dma_wait3A_675, %dma_wait3A_676] : memref<32x50x64xf32, #tpu.memory_space<vmem>> -> memref<1x50x64xf32, #tpu.memory_space<vmem>>
    %dma_wait3A_678 = tpu.memref_squeeze %dma_wait3A_677 : memref<1x50x64xf32, #tpu.memory_space<vmem>> -> memref<50x64xf32, #tpu.memory_space<vmem>>
    %dma_wait3A_679 = arith.constant 0 : i32
    %dma_wait3A_680 = tpu.memref_slice %arg5[%dma_wait3A_673, %dma_wait3A_679] : memref<32x50xi32, #tpu.memory_space<vmem>> -> memref<1x50xi32, #tpu.memory_space<vmem>>
    %dma_wait3A_681 = tpu.memref_squeeze %dma_wait3A_680 : memref<1x50xi32, #tpu.memory_space<vmem>> -> memref<50xi32, #tpu.memory_space<vmem>>
    %dma_wait3A_682 = arith.constant 0 : i32
    %dma_wait3A_683 = arith.constant 0 : i32
    %dma_wait3A_684 = tpu.memref_slice %arg3[%dma_wait3A_682, %dma_wait3A_683] : memref<100000x64xf32, #tpu.memory_space<hbm>> -> memref<100000x64xf32, #tpu.memory_space<hbm>>
    tpu.wait_indirect_dma semaphore(%arg8 : memref<!tpu.dma_semaphore, #tpu.memory_space<semaphore_mem>>) src(%dma_wait3A_684 : memref<100000x64xf32, #tpu.memory_space<hbm>>) dst(%dma_wait3A_678 : memref<50x64xf32, #tpu.memory_space<vmem>>)
    %dma_wait3A_685 = arith.constant 25 : i32
    %dma_wait3A_686 = arith.constant 25 : i32
    %dma_wait3A_687 = arith.constant 0 : i32
    %dma_wait3A_688 = arith.constant 0 : i32
    %dma_wait3A_689 = tpu.memref_slice %arg6[%dma_wait3A_686, %dma_wait3A_687, %dma_wait3A_688] : memref<32x50x64xf32, #tpu.memory_space<vmem>> -> memref<1x50x64xf32, #tpu.memory_space<vmem>>
    %dma_wait3A_690 = tpu.memref_squeeze %dma_wait3A_689 : memref<1x50x64xf32, #tpu.memory_space<vmem>> -> memref<50x64xf32, #tpu.memory_space<vmem>>
    %dma_wait3A_691 = arith.constant 0 : i32
    %dma_wait3A_692 = tpu.memref_slice %arg5[%dma_wait3A_685, %dma_wait3A_691] : memref<32x50xi32, #tpu.memory_space<vmem>> -> memref<1x50xi32, #tpu.memory_space<vmem>>
    %dma_wait3A_693 = tpu.memref_squeeze %dma_wait3A_692 : memref<1x50xi32, #tpu.memory_space<vmem>> -> memref<50xi32, #tpu.memory_space<vmem>>
    %dma_wait3A_694 = arith.constant 0 : i32
    %dma_wait3A_695 = arith.constant 0 : i32
    %dma_wait3A_696 = tpu.memref_slice %arg3[%dma_wait3A_694, %dma_wait3A_695] : memref<100000x64xf32, #tpu.memory_space<hbm>> -> memref<100000x64xf32, #tpu.memory_space<hbm>>
    tpu.wait_indirect_dma semaphore(%arg8 : memref<!tpu.dma_semaphore, #tpu.memory_space<semaphore_mem>>) src(%dma_wait3A_696 : memref<100000x64xf32, #tpu.memory_space<hbm>>) dst(%dma_wait3A_690 : memref<50x64xf32, #tpu.memory_space<vmem>>)
    %dma_wait3A_697 = arith.constant 26 : i32
    %dma_wait3A_698 = arith.constant 26 : i32
    %dma_wait3A_699 = arith.constant 0 : i32
    %dma_wait3A_700 = arith.constant 0 : i32
    %dma_wait3A_701 = tpu.memref_slice %arg6[%dma_wait3A_698, %dma_wait3A_699, %dma_wait3A_700] : memref<32x50x64xf32, #tpu.memory_space<vmem>> -> memref<1x50x64xf32, #tpu.memory_space<vmem>>
    %dma_wait3A_702 = tpu.memref_squeeze %dma_wait3A_701 : memref<1x50x64xf32, #tpu.memory_space<vmem>> -> memref<50x64xf32, #tpu.memory_space<vmem>>
    %dma_wait3A_703 = arith.constant 0 : i32
    %dma_wait3A_704 = tpu.memref_slice %arg5[%dma_wait3A_697, %dma_wait3A_703] : memref<32x50xi32, #tpu.memory_space<vmem>> -> memref<1x50xi32, #tpu.memory_space<vmem>>
    %dma_wait3A_705 = tpu.memref_squeeze %dma_wait3A_704 : memref<1x50xi32, #tpu.memory_space<vmem>> -> memref<50xi32, #tpu.memory_space<vmem>>
    %dma_wait3A_706 = arith.constant 0 : i32
    %dma_wait3A_707 = arith.constant 0 : i32
    %dma_wait3A_708 = tpu.memref_slice %arg3[%dma_wait3A_706, %dma_wait3A_707] : memref<100000x64xf32, #tpu.memory_space<hbm>> -> memref<100000x64xf32, #tpu.memory_space<hbm>>
    tpu.wait_indirect_dma semaphore(%arg8 : memref<!tpu.dma_semaphore, #tpu.memory_space<semaphore_mem>>) src(%dma_wait3A_708 : memref<100000x64xf32, #tpu.memory_space<hbm>>) dst(%dma_wait3A_702 : memref<50x64xf32, #tpu.memory_space<vmem>>)
    %dma_wait3A_709 = arith.constant 27 : i32
    %dma_wait3A_710 = arith.constant 27 : i32
    %dma_wait3A_711 = arith.constant 0 : i32
    %dma_wait3A_712 = arith.constant 0 : i32
    %dma_wait3A_713 = tpu.memref_slice %arg6[%dma_wait3A_710, %dma_wait3A_711, %dma_wait3A_712] : memref<32x50x64xf32, #tpu.memory_space<vmem>> -> memref<1x50x64xf32, #tpu.memory_space<vmem>>
    %dma_wait3A_714 = tpu.memref_squeeze %dma_wait3A_713 : memref<1x50x64xf32, #tpu.memory_space<vmem>> -> memref<50x64xf32, #tpu.memory_space<vmem>>
    %dma_wait3A_715 = arith.constant 0 : i32
    %dma_wait3A_716 = tpu.memref_slice %arg5[%dma_wait3A_709, %dma_wait3A_715] : memref<32x50xi32, #tpu.memory_space<vmem>> -> memref<1x50xi32, #tpu.memory_space<vmem>>
    %dma_wait3A_717 = tpu.memref_squeeze %dma_wait3A_716 : memref<1x50xi32, #tpu.memory_space<vmem>> -> memref<50xi32, #tpu.memory_space<vmem>>
    %dma_wait3A_718 = arith.constant 0 : i32
    %dma_wait3A_719 = arith.constant 0 : i32
    %dma_wait3A_720 = tpu.memref_slice %arg3[%dma_wait3A_718, %dma_wait3A_719] : memref<100000x64xf32, #tpu.memory_space<hbm>> -> memref<100000x64xf32, #tpu.memory_space<hbm>>
    tpu.wait_indirect_dma semaphore(%arg8 : memref<!tpu.dma_semaphore, #tpu.memory_space<semaphore_mem>>) src(%dma_wait3A_720 : memref<100000x64xf32, #tpu.memory_space<hbm>>) dst(%dma_wait3A_714 : memref<50x64xf32, #tpu.memory_space<vmem>>)
    %dma_wait3A_721 = arith.constant 28 : i32
    %dma_wait3A_722 = arith.constant 28 : i32
    %dma_wait3A_723 = arith.constant 0 : i32
    %dma_wait3A_724 = arith.constant 0 : i32
    %dma_wait3A_725 = tpu.memref_slice %arg6[%dma_wait3A_722, %dma_wait3A_723, %dma_wait3A_724] : memref<32x50x64xf32, #tpu.memory_space<vmem>> -> memref<1x50x64xf32, #tpu.memory_space<vmem>>
    %dma_wait3A_726 = tpu.memref_squeeze %dma_wait3A_725 : memref<1x50x64xf32, #tpu.memory_space<vmem>> -> memref<50x64xf32, #tpu.memory_space<vmem>>
    %dma_wait3A_727 = arith.constant 0 : i32
    %dma_wait3A_728 = tpu.memref_slice %arg5[%dma_wait3A_721, %dma_wait3A_727] : memref<32x50xi32, #tpu.memory_space<vmem>> -> memref<1x50xi32, #tpu.memory_space<vmem>>
    %dma_wait3A_729 = tpu.memref_squeeze %dma_wait3A_728 : memref<1x50xi32, #tpu.memory_space<vmem>> -> memref<50xi32, #tpu.memory_space<vmem>>
    %dma_wait3A_730 = arith.constant 0 : i32
    %dma_wait3A_731 = arith.constant 0 : i32
    %dma_wait3A_732 = tpu.memref_slice %arg3[%dma_wait3A_730, %dma_wait3A_731] : memref<100000x64xf32, #tpu.memory_space<hbm>> -> memref<100000x64xf32, #tpu.memory_space<hbm>>
    tpu.wait_indirect_dma semaphore(%arg8 : memref<!tpu.dma_semaphore, #tpu.memory_space<semaphore_mem>>) src(%dma_wait3A_732 : memref<100000x64xf32, #tpu.memory_space<hbm>>) dst(%dma_wait3A_726 : memref<50x64xf32, #tpu.memory_space<vmem>>)
    %dma_wait3A_733 = arith.constant 29 : i32
    %dma_wait3A_734 = arith.constant 29 : i32
    %dma_wait3A_735 = arith.constant 0 : i32
    %dma_wait3A_736 = arith.constant 0 : i32
    %dma_wait3A_737 = tpu.memref_slice %arg6[%dma_wait3A_734, %dma_wait3A_735, %dma_wait3A_736] : memref<32x50x64xf32, #tpu.memory_space<vmem>> -> memref<1x50x64xf32, #tpu.memory_space<vmem>>
    %dma_wait3A_738 = tpu.memref_squeeze %dma_wait3A_737 : memref<1x50x64xf32, #tpu.memory_space<vmem>> -> memref<50x64xf32, #tpu.memory_space<vmem>>
    %dma_wait3A_739 = arith.constant 0 : i32
    %dma_wait3A_740 = tpu.memref_slice %arg5[%dma_wait3A_733, %dma_wait3A_739] : memref<32x50xi32, #tpu.memory_space<vmem>> -> memref<1x50xi32, #tpu.memory_space<vmem>>
    %dma_wait3A_741 = tpu.memref_squeeze %dma_wait3A_740 : memref<1x50xi32, #tpu.memory_space<vmem>> -> memref<50xi32, #tpu.memory_space<vmem>>
    %dma_wait3A_742 = arith.constant 0 : i32
    %dma_wait3A_743 = arith.constant 0 : i32
    %dma_wait3A_744 = tpu.memref_slice %arg3[%dma_wait3A_742, %dma_wait3A_743] : memref<100000x64xf32, #tpu.memory_space<hbm>> -> memref<100000x64xf32, #tpu.memory_space<hbm>>
    tpu.wait_indirect_dma semaphore(%arg8 : memref<!tpu.dma_semaphore, #tpu.memory_space<semaphore_mem>>) src(%dma_wait3A_744 : memref<100000x64xf32, #tpu.memory_space<hbm>>) dst(%dma_wait3A_738 : memref<50x64xf32, #tpu.memory_space<vmem>>)
    %dma_wait3A_745 = arith.constant 30 : i32
    %dma_wait3A_746 = arith.constant 30 : i32
    %dma_wait3A_747 = arith.constant 0 : i32
    %dma_wait3A_748 = arith.constant 0 : i32
    %dma_wait3A_749 = tpu.memref_slice %arg6[%dma_wait3A_746, %dma_wait3A_747, %dma_wait3A_748] : memref<32x50x64xf32, #tpu.memory_space<vmem>> -> memref<1x50x64xf32, #tpu.memory_space<vmem>>
    %dma_wait3A_750 = tpu.memref_squeeze %dma_wait3A_749 : memref<1x50x64xf32, #tpu.memory_space<vmem>> -> memref<50x64xf32, #tpu.memory_space<vmem>>
    %dma_wait3A_751 = arith.constant 0 : i32
    %dma_wait3A_752 = tpu.memref_slice %arg5[%dma_wait3A_745, %dma_wait3A_751] : memref<32x50xi32, #tpu.memory_space<vmem>> -> memref<1x50xi32, #tpu.memory_space<vmem>>
    %dma_wait3A_753 = tpu.memref_squeeze %dma_wait3A_752 : memref<1x50xi32, #tpu.memory_space<vmem>> -> memref<50xi32, #tpu.memory_space<vmem>>
    %dma_wait3A_754 = arith.constant 0 : i32
    %dma_wait3A_755 = arith.constant 0 : i32
    %dma_wait3A_756 = tpu.memref_slice %arg3[%dma_wait3A_754, %dma_wait3A_755] : memref<100000x64xf32, #tpu.memory_space<hbm>> -> memref<100000x64xf32, #tpu.memory_space<hbm>>
    tpu.wait_indirect_dma semaphore(%arg8 : memref<!tpu.dma_semaphore, #tpu.memory_space<semaphore_mem>>) src(%dma_wait3A_756 : memref<100000x64xf32, #tpu.memory_space<hbm>>) dst(%dma_wait3A_750 : memref<50x64xf32, #tpu.memory_space<vmem>>)
    %dma_wait3A_757 = arith.constant 31 : i32
    %dma_wait3A_758 = arith.constant 31 : i32
    %dma_wait3A_759 = arith.constant 0 : i32
    %dma_wait3A_760 = arith.constant 0 : i32
    %dma_wait3A_761 = tpu.memref_slice %arg6[%dma_wait3A_758, %dma_wait3A_759, %dma_wait3A_760] : memref<32x50x64xf32, #tpu.memory_space<vmem>> -> memref<1x50x64xf32, #tpu.memory_space<vmem>>
    %dma_wait3A_762 = tpu.memref_squeeze %dma_wait3A_761 : memref<1x50x64xf32, #tpu.memory_space<vmem>> -> memref<50x64xf32, #tpu.memory_space<vmem>>
    %dma_wait3A_763 = arith.constant 0 : i32
    %dma_wait3A_764 = tpu.memref_slice %arg5[%dma_wait3A_757, %dma_wait3A_763] : memref<32x50xi32, #tpu.memory_space<vmem>> -> memref<1x50xi32, #tpu.memory_space<vmem>>
    %dma_wait3A_765 = tpu.memref_squeeze %dma_wait3A_764 : memref<1x50xi32, #tpu.memory_space<vmem>> -> memref<50xi32, #tpu.memory_space<vmem>>
    %dma_wait3A_766 = arith.constant 0 : i32
    %dma_wait3A_767 = arith.constant 0 : i32
    %dma_wait3A_768 = tpu.memref_slice %arg3[%dma_wait3A_766, %dma_wait3A_767] : memref<100000x64xf32, #tpu.memory_space<hbm>> -> memref<100000x64xf32, #tpu.memory_space<hbm>>
    tpu.wait_indirect_dma semaphore(%arg8 : memref<!tpu.dma_semaphore, #tpu.memory_space<semaphore_mem>>) src(%dma_wait3A_768 : memref<100000x64xf32, #tpu.memory_space<hbm>>) dst(%dma_wait3A_762 : memref<50x64xf32, #tpu.memory_space<vmem>>)
    %scan3A = arith.constant 0 : i32
    %scan3A_769 = arith.constant 0 : i32
    %scan3A_770 = arith.constant 32 : i32
    %scan3A_771 = arith.addi %scan3A_769, %scan3A_770 : i32
    %scan3A_772 = arith.constant 1 : i32
    %scan3A_773 = scf.for %scan3A_777 = %scan3A_769 to %scan3A_771 step %scan3A_772 iter_args(%scan3A_778 = %scan3A) -> (i32)  : i32 {
      %get3A = arith.constant 0 : i32
      %get3A_779 = arith.index_cast %scan3A_777 : i32 to index
      %get3A_780 = arith.index_cast %get3A : i32 to index
      %get3A_781 = arith.constant 0 : index
      %get3A_782 = tpu.vector_load %arg6[%get3A_779, %get3A_780, %get3A_781] {strides = array<i32>} : memref<32x50x64xf32, #tpu.memory_space<vmem>>, vector<1x1x16xf32>,
      %get3A_783 = vector.shape_cast %get3A_782 : vector<1x1x16xf32> to vector<16xf32>
      %get3A_784 = arith.constant 1 : i32
      %get3A_785 = arith.index_cast %scan3A_777 : i32 to index
      %get3A_786 = arith.index_cast %get3A_784 : i32 to index
      %get3A_787 = arith.constant 0 : index
      %get3A_788 = tpu.vector_load %arg6[%get3A_785, %get3A_786, %get3A_787] {strides = array<i32>} : memref<32x50x64xf32, #tpu.memory_space<vmem>>, vector<1x1x16xf32>,
      %get3A_789 = vector.shape_cast %get3A_788 : vector<1x1x16xf32> to vector<16xf32>
      %add3A_790 = arith.addf %get3A_783, %get3A_789 : vector<16xf32>
      %get3A_791 = arith.constant 2 : i32
      %get3A_792 = arith.index_cast %scan3A_777 : i32 to index
      %get3A_793 = arith.index_cast %get3A_791 : i32 to index
      %get3A_794 = arith.constant 0 : index
      %get3A_795 = tpu.vector_load %arg6[%get3A_792, %get3A_793, %get3A_794] {strides = array<i32>} : memref<32x50x64xf32, #tpu.memory_space<vmem>>, vector<1x1x16xf32>,
      %get3A_796 = vector.shape_cast %get3A_795 : vector<1x1x16xf32> to vector<16xf32>
      %add3A_797 = arith.addf %add3A_790, %get3A_796 : vector<16xf32>
      %get3A_798 = arith.constant 3 : i32
      %get3A_799 = arith.index_cast %scan3A_777 : i32 to index
      %get3A_800 = arith.index_cast %get3A_798 : i32 to index
      %get3A_801 = arith.constant 0 : index
      %get3A_802 = tpu.vector_load %arg6[%get3A_799, %get3A_800, %get3A_801] {strides = array<i32>} : memref<32x50x64xf32, #tpu.memory_space<vmem>>, vector<1x1x16xf32>,
      %get3A_803 = vector.shape_cast %get3A_802 : vector<1x1x16xf32> to vector<16xf32>
      %add3A_804 = arith.addf %add3A_797, %get3A_803 : vector<16xf32>
      %get3A_805 = arith.constant 4 : i32
      %get3A_806 = arith.index_cast %scan3A_777 : i32 to index
      %get3A_807 = arith.index_cast %get3A_805 : i32 to index
      %get3A_808 = arith.constant 0 : index
      %get3A_809 = tpu.vector_load %arg6[%get3A_806, %get3A_807, %get3A_808] {strides = array<i32>} : memref<32x50x64xf32, #tpu.memory_space<vmem>>, vector<1x1x16xf32>,
      %get3A_810 = vector.shape_cast %get3A_809 : vector<1x1x16xf32> to vector<16xf32>
      %add3A_811 = arith.addf %add3A_804, %get3A_810 : vector<16xf32>
      %get3A_812 = arith.constant 5 : i32
      %get3A_813 = arith.index_cast %scan3A_777 : i32 to index
      %get3A_814 = arith.index_cast %get3A_812 : i32 to index
      %get3A_815 = arith.constant 0 : index
      %get3A_816 = tpu.vector_load %arg6[%get3A_813, %get3A_814, %get3A_815] {strides = array<i32>} : memref<32x50x64xf32, #tpu.memory_space<vmem>>, vector<1x1x16xf32>,
      %get3A_817 = vector.shape_cast %get3A_816 : vector<1x1x16xf32> to vector<16xf32>
      %add3A_818 = arith.addf %add3A_811, %get3A_817 : vector<16xf32>
      %get3A_819 = arith.constant 6 : i32
      %get3A_820 = arith.index_cast %scan3A_777 : i32 to index
      %get3A_821 = arith.index_cast %get3A_819 : i32 to index
      %get3A_822 = arith.constant 0 : index
      %get3A_823 = tpu.vector_load %arg6[%get3A_820, %get3A_821, %get3A_822] {strides = array<i32>} : memref<32x50x64xf32, #tpu.memory_space<vmem>>, vector<1x1x16xf32>,
      %get3A_824 = vector.shape_cast %get3A_823 : vector<1x1x16xf32> to vector<16xf32>
      %add3A_825 = arith.addf %add3A_818, %get3A_824 : vector<16xf32>
      %get3A_826 = arith.constant 7 : i32
      %get3A_827 = arith.index_cast %scan3A_777 : i32 to index
      %get3A_828 = arith.index_cast %get3A_826 : i32 to index
      %get3A_829 = arith.constant 0 : index
      %get3A_830 = tpu.vector_load %arg6[%get3A_827, %get3A_828, %get3A_829] {strides = array<i32>} : memref<32x50x64xf32, #tpu.memory_space<vmem>>, vector<1x1x16xf32>,
      %get3A_831 = vector.shape_cast %get3A_830 : vector<1x1x16xf32> to vector<16xf32>
      %add3A_832 = arith.addf %add3A_825, %get3A_831 : vector<16xf32>
      %get3A_833 = arith.constant 8 : i32
      %get3A_834 = arith.index_cast %scan3A_777 : i32 to index
      %get3A_835 = arith.index_cast %get3A_833 : i32 to index
      %get3A_836 = arith.constant 0 : index
      %get3A_837 = tpu.vector_load %arg6[%get3A_834, %get3A_835, %get3A_836] {strides = array<i32>} : memref<32x50x64xf32, #tpu.memory_space<vmem>>, vector<1x1x16xf32>,
      %get3A_838 = vector.shape_cast %get3A_837 : vector<1x1x16xf32> to vector<16xf32>
      %add3A_839 = arith.addf %add3A_832, %get3A_838 : vector<16xf32>
      %get3A_840 = arith.constant 9 : i32
      %get3A_841 = arith.index_cast %scan3A_777 : i32 to index
      %get3A_842 = arith.index_cast %get3A_840 : i32 to index
      %get3A_843 = arith.constant 0 : index
      %get3A_844 = tpu.vector_load %arg6[%get3A_841, %get3A_842, %get3A_843] {strides = array<i32>} : memref<32x50x64xf32, #tpu.memory_space<vmem>>, vector<1x1x16xf32>,
      %get3A_845 = vector.shape_cast %get3A_844 : vector<1x1x16xf32> to vector<16xf32>
      %add3A_846 = arith.addf %add3A_839, %get3A_845 : vector<16xf32>
      %get3A_847 = arith.constant 10 : i32
      %get3A_848 = arith.index_cast %scan3A_777 : i32 to index
      %get3A_849 = arith.index_cast %get3A_847 : i32 to index
      %get3A_850 = arith.constant 0 : index
      %get3A_851 = tpu.vector_load %arg6[%get3A_848, %get3A_849, %get3A_850] {strides = array<i32>} : memref<32x50x64xf32, #tpu.memory_space<vmem>>, vector<1x1x16xf32>,
      %get3A_852 = vector.shape_cast %get3A_851 : vector<1x1x16xf32> to vector<16xf32>
      %add3A_853 = arith.addf %add3A_846, %get3A_852 : vector<16xf32>
      %get3A_854 = arith.constant 11 : i32
      %get3A_855 = arith.index_cast %scan3A_777 : i32 to index
      %get3A_856 = arith.index_cast %get3A_854 : i32 to index
      %get3A_857 = arith.constant 0 : index
      %get3A_858 = tpu.vector_load %arg6[%get3A_855, %get3A_856, %get3A_857] {strides = array<i32>} : memref<32x50x64xf32, #tpu.memory_space<vmem>>, vector<1x1x16xf32>,
      %get3A_859 = vector.shape_cast %get3A_858 : vector<1x1x16xf32> to vector<16xf32>
      %add3A_860 = arith.addf %add3A_853, %get3A_859 : vector<16xf32>
      %get3A_861 = arith.constant 12 : i32
      %get3A_862 = arith.index_cast %scan3A_777 : i32 to index
      %get3A_863 = arith.index_cast %get3A_861 : i32 to index
      %get3A_864 = arith.constant 0 : index
      %get3A_865 = tpu.vector_load %arg6[%get3A_862, %get3A_863, %get3A_864] {strides = array<i32>} : memref<32x50x64xf32, #tpu.memory_space<vmem>>, vector<1x1x16xf32>,
      %get3A_866 = vector.shape_cast %get3A_865 : vector<1x1x16xf32> to vector<16xf32>
      %add3A_867 = arith.addf %add3A_860, %get3A_866 : vector<16xf32>
      %get3A_868 = arith.constant 13 : i32
      %get3A_869 = arith.index_cast %scan3A_777 : i32 to index
      %get3A_870 = arith.index_cast %get3A_868 : i32 to index
      %get3A_871 = arith.constant 0 : index
      %get3A_872 = tpu.vector_load %arg6[%get3A_869, %get3A_870, %get3A_871] {strides = array<i32>} : memref<32x50x64xf32, #tpu.memory_space<vmem>>, vector<1x1x16xf32>,
      %get3A_873 = vector.shape_cast %get3A_872 : vector<1x1x16xf32> to vector<16xf32>
      %add3A_874 = arith.addf %add3A_867, %get3A_873 : vector<16xf32>
      %get3A_875 = arith.constant 14 : i32
      %get3A_876 = arith.index_cast %scan3A_777 : i32 to index
      %get3A_877 = arith.index_cast %get3A_875 : i32 to index
      %get3A_878 = arith.constant 0 : index
      %get3A_879 = tpu.vector_load %arg6[%get3A_876, %get3A_877, %get3A_878] {strides = array<i32>} : memref<32x50x64xf32, #tpu.memory_space<vmem>>, vector<1x1x16xf32>,
      %get3A_880 = vector.shape_cast %get3A_879 : vector<1x1x16xf32> to vector<16xf32>
      %add3A_881 = arith.addf %add3A_874, %get3A_880 : vector<16xf32>
      %get3A_882 = arith.constant 15 : i32
      %get3A_883 = arith.index_cast %scan3A_777 : i32 to index
      %get3A_884 = arith.index_cast %get3A_882 : i32 to index
      %get3A_885 = arith.constant 0 : index
      %get3A_886 = tpu.vector_load %arg6[%get3A_883, %get3A_884, %get3A_885] {strides = array<i32>} : memref<32x50x64xf32, #tpu.memory_space<vmem>>, vector<1x1x16xf32>,
      %get3A_887 = vector.shape_cast %get3A_886 : vector<1x1x16xf32> to vector<16xf32>
      %add3A_888 = arith.addf %add3A_881, %get3A_887 : vector<16xf32>
      %get3A_889 = arith.constant 16 : i32
      %get3A_890 = arith.index_cast %scan3A_777 : i32 to index
      %get3A_891 = arith.index_cast %get3A_889 : i32 to index
      %get3A_892 = arith.constant 0 : index
      %get3A_893 = tpu.vector_load %arg6[%get3A_890, %get3A_891, %get3A_892] {strides = array<i32>} : memref<32x50x64xf32, #tpu.memory_space<vmem>>, vector<1x1x16xf32>,
      %get3A_894 = vector.shape_cast %get3A_893 : vector<1x1x16xf32> to vector<16xf32>
      %add3A_895 = arith.addf %add3A_888, %get3A_894 : vector<16xf32>
      %get3A_896 = arith.constant 17 : i32
      %get3A_897 = arith.index_cast %scan3A_777 : i32 to index
      %get3A_898 = arith.index_cast %get3A_896 : i32 to index
      %get3A_899 = arith.constant 0 : index
      %get3A_900 = tpu.vector_load %arg6[%get3A_897, %get3A_898, %get3A_899] {strides = array<i32>} : memref<32x50x64xf32, #tpu.memory_space<vmem>>, vector<1x1x16xf32>,
      %get3A_901 = vector.shape_cast %get3A_900 : vector<1x1x16xf32> to vector<16xf32>
      %add3A_902 = arith.addf %add3A_895, %get3A_901 : vector<16xf32>
      %get3A_903 = arith.constant 18 : i32
      %get3A_904 = arith.index_cast %scan3A_777 : i32 to index
      %get3A_905 = arith.index_cast %get3A_903 : i32 to index
      %get3A_906 = arith.constant 0 : index
      %get3A_907 = tpu.vector_load %arg6[%get3A_904, %get3A_905, %get3A_906] {strides = array<i32>} : memref<32x50x64xf32, #tpu.memory_space<vmem>>, vector<1x1x16xf32>,
      %get3A_908 = vector.shape_cast %get3A_907 : vector<1x1x16xf32> to vector<16xf32>
      %add3A_909 = arith.addf %add3A_902, %get3A_908 : vector<16xf32>
      %get3A_910 = arith.constant 19 : i32
      %get3A_911 = arith.index_cast %scan3A_777 : i32 to index
      %get3A_912 = arith.index_cast %get3A_910 : i32 to index
      %get3A_913 = arith.constant 0 : index
      %get3A_914 = tpu.vector_load %arg6[%get3A_911, %get3A_912, %get3A_913] {strides = array<i32>} : memref<32x50x64xf32, #tpu.memory_space<vmem>>, vector<1x1x16xf32>,
      %get3A_915 = vector.shape_cast %get3A_914 : vector<1x1x16xf32> to vector<16xf32>
      %add3A_916 = arith.addf %add3A_909, %get3A_915 : vector<16xf32>
      %get3A_917 = arith.constant 20 : i32
      %get3A_918 = arith.index_cast %scan3A_777 : i32 to index
      %get3A_919 = arith.index_cast %get3A_917 : i32 to index
      %get3A_920 = arith.constant 0 : index
      %get3A_921 = tpu.vector_load %arg6[%get3A_918, %get3A_919, %get3A_920] {strides = array<i32>} : memref<32x50x64xf32, #tpu.memory_space<vmem>>, vector<1x1x16xf32>,
      %get3A_922 = vector.shape_cast %get3A_921 : vector<1x1x16xf32> to vector<16xf32>
      %add3A_923 = arith.addf %add3A_916, %get3A_922 : vector<16xf32>
      %get3A_924 = arith.constant 21 : i32
      %get3A_925 = arith.index_cast %scan3A_777 : i32 to index
      %get3A_926 = arith.index_cast %get3A_924 : i32 to index
      %get3A_927 = arith.constant 0 : index
      %get3A_928 = tpu.vector_load %arg6[%get3A_925, %get3A_926, %get3A_927] {strides = array<i32>} : memref<32x50x64xf32, #tpu.memory_space<vmem>>, vector<1x1x16xf32>,
      %get3A_929 = vector.shape_cast %get3A_928 : vector<1x1x16xf32> to vector<16xf32>
      %add3A_930 = arith.addf %add3A_923, %get3A_929 : vector<16xf32>
      %get3A_931 = arith.constant 22 : i32
      %get3A_932 = arith.index_cast %scan3A_777 : i32 to index
      %get3A_933 = arith.index_cast %get3A_931 : i32 to index
      %get3A_934 = arith.constant 0 : index
      %get3A_935 = tpu.vector_load %arg6[%get3A_932, %get3A_933, %get3A_934] {strides = array<i32>} : memref<32x50x64xf32, #tpu.memory_space<vmem>>, vector<1x1x16xf32>,
      %get3A_936 = vector.shape_cast %get3A_935 : vector<1x1x16xf32> to vector<16xf32>
      %add3A_937 = arith.addf %add3A_930, %get3A_936 : vector<16xf32>
      %get3A_938 = arith.constant 23 : i32
      %get3A_939 = arith.index_cast %scan3A_777 : i32 to index
      %get3A_940 = arith.index_cast %get3A_938 : i32 to index
      %get3A_941 = arith.constant 0 : index
      %get3A_942 = tpu.vector_load %arg6[%get3A_939, %get3A_940, %get3A_941] {strides = array<i32>} : memref<32x50x64xf32, #tpu.memory_space<vmem>>, vector<1x1x16xf32>,
      %get3A_943 = vector.shape_cast %get3A_942 : vector<1x1x16xf32> to vector<16xf32>
      %add3A_944 = arith.addf %add3A_937, %get3A_943 : vector<16xf32>
      %get3A_945 = arith.constant 24 : i32
      %get3A_946 = arith.index_cast %scan3A_777 : i32 to index
      %get3A_947 = arith.index_cast %get3A_945 : i32 to index
      %get3A_948 = arith.constant 0 : index
      %get3A_949 = tpu.vector_load %arg6[%get3A_946, %get3A_947, %get3A_948] {strides = array<i32>} : memref<32x50x64xf32, #tpu.memory_space<vmem>>, vector<1x1x16xf32>,
      %get3A_950 = vector.shape_cast %get3A_949 : vector<1x1x16xf32> to vector<16xf32>
      %add3A_951 = arith.addf %add3A_944, %get3A_950 : vector<16xf32>
      %get3A_952 = arith.constant 25 : i32
      %get3A_953 = arith.index_cast %scan3A_777 : i32 to index
      %get3A_954 = arith.index_cast %get3A_952 : i32 to index
      %get3A_955 = arith.constant 0 : index
      %get3A_956 = tpu.vector_load %arg6[%get3A_953, %get3A_954, %get3A_955] {strides = array<i32>} : memref<32x50x64xf32, #tpu.memory_space<vmem>>, vector<1x1x16xf32>,
      %get3A_957 = vector.shape_cast %get3A_956 : vector<1x1x16xf32> to vector<16xf32>
      %add3A_958 = arith.addf %add3A_951, %get3A_957 : vector<16xf32>
      %get3A_959 = arith.constant 26 : i32
      %get3A_960 = arith.index_cast %scan3A_777 : i32 to index
      %get3A_961 = arith.index_cast %get3A_959 : i32 to index
      %get3A_962 = arith.constant 0 : index
      %get3A_963 = tpu.vector_load %arg6[%get3A_960, %get3A_961, %get3A_962] {strides = array<i32>} : memref<32x50x64xf32, #tpu.memory_space<vmem>>, vector<1x1x16xf32>,
      %get3A_964 = vector.shape_cast %get3A_963 : vector<1x1x16xf32> to vector<16xf32>
      %add3A_965 = arith.addf %add3A_958, %get3A_964 : vector<16xf32>
      %get3A_966 = arith.constant 27 : i32
      %get3A_967 = arith.index_cast %scan3A_777 : i32 to index
      %get3A_968 = arith.index_cast %get3A_966 : i32 to index
      %get3A_969 = arith.constant 0 : index
      %get3A_970 = tpu.vector_load %arg6[%get3A_967, %get3A_968, %get3A_969] {strides = array<i32>} : memref<32x50x64xf32, #tpu.memory_space<vmem>>, vector<1x1x16xf32>,
      %get3A_971 = vector.shape_cast %get3A_970 : vector<1x1x16xf32> to vector<16xf32>
      %add3A_972 = arith.addf %add3A_965, %get3A_971 : vector<16xf32>
      %get3A_973 = arith.constant 28 : i32
      %get3A_974 = arith.index_cast %scan3A_777 : i32 to index
      %get3A_975 = arith.index_cast %get3A_973 : i32 to index
      %get3A_976 = arith.constant 0 : index
      %get3A_977 = tpu.vector_load %arg6[%get3A_974, %get3A_975, %get3A_976] {strides = array<i32>} : memref<32x50x64xf32, #tpu.memory_space<vmem>>, vector<1x1x16xf32>,
      %get3A_978 = vector.shape_cast %get3A_977 : vector<1x1x16xf32> to vector<16xf32>
      %add3A_979 = arith.addf %add3A_972, %get3A_978 : vector<16xf32>
      %get3A_980 = arith.constant 29 : i32
      %get3A_981 = arith.index_cast %scan3A_777 : i32 to index
      %get3A_982 = arith.index_cast %get3A_980 : i32 to index
      %get3A_983 = arith.constant 0 : index
      %get3A_984 = tpu.vector_load %arg6[%get3A_981, %get3A_982, %get3A_983] {strides = array<i32>} : memref<32x50x64xf32, #tpu.memory_space<vmem>>, vector<1x1x16xf32>,
      %get3A_985 = vector.shape_cast %get3A_984 : vector<1x1x16xf32> to vector<16xf32>
      %add3A_986 = arith.addf %add3A_979, %get3A_985 : vector<16xf32>
      %get3A_987 = arith.constant 30 : i32
      %get3A_988 = arith.index_cast %scan3A_777 : i32 to index
      %get3A_989 = arith.index_cast %get3A_987 : i32 to index
      %get3A_990 = arith.constant 0 : index
      %get3A_991 = tpu.vector_load %arg6[%get3A_988, %get3A_989, %get3A_990] {strides = array<i32>} : memref<32x50x64xf32, #tpu.memory_space<vmem>>, vector<1x1x16xf32>,
      %get3A_992 = vector.shape_cast %get3A_991 : vector<1x1x16xf32> to vector<16xf32>
      %add3A_993 = arith.addf %add3A_986, %get3A_992 : vector<16xf32>
      %get3A_994 = arith.constant 31 : i32
      %get3A_995 = arith.index_cast %scan3A_777 : i32 to index
      %get3A_996 = arith.index_cast %get3A_994 : i32 to index
      %get3A_997 = arith.constant 0 : index
      %get3A_998 = tpu.vector_load %arg6[%get3A_995, %get3A_996, %get3A_997] {strides = array<i32>} : memref<32x50x64xf32, #tpu.memory_space<vmem>>, vector<1x1x16xf32>,
      %get3A_999 = vector.shape_cast %get3A_998 : vector<1x1x16xf32> to vector<16xf32>
      %add3A_1000 = arith.addf %add3A_993, %get3A_999 : vector<16xf32>
      %get3A_1001 = arith.constant 32 : i32
      %get3A_1002 = arith.index_cast %scan3A_777 : i32 to index
      %get3A_1003 = arith.index_cast %get3A_1001 : i32 to index
      %get3A_1004 = arith.constant 0 : index
      %get3A_1005 = tpu.vector_load %arg6[%get3A_1002, %get3A_1003, %get3A_1004] {strides = array<i32>} : memref<32x50x64xf32, #tpu.memory_space<vmem>>, vector<1x1x16xf32>,
      %get3A_1006 = vector.shape_cast %get3A_1005 : vector<1x1x16xf32> to vector<16xf32>
      %add3A_1007 = arith.addf %add3A_1000, %get3A_1006 : vector<16xf32>
      %get3A_1008 = arith.constant 33 : i32
      %get3A_1009 = arith.index_cast %scan3A_777 : i32 to index
      %get3A_1010 = arith.index_cast %get3A_1008 : i32 to index
      %get3A_1011 = arith.constant 0 : index
      %get3A_1012 = tpu.vector_load %arg6[%get3A_1009, %get3A_1010, %get3A_1011] {strides = array<i32>} : memref<32x50x64xf32, #tpu.memory_space<vmem>>, vector<1x1x16xf32>,
      %get3A_1013 = vector.shape_cast %get3A_1012 : vector<1x1x16xf32> to vector<16xf32>
      %add3A_1014 = arith.addf %add3A_1007, %get3A_1013 : vector<16xf32>
      %get3A_1015 = arith.constant 34 : i32
      %get3A_1016 = arith.index_cast %scan3A_777 : i32 to index
      %get3A_1017 = arith.index_cast %get3A_1015 : i32 to index
      %get3A_1018 = arith.constant 0 : index
      %get3A_1019 = tpu.vector_load %arg6[%get3A_1016, %get3A_1017, %get3A_1018] {strides = array<i32>} : memref<32x50x64xf32, #tpu.memory_space<vmem>>, vector<1x1x16xf32>,
      %get3A_1020 = vector.shape_cast %get3A_1019 : vector<1x1x16xf32> to vector<16xf32>
      %add3A_1021 = arith.addf %add3A_1014, %get3A_1020 : vector<16xf32>
      %get3A_1022 = arith.constant 35 : i32
      %get3A_1023 = arith.index_cast %scan3A_777 : i32 to index
      %get3A_1024 = arith.index_cast %get3A_1022 : i32 to index
      %get3A_1025 = arith.constant 0 : index
      %get3A_1026 = tpu.vector_load %arg6[%get3A_1023, %get3A_1024, %get3A_1025] {strides = array<i32>} : memref<32x50x64xf32, #tpu.memory_space<vmem>>, vector<1x1x16xf32>,
      %get3A_1027 = vector.shape_cast %get3A_1026 : vector<1x1x16xf32> to vector<16xf32>
      %add3A_1028 = arith.addf %add3A_1021, %get3A_1027 : vector<16xf32>
      %get3A_1029 = arith.constant 36 : i32
      %get3A_1030 = arith.index_cast %scan3A_777 : i32 to index
      %get3A_1031 = arith.index_cast %get3A_1029 : i32 to index
      %get3A_1032 = arith.constant 0 : index
      %get3A_1033 = tpu.vector_load %arg6[%get3A_1030, %get3A_1031, %get3A_1032] {strides = array<i32>} : memref<32x50x64xf32, #tpu.memory_space<vmem>>, vector<1x1x16xf32>,
      %get3A_1034 = vector.shape_cast %get3A_1033 : vector<1x1x16xf32> to vector<16xf32>
      %add3A_1035 = arith.addf %add3A_1028, %get3A_1034 : vector<16xf32>
      %get3A_1036 = arith.constant 37 : i32
      %get3A_1037 = arith.index_cast %scan3A_777 : i32 to index
      %get3A_1038 = arith.index_cast %get3A_1036 : i32 to index
      %get3A_1039 = arith.constant 0 : index
      %get3A_1040 = tpu.vector_load %arg6[%get3A_1037, %get3A_1038, %get3A_1039] {strides = array<i32>} : memref<32x50x64xf32, #tpu.memory_space<vmem>>, vector<1x1x16xf32>,
      %get3A_1041 = vector.shape_cast %get3A_1040 : vector<1x1x16xf32> to vector<16xf32>
      %add3A_1042 = arith.addf %add3A_1035, %get3A_1041 : vector<16xf32>
      %get3A_1043 = arith.constant 38 : i32
      %get3A_1044 = arith.index_cast %scan3A_777 : i32 to index
      %get3A_1045 = arith.index_cast %get3A_1043 : i32 to index
      %get3A_1046 = arith.constant 0 : index
      %get3A_1047 = tpu.vector_load %arg6[%get3A_1044, %get3A_1045, %get3A_1046] {strides = array<i32>} : memref<32x50x64xf32, #tpu.memory_space<vmem>>, vector<1x1x16xf32>,
      %get3A_1048 = vector.shape_cast %get3A_1047 : vector<1x1x16xf32> to vector<16xf32>
      %add3A_1049 = arith.addf %add3A_1042, %get3A_1048 : vector<16xf32>
      %get3A_1050 = arith.constant 39 : i32
      %get3A_1051 = arith.index_cast %scan3A_777 : i32 to index
      %get3A_1052 = arith.index_cast %get3A_1050 : i32 to index
      %get3A_1053 = arith.constant 0 : index
      %get3A_1054 = tpu.vector_load %arg6[%get3A_1051, %get3A_1052, %get3A_1053] {strides = array<i32>} : memref<32x50x64xf32, #tpu.memory_space<vmem>>, vector<1x1x16xf32>,
      %get3A_1055 = vector.shape_cast %get3A_1054 : vector<1x1x16xf32> to vector<16xf32>
      %add3A_1056 = arith.addf %add3A_1049, %get3A_1055 : vector<16xf32>
      %get3A_1057 = arith.constant 40 : i32
      %get3A_1058 = arith.index_cast %scan3A_777 : i32 to index
      %get3A_1059 = arith.index_cast %get3A_1057 : i32 to index
      %get3A_1060 = arith.constant 0 : index
      %get3A_1061 = tpu.vector_load %arg6[%get3A_1058, %get3A_1059, %get3A_1060] {strides = array<i32>} : memref<32x50x64xf32, #tpu.memory_space<vmem>>, vector<1x1x16xf32>,
      %get3A_1062 = vector.shape_cast %get3A_1061 : vector<1x1x16xf32> to vector<16xf32>
      %add3A_1063 = arith.addf %add3A_1056, %get3A_1062 : vector<16xf32>
      %get3A_1064 = arith.constant 41 : i32
      %get3A_1065 = arith.index_cast %scan3A_777 : i32 to index
      %get3A_1066 = arith.index_cast %get3A_1064 : i32 to index
      %get3A_1067 = arith.constant 0 : index
      %get3A_1068 = tpu.vector_load %arg6[%get3A_1065, %get3A_1066, %get3A_1067] {strides = array<i32>} : memref<32x50x64xf32, #tpu.memory_space<vmem>>, vector<1x1x16xf32>,
      %get3A_1069 = vector.shape_cast %get3A_1068 : vector<1x1x16xf32> to vector<16xf32>
      %add3A_1070 = arith.addf %add3A_1063, %get3A_1069 : vector<16xf32>
      %get3A_1071 = arith.constant 42 : i32
      %get3A_1072 = arith.index_cast %scan3A_777 : i32 to index
      %get3A_1073 = arith.index_cast %get3A_1071 : i32 to index
      %get3A_1074 = arith.constant 0 : index
      %get3A_1075 = tpu.vector_load %arg6[%get3A_1072, %get3A_1073, %get3A_1074] {strides = array<i32>} : memref<32x50x64xf32, #tpu.memory_space<vmem>>, vector<1x1x16xf32>,
      %get3A_1076 = vector.shape_cast %get3A_1075 : vector<1x1x16xf32> to vector<16xf32>
      %add3A_1077 = arith.addf %add3A_1070, %get3A_1076 : vector<16xf32>
      %get3A_1078 = arith.constant 43 : i32
      %get3A_1079 = arith.index_cast %scan3A_777 : i32 to index
      %get3A_1080 = arith.index_cast %get3A_1078 : i32 to index
      %get3A_1081 = arith.constant 0 : index
      %get3A_1082 = tpu.vector_load %arg6[%get3A_1079, %get3A_1080, %get3A_1081] {strides = array<i32>} : memref<32x50x64xf32, #tpu.memory_space<vmem>>, vector<1x1x16xf32>,
      %get3A_1083 = vector.shape_cast %get3A_1082 : vector<1x1x16xf32> to vector<16xf32>
      %add3A_1084 = arith.addf %add3A_1077, %get3A_1083 : vector<16xf32>
      %get3A_1085 = arith.constant 44 : i32
      %get3A_1086 = arith.index_cast %scan3A_777 : i32 to index
      %get3A_1087 = arith.index_cast %get3A_1085 : i32 to index
      %get3A_1088 = arith.constant 0 : index
      %get3A_1089 = tpu.vector_load %arg6[%get3A_1086, %get3A_1087, %get3A_1088] {strides = array<i32>} : memref<32x50x64xf32, #tpu.memory_space<vmem>>, vector<1x1x16xf32>,
      %get3A_1090 = vector.shape_cast %get3A_1089 : vector<1x1x16xf32> to vector<16xf32>
      %add3A_1091 = arith.addf %add3A_1084, %get3A_1090 : vector<16xf32>
      %get3A_1092 = arith.constant 45 : i32
      %get3A_1093 = arith.index_cast %scan3A_777 : i32 to index
      %get3A_1094 = arith.index_cast %get3A_1092 : i32 to index
      %get3A_1095 = arith.constant 0 : index
      %get3A_1096 = tpu.vector_load %arg6[%get3A_1093, %get3A_1094, %get3A_1095] {strides = array<i32>} : memref<32x50x64xf32, #tpu.memory_space<vmem>>, vector<1x1x16xf32>,
      %get3A_1097 = vector.shape_cast %get3A_1096 : vector<1x1x16xf32> to vector<16xf32>
      %add3A_1098 = arith.addf %add3A_1091, %get3A_1097 : vector<16xf32>
      %get3A_1099 = arith.constant 46 : i32
      %get3A_1100 = arith.index_cast %scan3A_777 : i32 to index
      %get3A_1101 = arith.index_cast %get3A_1099 : i32 to index
      %get3A_1102 = arith.constant 0 : index
      %get3A_1103 = tpu.vector_load %arg6[%get3A_1100, %get3A_1101, %get3A_1102] {strides = array<i32>} : memref<32x50x64xf32, #tpu.memory_space<vmem>>, vector<1x1x16xf32>,
      %get3A_1104 = vector.shape_cast %get3A_1103 : vector<1x1x16xf32> to vector<16xf32>
      %add3A_1105 = arith.addf %add3A_1098, %get3A_1104 : vector<16xf32>
      %get3A_1106 = arith.constant 47 : i32
      %get3A_1107 = arith.index_cast %scan3A_777 : i32 to index
      %get3A_1108 = arith.index_cast %get3A_1106 : i32 to index
      %get3A_1109 = arith.constant 0 : index
      %get3A_1110 = tpu.vector_load %arg6[%get3A_1107, %get3A_1108, %get3A_1109] {strides = array<i32>} : memref<32x50x64xf32, #tpu.memory_space<vmem>>, vector<1x1x16xf32>,
      %get3A_1111 = vector.shape_cast %get3A_1110 : vector<1x1x16xf32> to vector<16xf32>
      %add3A_1112 = arith.addf %add3A_1105, %get3A_1111 : vector<16xf32>
      %get3A_1113 = arith.constant 48 : i32
      %get3A_1114 = arith.index_cast %scan3A_777 : i32 to index
      %get3A_1115 = arith.index_cast %get3A_1113 : i32 to index
      %get3A_1116 = arith.constant 0 : index
      %get3A_1117 = tpu.vector_load %arg6[%get3A_1114, %get3A_1115, %get3A_1116] {strides = array<i32>} : memref<32x50x64xf32, #tpu.memory_space<vmem>>, vector<1x1x16xf32>,
      %get3A_1118 = vector.shape_cast %get3A_1117 : vector<1x1x16xf32> to vector<16xf32>
      %add3A_1119 = arith.addf %add3A_1112, %get3A_1118 : vector<16xf32>
      %get3A_1120 = arith.constant 49 : i32
      %get3A_1121 = arith.index_cast %scan3A_777 : i32 to index
      %get3A_1122 = arith.index_cast %get3A_1120 : i32 to index
      %get3A_1123 = arith.constant 0 : index
      %get3A_1124 = tpu.vector_load %arg6[%get3A_1121, %get3A_1122, %get3A_1123] {strides = array<i32>} : memref<32x50x64xf32, #tpu.memory_space<vmem>>, vector<1x1x16xf32>,
      %get3A_1125 = vector.shape_cast %get3A_1124 : vector<1x1x16xf32> to vector<16xf32>
      %add3A_1126 = arith.addf %add3A_1119, %get3A_1125 : vector<16xf32>
      %swap3A = arith.index_cast %scan3A_777 : i32 to index
      %swap3A_1127 = arith.constant 0 : index
      %swap3A_1128 = tpu.vector_load %arg7[%swap3A, %swap3A_1127] {strides = array<i32>} : memref<32x64xf32, #tpu.memory_space<vmem>>, vector<1x16xf32>,
      %swap3A_1129 = vector.shape_cast %swap3A_1128 : vector<1x16xf32> to vector<16xf32>
      %swap3A_1130 = vector.shape_cast %add3A_1126 : vector<16xf32> to vector<1x16xf32>
      tpu.vector_store %arg7[%swap3A, %swap3A_1127], %swap3A_1130 {strides = array<i32>} : memref<32x64xf32, #tpu.memory_space<vmem>>, vector<1x16xf32>,
      %get3A_1131 = arith.constant 0 : i32
      %get3A_1132 = arith.index_cast %scan3A_777 : i32 to index
      %get3A_1133 = arith.index_cast %get3A_1131 : i32 to index
      %get3A_1134 = arith.constant 16 : index
      %get3A_1135 = tpu.vector_load %arg6[%get3A_1132, %get3A_1133, %get3A_1134] {strides = array<i32>} : memref<32x50x64xf32, #tpu.memory_space<vmem>>, vector<1x1x16xf32>,
      %get3A_1136 = vector.shape_cast %get3A_1135 : vector<1x1x16xf32> to vector<16xf32>
      %get3A_1137 = arith.constant 1 : i32
      %get3A_1138 = arith.index_cast %scan3A_777 : i32 to index
      %get3A_1139 = arith.index_cast %get3A_1137 : i32 to index
      %get3A_1140 = arith.constant 16 : index
      %get3A_1141 = tpu.vector_load %arg6[%get3A_1138, %get3A_1139, %get3A_1140] {strides = array<i32>} : memref<32x50x64xf32, #tpu.memory_space<vmem>>, vector<1x1x16xf32>,
      %get3A_1142 = vector.shape_cast %get3A_1141 : vector<1x1x16xf32> to vector<16xf32>
      %add3A_1143 = arith.addf %get3A_1136, %get3A_1142 : vector<16xf32>
      %get3A_1144 = arith.constant 2 : i32
      %get3A_1145 = arith.index_cast %scan3A_777 : i32 to index
      %get3A_1146 = arith.index_cast %get3A_1144 : i32 to index
      %get3A_1147 = arith.constant 16 : index
      %get3A_1148 = tpu.vector_load %arg6[%get3A_1145, %get3A_1146, %get3A_1147] {strides = array<i32>} : memref<32x50x64xf32, #tpu.memory_space<vmem>>, vector<1x1x16xf32>,
      %get3A_1149 = vector.shape_cast %get3A_1148 : vector<1x1x16xf32> to vector<16xf32>
      %add3A_1150 = arith.addf %add3A_1143, %get3A_1149 : vector<16xf32>
      %get3A_1151 = arith.constant 3 : i32
      %get3A_1152 = arith.index_cast %scan3A_777 : i32 to index
      %get3A_1153 = arith.index_cast %get3A_1151 : i32 to index
      %get3A_1154 = arith.constant 16 : index
      %get3A_1155 = tpu.vector_load %arg6[%get3A_1152, %get3A_1153, %get3A_1154] {strides = array<i32>} : memref<32x50x64xf32, #tpu.memory_space<vmem>>, vector<1x1x16xf32>,
      %get3A_1156 = vector.shape_cast %get3A_1155 : vector<1x1x16xf32> to vector<16xf32>
      %add3A_1157 = arith.addf %add3A_1150, %get3A_1156 : vector<16xf32>
      %get3A_1158 = arith.constant 4 : i32
      %get3A_1159 = arith.index_cast %scan3A_777 : i32 to index
      %get3A_1160 = arith.index_cast %get3A_1158 : i32 to index
      %get3A_1161 = arith.constant 16 : index
      %get3A_1162 = tpu.vector_load %arg6[%get3A_1159, %get3A_1160, %get3A_1161] {strides = array<i32>} : memref<32x50x64xf32, #tpu.memory_space<vmem>>, vector<1x1x16xf32>,
      %get3A_1163 = vector.shape_cast %get3A_1162 : vector<1x1x16xf32> to vector<16xf32>
      %add3A_1164 = arith.addf %add3A_1157, %get3A_1163 : vector<16xf32>
      %get3A_1165 = arith.constant 5 : i32
      %get3A_1166 = arith.index_cast %scan3A_777 : i32 to index
      %get3A_1167 = arith.index_cast %get3A_1165 : i32 to index
      %get3A_1168 = arith.constant 16 : index
      %get3A_1169 = tpu.vector_load %arg6[%get3A_1166, %get3A_1167, %get3A_1168] {strides = array<i32>} : memref<32x50x64xf32, #tpu.memory_space<vmem>>, vector<1x1x16xf32>,
      %get3A_1170 = vector.shape_cast %get3A_1169 : vector<1x1x16xf32> to vector<16xf32>
      %add3A_1171 = arith.addf %add3A_1164, %get3A_1170 : vector<16xf32>
      %get3A_1172 = arith.constant 6 : i32
      %get3A_1173 = arith.index_cast %scan3A_777 : i32 to index
      %get3A_1174 = arith.index_cast %get3A_1172 : i32 to index
      %get3A_1175 = arith.constant 16 : index
      %get3A_1176 = tpu.vector_load %arg6[%get3A_1173, %get3A_1174, %get3A_1175] {strides = array<i32>} : memref<32x50x64xf32, #tpu.memory_space<vmem>>, vector<1x1x16xf32>,
      %get3A_1177 = vector.shape_cast %get3A_1176 : vector<1x1x16xf32> to vector<16xf32>
      %add3A_1178 = arith.addf %add3A_1171, %get3A_1177 : vector<16xf32>
      %get3A_1179 = arith.constant 7 : i32
      %get3A_1180 = arith.index_cast %scan3A_777 : i32 to index
      %get3A_1181 = arith.index_cast %get3A_1179 : i32 to index
      %get3A_1182 = arith.constant 16 : index
      %get3A_1183 = tpu.vector_load %arg6[%get3A_1180, %get3A_1181, %get3A_1182] {strides = array<i32>} : memref<32x50x64xf32, #tpu.memory_space<vmem>>, vector<1x1x16xf32>,
      %get3A_1184 = vector.shape_cast %get3A_1183 : vector<1x1x16xf32> to vector<16xf32>
      %add3A_1185 = arith.addf %add3A_1178, %get3A_1184 : vector<16xf32>
      %get3A_1186 = arith.constant 8 : i32
      %get3A_1187 = arith.index_cast %scan3A_777 : i32 to index
      %get3A_1188 = arith.index_cast %get3A_1186 : i32 to index
      %get3A_1189 = arith.constant 16 : index
      %get3A_1190 = tpu.vector_load %arg6[%get3A_1187, %get3A_1188, %get3A_1189] {strides = array<i32>} : memref<32x50x64xf32, #tpu.memory_space<vmem>>, vector<1x1x16xf32>,
      %get3A_1191 = vector.shape_cast %get3A_1190 : vector<1x1x16xf32> to vector<16xf32>
      %add3A_1192 = arith.addf %add3A_1185, %get3A_1191 : vector<16xf32>
      %get3A_1193 = arith.constant 9 : i32
      %get3A_1194 = arith.index_cast %scan3A_777 : i32 to index
      %get3A_1195 = arith.index_cast %get3A_1193 : i32 to index
      %get3A_1196 = arith.constant 16 : index
      %get3A_1197 = tpu.vector_load %arg6[%get3A_1194, %get3A_1195, %get3A_1196] {strides = array<i32>} : memref<32x50x64xf32, #tpu.memory_space<vmem>>, vector<1x1x16xf32>,
      %get3A_1198 = vector.shape_cast %get3A_1197 : vector<1x1x16xf32> to vector<16xf32>
      %add3A_1199 = arith.addf %add3A_1192, %get3A_1198 : vector<16xf32>
      %get3A_1200 = arith.constant 10 : i32
      %get3A_1201 = arith.index_cast %scan3A_777 : i32 to index
      %get3A_1202 = arith.index_cast %get3A_1200 : i32 to index
      %get3A_1203 = arith.constant 16 : index
      %get3A_1204 = tpu.vector_load %arg6[%get3A_1201, %get3A_1202, %get3A_1203] {strides = array<i32>} : memref<32x50x64xf32, #tpu.memory_space<vmem>>, vector<1x1x16xf32>,
      %get3A_1205 = vector.shape_cast %get3A_1204 : vector<1x1x16xf32> to vector<16xf32>
      %add3A_1206 = arith.addf %add3A_1199, %get3A_1205 : vector<16xf32>
      %get3A_1207 = arith.constant 11 : i32
      %get3A_1208 = arith.index_cast %scan3A_777 : i32 to index
      %get3A_1209 = arith.index_cast %get3A_1207 : i32 to index
      %get3A_1210 = arith.constant 16 : index
      %get3A_1211 = tpu.vector_load %arg6[%get3A_1208, %get3A_1209, %get3A_1210] {strides = array<i32>} : memref<32x50x64xf32, #tpu.memory_space<vmem>>, vector<1x1x16xf32>,
      %get3A_1212 = vector.shape_cast %get3A_1211 : vector<1x1x16xf32> to vector<16xf32>
      %add3A_1213 = arith.addf %add3A_1206, %get3A_1212 : vector<16xf32>
      %get3A_1214 = arith.constant 12 : i32
      %get3A_1215 = arith.index_cast %scan3A_777 : i32 to index
      %get3A_1216 = arith.index_cast %get3A_1214 : i32 to index
      %get3A_1217 = arith.constant 16 : index
      %get3A_1218 = tpu.vector_load %arg6[%get3A_1215, %get3A_1216, %get3A_1217] {strides = array<i32>} : memref<32x50x64xf32, #tpu.memory_space<vmem>>, vector<1x1x16xf32>,
      %get3A_1219 = vector.shape_cast %get3A_1218 : vector<1x1x16xf32> to vector<16xf32>
      %add3A_1220 = arith.addf %add3A_1213, %get3A_1219 : vector<16xf32>
      %get3A_1221 = arith.constant 13 : i32
      %get3A_1222 = arith.index_cast %scan3A_777 : i32 to index
      %get3A_1223 = arith.index_cast %get3A_1221 : i32 to index
      %get3A_1224 = arith.constant 16 : index
      %get3A_1225 = tpu.vector_load %arg6[%get3A_1222, %get3A_1223, %get3A_1224] {strides = array<i32>} : memref<32x50x64xf32, #tpu.memory_space<vmem>>, vector<1x1x16xf32>,
      %get3A_1226 = vector.shape_cast %get3A_1225 : vector<1x1x16xf32> to vector<16xf32>
      %add3A_1227 = arith.addf %add3A_1220, %get3A_1226 : vector<16xf32>
      %get3A_1228 = arith.constant 14 : i32
      %get3A_1229 = arith.index_cast %scan3A_777 : i32 to index
      %get3A_1230 = arith.index_cast %get3A_1228 : i32 to index
      %get3A_1231 = arith.constant 16 : index
      %get3A_1232 = tpu.vector_load %arg6[%get3A_1229, %get3A_1230, %get3A_1231] {strides = array<i32>} : memref<32x50x64xf32, #tpu.memory_space<vmem>>, vector<1x1x16xf32>,
      %get3A_1233 = vector.shape_cast %get3A_1232 : vector<1x1x16xf32> to vector<16xf32>
      %add3A_1234 = arith.addf %add3A_1227, %get3A_1233 : vector<16xf32>
      %get3A_1235 = arith.constant 15 : i32
      %get3A_1236 = arith.index_cast %scan3A_777 : i32 to index
      %get3A_1237 = arith.index_cast %get3A_1235 : i32 to index
      %get3A_1238 = arith.constant 16 : index
      %get3A_1239 = tpu.vector_load %arg6[%get3A_1236, %get3A_1237, %get3A_1238] {strides = array<i32>} : memref<32x50x64xf32, #tpu.memory_space<vmem>>, vector<1x1x16xf32>,
      %get3A_1240 = vector.shape_cast %get3A_1239 : vector<1x1x16xf32> to vector<16xf32>
      %add3A_1241 = arith.addf %add3A_1234, %get3A_1240 : vector<16xf32>
      %get3A_1242 = arith.constant 16 : i32
      %get3A_1243 = arith.index_cast %scan3A_777 : i32 to index
      %get3A_1244 = arith.index_cast %get3A_1242 : i32 to index
      %get3A_1245 = arith.constant 16 : index
      %get3A_1246 = tpu.vector_load %arg6[%get3A_1243, %get3A_1244, %get3A_1245] {strides = array<i32>} : memref<32x50x64xf32, #tpu.memory_space<vmem>>, vector<1x1x16xf32>,
      %get3A_1247 = vector.shape_cast %get3A_1246 : vector<1x1x16xf32> to vector<16xf32>
      %add3A_1248 = arith.addf %add3A_1241, %get3A_1247 : vector<16xf32>
      %get3A_1249 = arith.constant 17 : i32
      %get3A_1250 = arith.index_cast %scan3A_777 : i32 to index
      %get3A_1251 = arith.index_cast %get3A_1249 : i32 to index
      %get3A_1252 = arith.constant 16 : index
      %get3A_1253 = tpu.vector_load %arg6[%get3A_1250, %get3A_1251, %get3A_1252] {strides = array<i32>} : memref<32x50x64xf32, #tpu.memory_space<vmem>>, vector<1x1x16xf32>,
      %get3A_1254 = vector.shape_cast %get3A_1253 : vector<1x1x16xf32> to vector<16xf32>
      %add3A_1255 = arith.addf %add3A_1248, %get3A_1254 : vector<16xf32>
      %get3A_1256 = arith.constant 18 : i32
      %get3A_1257 = arith.index_cast %scan3A_777 : i32 to index
      %get3A_1258 = arith.index_cast %get3A_1256 : i32 to index
      %get3A_1259 = arith.constant 16 : index
      %get3A_1260 = tpu.vector_load %arg6[%get3A_1257, %get3A_1258, %get3A_1259] {strides = array<i32>} : memref<32x50x64xf32, #tpu.memory_space<vmem>>, vector<1x1x16xf32>,
      %get3A_1261 = vector.shape_cast %get3A_1260 : vector<1x1x16xf32> to vector<16xf32>
      %add3A_1262 = arith.addf %add3A_1255, %get3A_1261 : vector<16xf32>
      %get3A_1263 = arith.constant 19 : i32
      %get3A_1264 = arith.index_cast %scan3A_777 : i32 to index
      %get3A_1265 = arith.index_cast %get3A_1263 : i32 to index
      %get3A_1266 = arith.constant 16 : index
      %get3A_1267 = tpu.vector_load %arg6[%get3A_1264, %get3A_1265, %get3A_1266] {strides = array<i32>} : memref<32x50x64xf32, #tpu.memory_space<vmem>>, vector<1x1x16xf32>,
      %get3A_1268 = vector.shape_cast %get3A_1267 : vector<1x1x16xf32> to vector<16xf32>
      %add3A_1269 = arith.addf %add3A_1262, %get3A_1268 : vector<16xf32>
      %get3A_1270 = arith.constant 20 : i32
      %get3A_1271 = arith.index_cast %scan3A_777 : i32 to index
      %get3A_1272 = arith.index_cast %get3A_1270 : i32 to index
      %get3A_1273 = arith.constant 16 : index
      %get3A_1274 = tpu.vector_load %arg6[%get3A_1271, %get3A_1272, %get3A_1273] {strides = array<i32>} : memref<32x50x64xf32, #tpu.memory_space<vmem>>, vector<1x1x16xf32>,
      %get3A_1275 = vector.shape_cast %get3A_1274 : vector<1x1x16xf32> to vector<16xf32>
      %add3A_1276 = arith.addf %add3A_1269, %get3A_1275 : vector<16xf32>
      %get3A_1277 = arith.constant 21 : i32
      %get3A_1278 = arith.index_cast %scan3A_777 : i32 to index
      %get3A_1279 = arith.index_cast %get3A_1277 : i32 to index
      %get3A_1280 = arith.constant 16 : index
      %get3A_1281 = tpu.vector_load %arg6[%get3A_1278, %get3A_1279, %get3A_1280] {strides = array<i32>} : memref<32x50x64xf32, #tpu.memory_space<vmem>>, vector<1x1x16xf32>,
      %get3A_1282 = vector.shape_cast %get3A_1281 : vector<1x1x16xf32> to vector<16xf32>
      %add3A_1283 = arith.addf %add3A_1276, %get3A_1282 : vector<16xf32>
      %get3A_1284 = arith.constant 22 : i32
      %get3A_1285 = arith.index_cast %scan3A_777 : i32 to index
      %get3A_1286 = arith.index_cast %get3A_1284 : i32 to index
      %get3A_1287 = arith.constant 16 : index
      %get3A_1288 = tpu.vector_load %arg6[%get3A_1285, %get3A_1286, %get3A_1287] {strides = array<i32>} : memref<32x50x64xf32, #tpu.memory_space<vmem>>, vector<1x1x16xf32>,
      %get3A_1289 = vector.shape_cast %get3A_1288 : vector<1x1x16xf32> to vector<16xf32>
      %add3A_1290 = arith.addf %add3A_1283, %get3A_1289 : vector<16xf32>
      %get3A_1291 = arith.constant 23 : i32
      %get3A_1292 = arith.index_cast %scan3A_777 : i32 to index
      %get3A_1293 = arith.index_cast %get3A_1291 : i32 to index
      %get3A_1294 = arith.constant 16 : index
      %get3A_1295 = tpu.vector_load %arg6[%get3A_1292, %get3A_1293, %get3A_1294] {strides = array<i32>} : memref<32x50x64xf32, #tpu.memory_space<vmem>>, vector<1x1x16xf32>,
      %get3A_1296 = vector.shape_cast %get3A_1295 : vector<1x1x16xf32> to vector<16xf32>
      %add3A_1297 = arith.addf %add3A_1290, %get3A_1296 : vector<16xf32>
      %get3A_1298 = arith.constant 24 : i32
      %get3A_1299 = arith.index_cast %scan3A_777 : i32 to index
      %get3A_1300 = arith.index_cast %get3A_1298 : i32 to index
      %get3A_1301 = arith.constant 16 : index
      %get3A_1302 = tpu.vector_load %arg6[%get3A_1299, %get3A_1300, %get3A_1301] {strides = array<i32>} : memref<32x50x64xf32, #tpu.memory_space<vmem>>, vector<1x1x16xf32>,
      %get3A_1303 = vector.shape_cast %get3A_1302 : vector<1x1x16xf32> to vector<16xf32>
      %add3A_1304 = arith.addf %add3A_1297, %get3A_1303 : vector<16xf32>
      %get3A_1305 = arith.constant 25 : i32
      %get3A_1306 = arith.index_cast %scan3A_777 : i32 to index
      %get3A_1307 = arith.index_cast %get3A_1305 : i32 to index
      %get3A_1308 = arith.constant 16 : index
      %get3A_1309 = tpu.vector_load %arg6[%get3A_1306, %get3A_1307, %get3A_1308] {strides = array<i32>} : memref<32x50x64xf32, #tpu.memory_space<vmem>>, vector<1x1x16xf32>,
      %get3A_1310 = vector.shape_cast %get3A_1309 : vector<1x1x16xf32> to vector<16xf32>
      %add3A_1311 = arith.addf %add3A_1304, %get3A_1310 : vector<16xf32>
      %get3A_1312 = arith.constant 26 : i32
      %get3A_1313 = arith.index_cast %scan3A_777 : i32 to index
      %get3A_1314 = arith.index_cast %get3A_1312 : i32 to index
      %get3A_1315 = arith.constant 16 : index
      %get3A_1316 = tpu.vector_load %arg6[%get3A_1313, %get3A_1314, %get3A_1315] {strides = array<i32>} : memref<32x50x64xf32, #tpu.memory_space<vmem>>, vector<1x1x16xf32>,
      %get3A_1317 = vector.shape_cast %get3A_1316 : vector<1x1x16xf32> to vector<16xf32>
      %add3A_1318 = arith.addf %add3A_1311, %get3A_1317 : vector<16xf32>
      %get3A_1319 = arith.constant 27 : i32
      %get3A_1320 = arith.index_cast %scan3A_777 : i32 to index
      %get3A_1321 = arith.index_cast %get3A_1319 : i32 to index
      %get3A_1322 = arith.constant 16 : index
      %get3A_1323 = tpu.vector_load %arg6[%get3A_1320, %get3A_1321, %get3A_1322] {strides = array<i32>} : memref<32x50x64xf32, #tpu.memory_space<vmem>>, vector<1x1x16xf32>,
      %get3A_1324 = vector.shape_cast %get3A_1323 : vector<1x1x16xf32> to vector<16xf32>
      %add3A_1325 = arith.addf %add3A_1318, %get3A_1324 : vector<16xf32>
      %get3A_1326 = arith.constant 28 : i32
      %get3A_1327 = arith.index_cast %scan3A_777 : i32 to index
      %get3A_1328 = arith.index_cast %get3A_1326 : i32 to index
      %get3A_1329 = arith.constant 16 : index
      %get3A_1330 = tpu.vector_load %arg6[%get3A_1327, %get3A_1328, %get3A_1329] {strides = array<i32>} : memref<32x50x64xf32, #tpu.memory_space<vmem>>, vector<1x1x16xf32>,
      %get3A_1331 = vector.shape_cast %get3A_1330 : vector<1x1x16xf32> to vector<16xf32>
      %add3A_1332 = arith.addf %add3A_1325, %get3A_1331 : vector<16xf32>
      %get3A_1333 = arith.constant 29 : i32
      %get3A_1334 = arith.index_cast %scan3A_777 : i32 to index
      %get3A_1335 = arith.index_cast %get3A_1333 : i32 to index
      %get3A_1336 = arith.constant 16 : index
      %get3A_1337 = tpu.vector_load %arg6[%get3A_1334, %get3A_1335, %get3A_1336] {strides = array<i32>} : memref<32x50x64xf32, #tpu.memory_space<vmem>>, vector<1x1x16xf32>,
      %get3A_1338 = vector.shape_cast %get3A_1337 : vector<1x1x16xf32> to vector<16xf32>
      %add3A_1339 = arith.addf %add3A_1332, %get3A_1338 : vector<16xf32>
      %get3A_1340 = arith.constant 30 : i32
      %get3A_1341 = arith.index_cast %scan3A_777 : i32 to index
      %get3A_1342 = arith.index_cast %get3A_1340 : i32 to index
      %get3A_1343 = arith.constant 16 : index
      %get3A_1344 = tpu.vector_load %arg6[%get3A_1341, %get3A_1342, %get3A_1343] {strides = array<i32>} : memref<32x50x64xf32, #tpu.memory_space<vmem>>, vector<1x1x16xf32>,
      %get3A_1345 = vector.shape_cast %get3A_1344 : vector<1x1x16xf32> to vector<16xf32>
      %add3A_1346 = arith.addf %add3A_1339, %get3A_1345 : vector<16xf32>
      %get3A_1347 = arith.constant 31 : i32
      %get3A_1348 = arith.index_cast %scan3A_777 : i32 to index
      %get3A_1349 = arith.index_cast %get3A_1347 : i32 to index
      %get3A_1350 = arith.constant 16 : index
      %get3A_1351 = tpu.vector_load %arg6[%get3A_1348, %get3A_1349, %get3A_1350] {strides = array<i32>} : memref<32x50x64xf32, #tpu.memory_space<vmem>>, vector<1x1x16xf32>,
      %get3A_1352 = vector.shape_cast %get3A_1351 : vector<1x1x16xf32> to vector<16xf32>
      %add3A_1353 = arith.addf %add3A_1346, %get3A_1352 : vector<16xf32>
      %get3A_1354 = arith.constant 32 : i32
      %get3A_1355 = arith.index_cast %scan3A_777 : i32 to index
      %get3A_1356 = arith.index_cast %get3A_1354 : i32 to index
      %get3A_1357 = arith.constant 16 : index
      %get3A_1358 = tpu.vector_load %arg6[%get3A_1355, %get3A_1356, %get3A_1357] {strides = array<i32>} : memref<32x50x64xf32, #tpu.memory_space<vmem>>, vector<1x1x16xf32>,
      %get3A_1359 = vector.shape_cast %get3A_1358 : vector<1x1x16xf32> to vector<16xf32>
      %add3A_1360 = arith.addf %add3A_1353, %get3A_1359 : vector<16xf32>
      %get3A_1361 = arith.constant 33 : i32
      %get3A_1362 = arith.index_cast %scan3A_777 : i32 to index
      %get3A_1363 = arith.index_cast %get3A_1361 : i32 to index
      %get3A_1364 = arith.constant 16 : index
      %get3A_1365 = tpu.vector_load %arg6[%get3A_1362, %get3A_1363, %get3A_1364] {strides = array<i32>} : memref<32x50x64xf32, #tpu.memory_space<vmem>>, vector<1x1x16xf32>,
      %get3A_1366 = vector.shape_cast %get3A_1365 : vector<1x1x16xf32> to vector<16xf32>
      %add3A_1367 = arith.addf %add3A_1360, %get3A_1366 : vector<16xf32>
      %get3A_1368 = arith.constant 34 : i32
      %get3A_1369 = arith.index_cast %scan3A_777 : i32 to index
      %get3A_1370 = arith.index_cast %get3A_1368 : i32 to index
      %get3A_1371 = arith.constant 16 : index
      %get3A_1372 = tpu.vector_load %arg6[%get3A_1369, %get3A_1370, %get3A_1371] {strides = array<i32>} : memref<32x50x64xf32, #tpu.memory_space<vmem>>, vector<1x1x16xf32>,
      %get3A_1373 = vector.shape_cast %get3A_1372 : vector<1x1x16xf32> to vector<16xf32>
      %add3A_1374 = arith.addf %add3A_1367, %get3A_1373 : vector<16xf32>
      %get3A_1375 = arith.constant 35 : i32
      %get3A_1376 = arith.index_cast %scan3A_777 : i32 to index
      %get3A_1377 = arith.index_cast %get3A_1375 : i32 to index
      %get3A_1378 = arith.constant 16 : index
      %get3A_1379 = tpu.vector_load %arg6[%get3A_1376, %get3A_1377, %get3A_1378] {strides = array<i32>} : memref<32x50x64xf32, #tpu.memory_space<vmem>>, vector<1x1x16xf32>,
      %get3A_1380 = vector.shape_cast %get3A_1379 : vector<1x1x16xf32> to vector<16xf32>
      %add3A_1381 = arith.addf %add3A_1374, %get3A_1380 : vector<16xf32>
      %get3A_1382 = arith.constant 36 : i32
      %get3A_1383 = arith.index_cast %scan3A_777 : i32 to index
      %get3A_1384 = arith.index_cast %get3A_1382 : i32 to index
      %get3A_1385 = arith.constant 16 : index
      %get3A_1386 = tpu.vector_load %arg6[%get3A_1383, %get3A_1384, %get3A_1385] {strides = array<i32>} : memref<32x50x64xf32, #tpu.memory_space<vmem>>, vector<1x1x16xf32>,
      %get3A_1387 = vector.shape_cast %get3A_1386 : vector<1x1x16xf32> to vector<16xf32>
      %add3A_1388 = arith.addf %add3A_1381, %get3A_1387 : vector<16xf32>
      %get3A_1389 = arith.constant 37 : i32
      %get3A_1390 = arith.index_cast %scan3A_777 : i32 to index
      %get3A_1391 = arith.index_cast %get3A_1389 : i32 to index
      %get3A_1392 = arith.constant 16 : index
      %get3A_1393 = tpu.vector_load %arg6[%get3A_1390, %get3A_1391, %get3A_1392] {strides = array<i32>} : memref<32x50x64xf32, #tpu.memory_space<vmem>>, vector<1x1x16xf32>,
      %get3A_1394 = vector.shape_cast %get3A_1393 : vector<1x1x16xf32> to vector<16xf32>
      %add3A_1395 = arith.addf %add3A_1388, %get3A_1394 : vector<16xf32>
      %get3A_1396 = arith.constant 38 : i32
      %get3A_1397 = arith.index_cast %scan3A_777 : i32 to index
      %get3A_1398 = arith.index_cast %get3A_1396 : i32 to index
      %get3A_1399 = arith.constant 16 : index
      %get3A_1400 = tpu.vector_load %arg6[%get3A_1397, %get3A_1398, %get3A_1399] {strides = array<i32>} : memref<32x50x64xf32, #tpu.memory_space<vmem>>, vector<1x1x16xf32>,
      %get3A_1401 = vector.shape_cast %get3A_1400 : vector<1x1x16xf32> to vector<16xf32>
      %add3A_1402 = arith.addf %add3A_1395, %get3A_1401 : vector<16xf32>
      %get3A_1403 = arith.constant 39 : i32
      %get3A_1404 = arith.index_cast %scan3A_777 : i32 to index
      %get3A_1405 = arith.index_cast %get3A_1403 : i32 to index
      %get3A_1406 = arith.constant 16 : index
      %get3A_1407 = tpu.vector_load %arg6[%get3A_1404, %get3A_1405, %get3A_1406] {strides = array<i32>} : memref<32x50x64xf32, #tpu.memory_space<vmem>>, vector<1x1x16xf32>,
      %get3A_1408 = vector.shape_cast %get3A_1407 : vector<1x1x16xf32> to vector<16xf32>
      %add3A_1409 = arith.addf %add3A_1402, %get3A_1408 : vector<16xf32>
      %get3A_1410 = arith.constant 40 : i32
      %get3A_1411 = arith.index_cast %scan3A_777 : i32 to index
      %get3A_1412 = arith.index_cast %get3A_1410 : i32 to index
      %get3A_1413 = arith.constant 16 : index
      %get3A_1414 = tpu.vector_load %arg6[%get3A_1411, %get3A_1412, %get3A_1413] {strides = array<i32>} : memref<32x50x64xf32, #tpu.memory_space<vmem>>, vector<1x1x16xf32>,
      %get3A_1415 = vector.shape_cast %get3A_1414 : vector<1x1x16xf32> to vector<16xf32>
      %add3A_1416 = arith.addf %add3A_1409, %get3A_1415 : vector<16xf32>
      %get3A_1417 = arith.constant 41 : i32
      %get3A_1418 = arith.index_cast %scan3A_777 : i32 to index
      %get3A_1419 = arith.index_cast %get3A_1417 : i32 to index
      %get3A_1420 = arith.constant 16 : index
      %get3A_1421 = tpu.vector_load %arg6[%get3A_1418, %get3A_1419, %get3A_1420] {strides = array<i32>} : memref<32x50x64xf32, #tpu.memory_space<vmem>>, vector<1x1x16xf32>,
      %get3A_1422 = vector.shape_cast %get3A_1421 : vector<1x1x16xf32> to vector<16xf32>
      %add3A_1423 = arith.addf %add3A_1416, %get3A_1422 : vector<16xf32>
      %get3A_1424 = arith.constant 42 : i32
      %get3A_1425 = arith.index_cast %scan3A_777 : i32 to index
      %get3A_1426 = arith.index_cast %get3A_1424 : i32 to index
      %get3A_1427 = arith.constant 16 : index
      %get3A_1428 = tpu.vector_load %arg6[%get3A_1425, %get3A_1426, %get3A_1427] {strides = array<i32>} : memref<32x50x64xf32, #tpu.memory_space<vmem>>, vector<1x1x16xf32>,
      %get3A_1429 = vector.shape_cast %get3A_1428 : vector<1x1x16xf32> to vector<16xf32>
      %add3A_1430 = arith.addf %add3A_1423, %get3A_1429 : vector<16xf32>
      %get3A_1431 = arith.constant 43 : i32
      %get3A_1432 = arith.index_cast %scan3A_777 : i32 to index
      %get3A_1433 = arith.index_cast %get3A_1431 : i32 to index
      %get3A_1434 = arith.constant 16 : index
      %get3A_1435 = tpu.vector_load %arg6[%get3A_1432, %get3A_1433, %get3A_1434] {strides = array<i32>} : memref<32x50x64xf32, #tpu.memory_space<vmem>>, vector<1x1x16xf32>,
      %get3A_1436 = vector.shape_cast %get3A_1435 : vector<1x1x16xf32> to vector<16xf32>
      %add3A_1437 = arith.addf %add3A_1430, %get3A_1436 : vector<16xf32>
      %get3A_1438 = arith.constant 44 : i32
      %get3A_1439 = arith.index_cast %scan3A_777 : i32 to index
      %get3A_1440 = arith.index_cast %get3A_1438 : i32 to index
      %get3A_1441 = arith.constant 16 : index
      %get3A_1442 = tpu.vector_load %arg6[%get3A_1439, %get3A_1440, %get3A_1441] {strides = array<i32>} : memref<32x50x64xf32, #tpu.memory_space<vmem>>, vector<1x1x16xf32>,
      %get3A_1443 = vector.shape_cast %get3A_1442 : vector<1x1x16xf32> to vector<16xf32>
      %add3A_1444 = arith.addf %add3A_1437, %get3A_1443 : vector<16xf32>
      %get3A_1445 = arith.constant 45 : i32
      %get3A_1446 = arith.index_cast %scan3A_777 : i32 to index
      %get3A_1447 = arith.index_cast %get3A_1445 : i32 to index
      %get3A_1448 = arith.constant 16 : index
      %get3A_1449 = tpu.vector_load %arg6[%get3A_1446, %get3A_1447, %get3A_1448] {strides = array<i32>} : memref<32x50x64xf32, #tpu.memory_space<vmem>>, vector<1x1x16xf32>,
      %get3A_1450 = vector.shape_cast %get3A_1449 : vector<1x1x16xf32> to vector<16xf32>
      %add3A_1451 = arith.addf %add3A_1444, %get3A_1450 : vector<16xf32>
      %get3A_1452 = arith.constant 46 : i32
      %get3A_1453 = arith.index_cast %scan3A_777 : i32 to index
      %get3A_1454 = arith.index_cast %get3A_1452 : i32 to index
      %get3A_1455 = arith.constant 16 : index
      %get3A_1456 = tpu.vector_load %arg6[%get3A_1453, %get3A_1454, %get3A_1455] {strides = array<i32>} : memref<32x50x64xf32, #tpu.memory_space<vmem>>, vector<1x1x16xf32>,
      %get3A_1457 = vector.shape_cast %get3A_1456 : vector<1x1x16xf32> to vector<16xf32>
      %add3A_1458 = arith.addf %add3A_1451, %get3A_1457 : vector<16xf32>
      %get3A_1459 = arith.constant 47 : i32
      %get3A_1460 = arith.index_cast %scan3A_777 : i32 to index
      %get3A_1461 = arith.index_cast %get3A_1459 : i32 to index
      %get3A_1462 = arith.constant 16 : index
      %get3A_1463 = tpu.vector_load %arg6[%get3A_1460, %get3A_1461, %get3A_1462] {strides = array<i32>} : memref<32x50x64xf32, #tpu.memory_space<vmem>>, vector<1x1x16xf32>,
      %get3A_1464 = vector.shape_cast %get3A_1463 : vector<1x1x16xf32> to vector<16xf32>
      %add3A_1465 = arith.addf %add3A_1458, %get3A_1464 : vector<16xf32>
      %get3A_1466 = arith.constant 48 : i32
      %get3A_1467 = arith.index_cast %scan3A_777 : i32 to index
      %get3A_1468 = arith.index_cast %get3A_1466 : i32 to index
      %get3A_1469 = arith.constant 16 : index
      %get3A_1470 = tpu.vector_load %arg6[%get3A_1467, %get3A_1468, %get3A_1469] {strides = array<i32>} : memref<32x50x64xf32, #tpu.memory_space<vmem>>, vector<1x1x16xf32>,
      %get3A_1471 = vector.shape_cast %get3A_1470 : vector<1x1x16xf32> to vector<16xf32>
      %add3A_1472 = arith.addf %add3A_1465, %get3A_1471 : vector<16xf32>
      %get3A_1473 = arith.constant 49 : i32
      %get3A_1474 = arith.index_cast %scan3A_777 : i32 to index
      %get3A_1475 = arith.index_cast %get3A_1473 : i32 to index
      %get3A_1476 = arith.constant 16 : index
      %get3A_1477 = tpu.vector_load %arg6[%get3A_1474, %get3A_1475, %get3A_1476] {strides = array<i32>} : memref<32x50x64xf32, #tpu.memory_space<vmem>>, vector<1x1x16xf32>,
      %get3A_1478 = vector.shape_cast %get3A_1477 : vector<1x1x16xf32> to vector<16xf32>
      %add3A_1479 = arith.addf %add3A_1472, %get3A_1478 : vector<16xf32>
      %swap3A_1480 = arith.index_cast %scan3A_777 : i32 to index
      %swap3A_1481 = arith.constant 16 : index
      %swap3A_1482 = tpu.vector_load %arg7[%swap3A_1480, %swap3A_1481] {strides = array<i32>} : memref<32x64xf32, #tpu.memory_space<vmem>>, vector<1x16xf32>,
      %swap3A_1483 = vector.shape_cast %swap3A_1482 : vector<1x16xf32> to vector<16xf32>
      %swap3A_1484 = vector.shape_cast %add3A_1479 : vector<16xf32> to vector<1x16xf32>
      tpu.vector_store %arg7[%swap3A_1480, %swap3A_1481], %swap3A_1484 {strides = array<i32>} : memref<32x64xf32, #tpu.memory_space<vmem>>, vector<1x16xf32>,
      %get3A_1485 = arith.constant 0 : i32
      %get3A_1486 = arith.index_cast %scan3A_777 : i32 to index
      %get3A_1487 = arith.index_cast %get3A_1485 : i32 to index
      %get3A_1488 = arith.constant 32 : index
      %get3A_1489 = tpu.vector_load %arg6[%get3A_1486, %get3A_1487, %get3A_1488] {strides = array<i32>} : memref<32x50x64xf32, #tpu.memory_space<vmem>>, vector<1x1x16xf32>,
      %get3A_1490 = vector.shape_cast %get3A_1489 : vector<1x1x16xf32> to vector<16xf32>
      %get3A_1491 = arith.constant 1 : i32
      %get3A_1492 = arith.index_cast %scan3A_777 : i32 to index
      %get3A_1493 = arith.index_cast %get3A_1491 : i32 to index
      %get3A_1494 = arith.constant 32 : index
      %get3A_1495 = tpu.vector_load %arg6[%get3A_1492, %get3A_1493, %get3A_1494] {strides = array<i32>} : memref<32x50x64xf32, #tpu.memory_space<vmem>>, vector<1x1x16xf32>,
      %get3A_1496 = vector.shape_cast %get3A_1495 : vector<1x1x16xf32> to vector<16xf32>
      %add3A_1497 = arith.addf %get3A_1490, %get3A_1496 : vector<16xf32>
      %get3A_1498 = arith.constant 2 : i32
      %get3A_1499 = arith.index_cast %scan3A_777 : i32 to index
      %get3A_1500 = arith.index_cast %get3A_1498 : i32 to index
      %get3A_1501 = arith.constant 32 : index
      %get3A_1502 = tpu.vector_load %arg6[%get3A_1499, %get3A_1500, %get3A_1501] {strides = array<i32>} : memref<32x50x64xf32, #tpu.memory_space<vmem>>, vector<1x1x16xf32>,
      %get3A_1503 = vector.shape_cast %get3A_1502 : vector<1x1x16xf32> to vector<16xf32>
      %add3A_1504 = arith.addf %add3A_1497, %get3A_1503 : vector<16xf32>
      %get3A_1505 = arith.constant 3 : i32
      %get3A_1506 = arith.index_cast %scan3A_777 : i32 to index
      %get3A_1507 = arith.index_cast %get3A_1505 : i32 to index
      %get3A_1508 = arith.constant 32 : index
      %get3A_1509 = tpu.vector_load %arg6[%get3A_1506, %get3A_1507, %get3A_1508] {strides = array<i32>} : memref<32x50x64xf32, #tpu.memory_space<vmem>>, vector<1x1x16xf32>,
      %get3A_1510 = vector.shape_cast %get3A_1509 : vector<1x1x16xf32> to vector<16xf32>
      %add3A_1511 = arith.addf %add3A_1504, %get3A_1510 : vector<16xf32>
      %get3A_1512 = arith.constant 4 : i32
      %get3A_1513 = arith.index_cast %scan3A_777 : i32 to index
      %get3A_1514 = arith.index_cast %get3A_1512 : i32 to index
      %get3A_1515 = arith.constant 32 : index
      %get3A_1516 = tpu.vector_load %arg6[%get3A_1513, %get3A_1514, %get3A_1515] {strides = array<i32>} : memref<32x50x64xf32, #tpu.memory_space<vmem>>, vector<1x1x16xf32>,
      %get3A_1517 = vector.shape_cast %get3A_1516 : vector<1x1x16xf32> to vector<16xf32>
      %add3A_1518 = arith.addf %add3A_1511, %get3A_1517 : vector<16xf32>
      %get3A_1519 = arith.constant 5 : i32
      %get3A_1520 = arith.index_cast %scan3A_777 : i32 to index
      %get3A_1521 = arith.index_cast %get3A_1519 : i32 to index
      %get3A_1522 = arith.constant 32 : index
      %get3A_1523 = tpu.vector_load %arg6[%get3A_1520, %get3A_1521, %get3A_1522] {strides = array<i32>} : memref<32x50x64xf32, #tpu.memory_space<vmem>>, vector<1x1x16xf32>,
      %get3A_1524 = vector.shape_cast %get3A_1523 : vector<1x1x16xf32> to vector<16xf32>
      %add3A_1525 = arith.addf %add3A_1518, %get3A_1524 : vector<16xf32>
      %get3A_1526 = arith.constant 6 : i32
      %get3A_1527 = arith.index_cast %scan3A_777 : i32 to index
      %get3A_1528 = arith.index_cast %get3A_1526 : i32 to index
      %get3A_1529 = arith.constant 32 : index
      %get3A_1530 = tpu.vector_load %arg6[%get3A_1527, %get3A_1528, %get3A_1529] {strides = array<i32>} : memref<32x50x64xf32, #tpu.memory_space<vmem>>, vector<1x1x16xf32>,
      %get3A_1531 = vector.shape_cast %get3A_1530 : vector<1x1x16xf32> to vector<16xf32>
      %add3A_1532 = arith.addf %add3A_1525, %get3A_1531 : vector<16xf32>
      %get3A_1533 = arith.constant 7 : i32
      %get3A_1534 = arith.index_cast %scan3A_777 : i32 to index
      %get3A_1535 = arith.index_cast %get3A_1533 : i32 to index
      %get3A_1536 = arith.constant 32 : index
      %get3A_1537 = tpu.vector_load %arg6[%get3A_1534, %get3A_1535, %get3A_1536] {strides = array<i32>} : memref<32x50x64xf32, #tpu.memory_space<vmem>>, vector<1x1x16xf32>,
      %get3A_1538 = vector.shape_cast %get3A_1537 : vector<1x1x16xf32> to vector<16xf32>
      %add3A_1539 = arith.addf %add3A_1532, %get3A_1538 : vector<16xf32>
      %get3A_1540 = arith.constant 8 : i32
      %get3A_1541 = arith.index_cast %scan3A_777 : i32 to index
      %get3A_1542 = arith.index_cast %get3A_1540 : i32 to index
      %get3A_1543 = arith.constant 32 : index
      %get3A_1544 = tpu.vector_load %arg6[%get3A_1541, %get3A_1542, %get3A_1543] {strides = array<i32>} : memref<32x50x64xf32, #tpu.memory_space<vmem>>, vector<1x1x16xf32>,
      %get3A_1545 = vector.shape_cast %get3A_1544 : vector<1x1x16xf32> to vector<16xf32>
      %add3A_1546 = arith.addf %add3A_1539, %get3A_1545 : vector<16xf32>
      %get3A_1547 = arith.constant 9 : i32
      %get3A_1548 = arith.index_cast %scan3A_777 : i32 to index
      %get3A_1549 = arith.index_cast %get3A_1547 : i32 to index
      %get3A_1550 = arith.constant 32 : index
      %get3A_1551 = tpu.vector_load %arg6[%get3A_1548, %get3A_1549, %get3A_1550] {strides = array<i32>} : memref<32x50x64xf32, #tpu.memory_space<vmem>>, vector<1x1x16xf32>,
      %get3A_1552 = vector.shape_cast %get3A_1551 : vector<1x1x16xf32> to vector<16xf32>
      %add3A_1553 = arith.addf %add3A_1546, %get3A_1552 : vector<16xf32>
      %get3A_1554 = arith.constant 10 : i32
      %get3A_1555 = arith.index_cast %scan3A_777 : i32 to index
      %get3A_1556 = arith.index_cast %get3A_1554 : i32 to index
      %get3A_1557 = arith.constant 32 : index
      %get3A_1558 = tpu.vector_load %arg6[%get3A_1555, %get3A_1556, %get3A_1557] {strides = array<i32>} : memref<32x50x64xf32, #tpu.memory_space<vmem>>, vector<1x1x16xf32>,
      %get3A_1559 = vector.shape_cast %get3A_1558 : vector<1x1x16xf32> to vector<16xf32>
      %add3A_1560 = arith.addf %add3A_1553, %get3A_1559 : vector<16xf32>
      %get3A_1561 = arith.constant 11 : i32
      %get3A_1562 = arith.index_cast %scan3A_777 : i32 to index
      %get3A_1563 = arith.index_cast %get3A_1561 : i32 to index
      %get3A_1564 = arith.constant 32 : index
      %get3A_1565 = tpu.vector_load %arg6[%get3A_1562, %get3A_1563, %get3A_1564] {strides = array<i32>} : memref<32x50x64xf32, #tpu.memory_space<vmem>>, vector<1x1x16xf32>,
      %get3A_1566 = vector.shape_cast %get3A_1565 : vector<1x1x16xf32> to vector<16xf32>
      %add3A_1567 = arith.addf %add3A_1560, %get3A_1566 : vector<16xf32>
      %get3A_1568 = arith.constant 12 : i32
      %get3A_1569 = arith.index_cast %scan3A_777 : i32 to index
      %get3A_1570 = arith.index_cast %get3A_1568 : i32 to index
      %get3A_1571 = arith.constant 32 : index
      %get3A_1572 = tpu.vector_load %arg6[%get3A_1569, %get3A_1570, %get3A_1571] {strides = array<i32>} : memref<32x50x64xf32, #tpu.memory_space<vmem>>, vector<1x1x16xf32>,
      %get3A_1573 = vector.shape_cast %get3A_1572 : vector<1x1x16xf32> to vector<16xf32>
      %add3A_1574 = arith.addf %add3A_1567, %get3A_1573 : vector<16xf32>
      %get3A_1575 = arith.constant 13 : i32
      %get3A_1576 = arith.index_cast %scan3A_777 : i32 to index
      %get3A_1577 = arith.index_cast %get3A_1575 : i32 to index
      %get3A_1578 = arith.constant 32 : index
      %get3A_1579 = tpu.vector_load %arg6[%get3A_1576, %get3A_1577, %get3A_1578] {strides = array<i32>} : memref<32x50x64xf32, #tpu.memory_space<vmem>>, vector<1x1x16xf32>,
      %get3A_1580 = vector.shape_cast %get3A_1579 : vector<1x1x16xf32> to vector<16xf32>
      %add3A_1581 = arith.addf %add3A_1574, %get3A_1580 : vector<16xf32>
      %get3A_1582 = arith.constant 14 : i32
      %get3A_1583 = arith.index_cast %scan3A_777 : i32 to index
      %get3A_1584 = arith.index_cast %get3A_1582 : i32 to index
      %get3A_1585 = arith.constant 32 : index
      %get3A_1586 = tpu.vector_load %arg6[%get3A_1583, %get3A_1584, %get3A_1585] {strides = array<i32>} : memref<32x50x64xf32, #tpu.memory_space<vmem>>, vector<1x1x16xf32>,
      %get3A_1587 = vector.shape_cast %get3A_1586 : vector<1x1x16xf32> to vector<16xf32>
      %add3A_1588 = arith.addf %add3A_1581, %get3A_1587 : vector<16xf32>
      %get3A_1589 = arith.constant 15 : i32
      %get3A_1590 = arith.index_cast %scan3A_777 : i32 to index
      %get3A_1591 = arith.index_cast %get3A_1589 : i32 to index
      %get3A_1592 = arith.constant 32 : index
      %get3A_1593 = tpu.vector_load %arg6[%get3A_1590, %get3A_1591, %get3A_1592] {strides = array<i32>} : memref<32x50x64xf32, #tpu.memory_space<vmem>>, vector<1x1x16xf32>,
      %get3A_1594 = vector.shape_cast %get3A_1593 : vector<1x1x16xf32> to vector<16xf32>
      %add3A_1595 = arith.addf %add3A_1588, %get3A_1594 : vector<16xf32>
      %get3A_1596 = arith.constant 16 : i32
      %get3A_1597 = arith.index_cast %scan3A_777 : i32 to index
      %get3A_1598 = arith.index_cast %get3A_1596 : i32 to index
      %get3A_1599 = arith.constant 32 : index
      %get3A_1600 = tpu.vector_load %arg6[%get3A_1597, %get3A_1598, %get3A_1599] {strides = array<i32>} : memref<32x50x64xf32, #tpu.memory_space<vmem>>, vector<1x1x16xf32>,
      %get3A_1601 = vector.shape_cast %get3A_1600 : vector<1x1x16xf32> to vector<16xf32>
      %add3A_1602 = arith.addf %add3A_1595, %get3A_1601 : vector<16xf32>
      %get3A_1603 = arith.constant 17 : i32
      %get3A_1604 = arith.index_cast %scan3A_777 : i32 to index
      %get3A_1605 = arith.index_cast %get3A_1603 : i32 to index
      %get3A_1606 = arith.constant 32 : index
      %get3A_1607 = tpu.vector_load %arg6[%get3A_1604, %get3A_1605, %get3A_1606] {strides = array<i32>} : memref<32x50x64xf32, #tpu.memory_space<vmem>>, vector<1x1x16xf32>,
      %get3A_1608 = vector.shape_cast %get3A_1607 : vector<1x1x16xf32> to vector<16xf32>
      %add3A_1609 = arith.addf %add3A_1602, %get3A_1608 : vector<16xf32>
      %get3A_1610 = arith.constant 18 : i32
      %get3A_1611 = arith.index_cast %scan3A_777 : i32 to index
      %get3A_1612 = arith.index_cast %get3A_1610 : i32 to index
      %get3A_1613 = arith.constant 32 : index
      %get3A_1614 = tpu.vector_load %arg6[%get3A_1611, %get3A_1612, %get3A_1613] {strides = array<i32>} : memref<32x50x64xf32, #tpu.memory_space<vmem>>, vector<1x1x16xf32>,
      %get3A_1615 = vector.shape_cast %get3A_1614 : vector<1x1x16xf32> to vector<16xf32>
      %add3A_1616 = arith.addf %add3A_1609, %get3A_1615 : vector<16xf32>
      %get3A_1617 = arith.constant 19 : i32
      %get3A_1618 = arith.index_cast %scan3A_777 : i32 to index
      %get3A_1619 = arith.index_cast %get3A_1617 : i32 to index
      %get3A_1620 = arith.constant 32 : index
      %get3A_1621 = tpu.vector_load %arg6[%get3A_1618, %get3A_1619, %get3A_1620] {strides = array<i32>} : memref<32x50x64xf32, #tpu.memory_space<vmem>>, vector<1x1x16xf32>,
      %get3A_1622 = vector.shape_cast %get3A_1621 : vector<1x1x16xf32> to vector<16xf32>
      %add3A_1623 = arith.addf %add3A_1616, %get3A_1622 : vector<16xf32>
      %get3A_1624 = arith.constant 20 : i32
      %get3A_1625 = arith.index_cast %scan3A_777 : i32 to index
      %get3A_1626 = arith.index_cast %get3A_1624 : i32 to index
      %get3A_1627 = arith.constant 32 : index
      %get3A_1628 = tpu.vector_load %arg6[%get3A_1625, %get3A_1626, %get3A_1627] {strides = array<i32>} : memref<32x50x64xf32, #tpu.memory_space<vmem>>, vector<1x1x16xf32>,
      %get3A_1629 = vector.shape_cast %get3A_1628 : vector<1x1x16xf32> to vector<16xf32>
      %add3A_1630 = arith.addf %add3A_1623, %get3A_1629 : vector<16xf32>
      %get3A_1631 = arith.constant 21 : i32
      %get3A_1632 = arith.index_cast %scan3A_777 : i32 to index
      %get3A_1633 = arith.index_cast %get3A_1631 : i32 to index
      %get3A_1634 = arith.constant 32 : index
      %get3A_1635 = tpu.vector_load %arg6[%get3A_1632, %get3A_1633, %get3A_1634] {strides = array<i32>} : memref<32x50x64xf32, #tpu.memory_space<vmem>>, vector<1x1x16xf32>,
      %get3A_1636 = vector.shape_cast %get3A_1635 : vector<1x1x16xf32> to vector<16xf32>
      %add3A_1637 = arith.addf %add3A_1630, %get3A_1636 : vector<16xf32>
      %get3A_1638 = arith.constant 22 : i32
      %get3A_1639 = arith.index_cast %scan3A_777 : i32 to index
      %get3A_1640 = arith.index_cast %get3A_1638 : i32 to index
      %get3A_1641 = arith.constant 32 : index
      %get3A_1642 = tpu.vector_load %arg6[%get3A_1639, %get3A_1640, %get3A_1641] {strides = array<i32>} : memref<32x50x64xf32, #tpu.memory_space<vmem>>, vector<1x1x16xf32>,
      %get3A_1643 = vector.shape_cast %get3A_1642 : vector<1x1x16xf32> to vector<16xf32>
      %add3A_1644 = arith.addf %add3A_1637, %get3A_1643 : vector<16xf32>
      %get3A_1645 = arith.constant 23 : i32
      %get3A_1646 = arith.index_cast %scan3A_777 : i32 to index
      %get3A_1647 = arith.index_cast %get3A_1645 : i32 to index
      %get3A_1648 = arith.constant 32 : index
      %get3A_1649 = tpu.vector_load %arg6[%get3A_1646, %get3A_1647, %get3A_1648] {strides = array<i32>} : memref<32x50x64xf32, #tpu.memory_space<vmem>>, vector<1x1x16xf32>,
      %get3A_1650 = vector.shape_cast %get3A_1649 : vector<1x1x16xf32> to vector<16xf32>
      %add3A_1651 = arith.addf %add3A_1644, %get3A_1650 : vector<16xf32>
      %get3A_1652 = arith.constant 24 : i32
      %get3A_1653 = arith.index_cast %scan3A_777 : i32 to index
      %get3A_1654 = arith.index_cast %get3A_1652 : i32 to index
      %get3A_1655 = arith.constant 32 : index
      %get3A_1656 = tpu.vector_load %arg6[%get3A_1653, %get3A_1654, %get3A_1655] {strides = array<i32>} : memref<32x50x64xf32, #tpu.memory_space<vmem>>, vector<1x1x16xf32>,
      %get3A_1657 = vector.shape_cast %get3A_1656 : vector<1x1x16xf32> to vector<16xf32>
      %add3A_1658 = arith.addf %add3A_1651, %get3A_1657 : vector<16xf32>
      %get3A_1659 = arith.constant 25 : i32
      %get3A_1660 = arith.index_cast %scan3A_777 : i32 to index
      %get3A_1661 = arith.index_cast %get3A_1659 : i32 to index
      %get3A_1662 = arith.constant 32 : index
      %get3A_1663 = tpu.vector_load %arg6[%get3A_1660, %get3A_1661, %get3A_1662] {strides = array<i32>} : memref<32x50x64xf32, #tpu.memory_space<vmem>>, vector<1x1x16xf32>,
      %get3A_1664 = vector.shape_cast %get3A_1663 : vector<1x1x16xf32> to vector<16xf32>
      %add3A_1665 = arith.addf %add3A_1658, %get3A_1664 : vector<16xf32>
      %get3A_1666 = arith.constant 26 : i32
      %get3A_1667 = arith.index_cast %scan3A_777 : i32 to index
      %get3A_1668 = arith.index_cast %get3A_1666 : i32 to index
      %get3A_1669 = arith.constant 32 : index
      %get3A_1670 = tpu.vector_load %arg6[%get3A_1667, %get3A_1668, %get3A_1669] {strides = array<i32>} : memref<32x50x64xf32, #tpu.memory_space<vmem>>, vector<1x1x16xf32>,
      %get3A_1671 = vector.shape_cast %get3A_1670 : vector<1x1x16xf32> to vector<16xf32>
      %add3A_1672 = arith.addf %add3A_1665, %get3A_1671 : vector<16xf32>
      %get3A_1673 = arith.constant 27 : i32
      %get3A_1674 = arith.index_cast %scan3A_777 : i32 to index
      %get3A_1675 = arith.index_cast %get3A_1673 : i32 to index
      %get3A_1676 = arith.constant 32 : index
      %get3A_1677 = tpu.vector_load %arg6[%get3A_1674, %get3A_1675, %get3A_1676] {strides = array<i32>} : memref<32x50x64xf32, #tpu.memory_space<vmem>>, vector<1x1x16xf32>,
      %get3A_1678 = vector.shape_cast %get3A_1677 : vector<1x1x16xf32> to vector<16xf32>
      %add3A_1679 = arith.addf %add3A_1672, %get3A_1678 : vector<16xf32>
      %get3A_1680 = arith.constant 28 : i32
      %get3A_1681 = arith.index_cast %scan3A_777 : i32 to index
      %get3A_1682 = arith.index_cast %get3A_1680 : i32 to index
      %get3A_1683 = arith.constant 32 : index
      %get3A_1684 = tpu.vector_load %arg6[%get3A_1681, %get3A_1682, %get3A_1683] {strides = array<i32>} : memref<32x50x64xf32, #tpu.memory_space<vmem>>, vector<1x1x16xf32>,
      %get3A_1685 = vector.shape_cast %get3A_1684 : vector<1x1x16xf32> to vector<16xf32>
      %add3A_1686 = arith.addf %add3A_1679, %get3A_1685 : vector<16xf32>
      %get3A_1687 = arith.constant 29 : i32
      %get3A_1688 = arith.index_cast %scan3A_777 : i32 to index
      %get3A_1689 = arith.index_cast %get3A_1687 : i32 to index
      %get3A_1690 = arith.constant 32 : index
      %get3A_1691 = tpu.vector_load %arg6[%get3A_1688, %get3A_1689, %get3A_1690] {strides = array<i32>} : memref<32x50x64xf32, #tpu.memory_space<vmem>>, vector<1x1x16xf32>,
      %get3A_1692 = vector.shape_cast %get3A_1691 : vector<1x1x16xf32> to vector<16xf32>
      %add3A_1693 = arith.addf %add3A_1686, %get3A_1692 : vector<16xf32>
      %get3A_1694 = arith.constant 30 : i32
      %get3A_1695 = arith.index_cast %scan3A_777 : i32 to index
      %get3A_1696 = arith.index_cast %get3A_1694 : i32 to index
      %get3A_1697 = arith.constant 32 : index
      %get3A_1698 = tpu.vector_load %arg6[%get3A_1695, %get3A_1696, %get3A_1697] {strides = array<i32>} : memref<32x50x64xf32, #tpu.memory_space<vmem>>, vector<1x1x16xf32>,
      %get3A_1699 = vector.shape_cast %get3A_1698 : vector<1x1x16xf32> to vector<16xf32>
      %add3A_1700 = arith.addf %add3A_1693, %get3A_1699 : vector<16xf32>
      %get3A_1701 = arith.constant 31 : i32
      %get3A_1702 = arith.index_cast %scan3A_777 : i32 to index
      %get3A_1703 = arith.index_cast %get3A_1701 : i32 to index
      %get3A_1704 = arith.constant 32 : index
      %get3A_1705 = tpu.vector_load %arg6[%get3A_1702, %get3A_1703, %get3A_1704] {strides = array<i32>} : memref<32x50x64xf32, #tpu.memory_space<vmem>>, vector<1x1x16xf32>,
      %get3A_1706 = vector.shape_cast %get3A_1705 : vector<1x1x16xf32> to vector<16xf32>
      %add3A_1707 = arith.addf %add3A_1700, %get3A_1706 : vector<16xf32>
      %get3A_1708 = arith.constant 32 : i32
      %get3A_1709 = arith.index_cast %scan3A_777 : i32 to index
      %get3A_1710 = arith.index_cast %get3A_1708 : i32 to index
      %get3A_1711 = arith.constant 32 : index
      %get3A_1712 = tpu.vector_load %arg6[%get3A_1709, %get3A_1710, %get3A_1711] {strides = array<i32>} : memref<32x50x64xf32, #tpu.memory_space<vmem>>, vector<1x1x16xf32>,
      %get3A_1713 = vector.shape_cast %get3A_1712 : vector<1x1x16xf32> to vector<16xf32>
      %add3A_1714 = arith.addf %add3A_1707, %get3A_1713 : vector<16xf32>
      %get3A_1715 = arith.constant 33 : i32
      %get3A_1716 = arith.index_cast %scan3A_777 : i32 to index
      %get3A_1717 = arith.index_cast %get3A_1715 : i32 to index
      %get3A_1718 = arith.constant 32 : index
      %get3A_1719 = tpu.vector_load %arg6[%get3A_1716, %get3A_1717, %get3A_1718] {strides = array<i32>} : memref<32x50x64xf32, #tpu.memory_space<vmem>>, vector<1x1x16xf32>,
      %get3A_1720 = vector.shape_cast %get3A_1719 : vector<1x1x16xf32> to vector<16xf32>
      %add3A_1721 = arith.addf %add3A_1714, %get3A_1720 : vector<16xf32>
      %get3A_1722 = arith.constant 34 : i32
      %get3A_1723 = arith.index_cast %scan3A_777 : i32 to index
      %get3A_1724 = arith.index_cast %get3A_1722 : i32 to index
      %get3A_1725 = arith.constant 32 : index
      %get3A_1726 = tpu.vector_load %arg6[%get3A_1723, %get3A_1724, %get3A_1725] {strides = array<i32>} : memref<32x50x64xf32, #tpu.memory_space<vmem>>, vector<1x1x16xf32>,
      %get3A_1727 = vector.shape_cast %get3A_1726 : vector<1x1x16xf32> to vector<16xf32>
      %add3A_1728 = arith.addf %add3A_1721, %get3A_1727 : vector<16xf32>
      %get3A_1729 = arith.constant 35 : i32
      %get3A_1730 = arith.index_cast %scan3A_777 : i32 to index
      %get3A_1731 = arith.index_cast %get3A_1729 : i32 to index
      %get3A_1732 = arith.constant 32 : index
      %get3A_1733 = tpu.vector_load %arg6[%get3A_1730, %get3A_1731, %get3A_1732] {strides = array<i32>} : memref<32x50x64xf32, #tpu.memory_space<vmem>>, vector<1x1x16xf32>,
      %get3A_1734 = vector.shape_cast %get3A_1733 : vector<1x1x16xf32> to vector<16xf32>
      %add3A_1735 = arith.addf %add3A_1728, %get3A_1734 : vector<16xf32>
      %get3A_1736 = arith.constant 36 : i32
      %get3A_1737 = arith.index_cast %scan3A_777 : i32 to index
      %get3A_1738 = arith.index_cast %get3A_1736 : i32 to index
      %get3A_1739 = arith.constant 32 : index
      %get3A_1740 = tpu.vector_load %arg6[%get3A_1737, %get3A_1738, %get3A_1739] {strides = array<i32>} : memref<32x50x64xf32, #tpu.memory_space<vmem>>, vector<1x1x16xf32>,
      %get3A_1741 = vector.shape_cast %get3A_1740 : vector<1x1x16xf32> to vector<16xf32>
      %add3A_1742 = arith.addf %add3A_1735, %get3A_1741 : vector<16xf32>
      %get3A_1743 = arith.constant 37 : i32
      %get3A_1744 = arith.index_cast %scan3A_777 : i32 to index
      %get3A_1745 = arith.index_cast %get3A_1743 : i32 to index
      %get3A_1746 = arith.constant 32 : index
      %get3A_1747 = tpu.vector_load %arg6[%get3A_1744, %get3A_1745, %get3A_1746] {strides = array<i32>} : memref<32x50x64xf32, #tpu.memory_space<vmem>>, vector<1x1x16xf32>,
      %get3A_1748 = vector.shape_cast %get3A_1747 : vector<1x1x16xf32> to vector<16xf32>
      %add3A_1749 = arith.addf %add3A_1742, %get3A_1748 : vector<16xf32>
      %get3A_1750 = arith.constant 38 : i32
      %get3A_1751 = arith.index_cast %scan3A_777 : i32 to index
      %get3A_1752 = arith.index_cast %get3A_1750 : i32 to index
      %get3A_1753 = arith.constant 32 : index
      %get3A_1754 = tpu.vector_load %arg6[%get3A_1751, %get3A_1752, %get3A_1753] {strides = array<i32>} : memref<32x50x64xf32, #tpu.memory_space<vmem>>, vector<1x1x16xf32>,
      %get3A_1755 = vector.shape_cast %get3A_1754 : vector<1x1x16xf32> to vector<16xf32>
      %add3A_1756 = arith.addf %add3A_1749, %get3A_1755 : vector<16xf32>
      %get3A_1757 = arith.constant 39 : i32
      %get3A_1758 = arith.index_cast %scan3A_777 : i32 to index
      %get3A_1759 = arith.index_cast %get3A_1757 : i32 to index
      %get3A_1760 = arith.constant 32 : index
      %get3A_1761 = tpu.vector_load %arg6[%get3A_1758, %get3A_1759, %get3A_1760] {strides = array<i32>} : memref<32x50x64xf32, #tpu.memory_space<vmem>>, vector<1x1x16xf32>,
      %get3A_1762 = vector.shape_cast %get3A_1761 : vector<1x1x16xf32> to vector<16xf32>
      %add3A_1763 = arith.addf %add3A_1756, %get3A_1762 : vector<16xf32>
      %get3A_1764 = arith.constant 40 : i32
      %get3A_1765 = arith.index_cast %scan3A_777 : i32 to index
      %get3A_1766 = arith.index_cast %get3A_1764 : i32 to index
      %get3A_1767 = arith.constant 32 : index
      %get3A_1768 = tpu.vector_load %arg6[%get3A_1765, %get3A_1766, %get3A_1767] {strides = array<i32>} : memref<32x50x64xf32, #tpu.memory_space<vmem>>, vector<1x1x16xf32>,
      %get3A_1769 = vector.shape_cast %get3A_1768 : vector<1x1x16xf32> to vector<16xf32>
      %add3A_1770 = arith.addf %add3A_1763, %get3A_1769 : vector<16xf32>
      %get3A_1771 = arith.constant 41 : i32
      %get3A_1772 = arith.index_cast %scan3A_777 : i32 to index
      %get3A_1773 = arith.index_cast %get3A_1771 : i32 to index
      %get3A_1774 = arith.constant 32 : index
      %get3A_1775 = tpu.vector_load %arg6[%get3A_1772, %get3A_1773, %get3A_1774] {strides = array<i32>} : memref<32x50x64xf32, #tpu.memory_space<vmem>>, vector<1x1x16xf32>,
      %get3A_1776 = vector.shape_cast %get3A_1775 : vector<1x1x16xf32> to vector<16xf32>
      %add3A_1777 = arith.addf %add3A_1770, %get3A_1776 : vector<16xf32>
      %get3A_1778 = arith.constant 42 : i32
      %get3A_1779 = arith.index_cast %scan3A_777 : i32 to index
      %get3A_1780 = arith.index_cast %get3A_1778 : i32 to index
      %get3A_1781 = arith.constant 32 : index
      %get3A_1782 = tpu.vector_load %arg6[%get3A_1779, %get3A_1780, %get3A_1781] {strides = array<i32>} : memref<32x50x64xf32, #tpu.memory_space<vmem>>, vector<1x1x16xf32>,
      %get3A_1783 = vector.shape_cast %get3A_1782 : vector<1x1x16xf32> to vector<16xf32>
      %add3A_1784 = arith.addf %add3A_1777, %get3A_1783 : vector<16xf32>
      %get3A_1785 = arith.constant 43 : i32
      %get3A_1786 = arith.index_cast %scan3A_777 : i32 to index
      %get3A_1787 = arith.index_cast %get3A_1785 : i32 to index
      %get3A_1788 = arith.constant 32 : index
      %get3A_1789 = tpu.vector_load %arg6[%get3A_1786, %get3A_1787, %get3A_1788] {strides = array<i32>} : memref<32x50x64xf32, #tpu.memory_space<vmem>>, vector<1x1x16xf32>,
      %get3A_1790 = vector.shape_cast %get3A_1789 : vector<1x1x16xf32> to vector<16xf32>
      %add3A_1791 = arith.addf %add3A_1784, %get3A_1790 : vector<16xf32>
      %get3A_1792 = arith.constant 44 : i32
      %get3A_1793 = arith.index_cast %scan3A_777 : i32 to index
      %get3A_1794 = arith.index_cast %get3A_1792 : i32 to index
      %get3A_1795 = arith.constant 32 : index
      %get3A_1796 = tpu.vector_load %arg6[%get3A_1793, %get3A_1794, %get3A_1795] {strides = array<i32>} : memref<32x50x64xf32, #tpu.memory_space<vmem>>, vector<1x1x16xf32>,
      %get3A_1797 = vector.shape_cast %get3A_1796 : vector<1x1x16xf32> to vector<16xf32>
      %add3A_1798 = arith.addf %add3A_1791, %get3A_1797 : vector<16xf32>
      %get3A_1799 = arith.constant 45 : i32
      %get3A_1800 = arith.index_cast %scan3A_777 : i32 to index
      %get3A_1801 = arith.index_cast %get3A_1799 : i32 to index
      %get3A_1802 = arith.constant 32 : index
      %get3A_1803 = tpu.vector_load %arg6[%get3A_1800, %get3A_1801, %get3A_1802] {strides = array<i32>} : memref<32x50x64xf32, #tpu.memory_space<vmem>>, vector<1x1x16xf32>,
      %get3A_1804 = vector.shape_cast %get3A_1803 : vector<1x1x16xf32> to vector<16xf32>
      %add3A_1805 = arith.addf %add3A_1798, %get3A_1804 : vector<16xf32>
      %get3A_1806 = arith.constant 46 : i32
      %get3A_1807 = arith.index_cast %scan3A_777 : i32 to index
      %get3A_1808 = arith.index_cast %get3A_1806 : i32 to index
      %get3A_1809 = arith.constant 32 : index
      %get3A_1810 = tpu.vector_load %arg6[%get3A_1807, %get3A_1808, %get3A_1809] {strides = array<i32>} : memref<32x50x64xf32, #tpu.memory_space<vmem>>, vector<1x1x16xf32>,
      %get3A_1811 = vector.shape_cast %get3A_1810 : vector<1x1x16xf32> to vector<16xf32>
      %add3A_1812 = arith.addf %add3A_1805, %get3A_1811 : vector<16xf32>
      %get3A_1813 = arith.constant 47 : i32
      %get3A_1814 = arith.index_cast %scan3A_777 : i32 to index
      %get3A_1815 = arith.index_cast %get3A_1813 : i32 to index
      %get3A_1816 = arith.constant 32 : index
      %get3A_1817 = tpu.vector_load %arg6[%get3A_1814, %get3A_1815, %get3A_1816] {strides = array<i32>} : memref<32x50x64xf32, #tpu.memory_space<vmem>>, vector<1x1x16xf32>,
      %get3A_1818 = vector.shape_cast %get3A_1817 : vector<1x1x16xf32> to vector<16xf32>
      %add3A_1819 = arith.addf %add3A_1812, %get3A_1818 : vector<16xf32>
      %get3A_1820 = arith.constant 48 : i32
      %get3A_1821 = arith.index_cast %scan3A_777 : i32 to index
      %get3A_1822 = arith.index_cast %get3A_1820 : i32 to index
      %get3A_1823 = arith.constant 32 : index
      %get3A_1824 = tpu.vector_load %arg6[%get3A_1821, %get3A_1822, %get3A_1823] {strides = array<i32>} : memref<32x50x64xf32, #tpu.memory_space<vmem>>, vector<1x1x16xf32>,
      %get3A_1825 = vector.shape_cast %get3A_1824 : vector<1x1x16xf32> to vector<16xf32>
      %add3A_1826 = arith.addf %add3A_1819, %get3A_1825 : vector<16xf32>
      %get3A_1827 = arith.constant 49 : i32
      %get3A_1828 = arith.index_cast %scan3A_777 : i32 to index
      %get3A_1829 = arith.index_cast %get3A_1827 : i32 to index
      %get3A_1830 = arith.constant 32 : index
      %get3A_1831 = tpu.vector_load %arg6[%get3A_1828, %get3A_1829, %get3A_1830] {strides = array<i32>} : memref<32x50x64xf32, #tpu.memory_space<vmem>>, vector<1x1x16xf32>,
      %get3A_1832 = vector.shape_cast %get3A_1831 : vector<1x1x16xf32> to vector<16xf32>
      %add3A_1833 = arith.addf %add3A_1826, %get3A_1832 : vector<16xf32>
      %swap3A_1834 = arith.index_cast %scan3A_777 : i32 to index
      %swap3A_1835 = arith.constant 32 : index
      %swap3A_1836 = tpu.vector_load %arg7[%swap3A_1834, %swap3A_1835] {strides = array<i32>} : memref<32x64xf32, #tpu.memory_space<vmem>>, vector<1x16xf32>,
      %swap3A_1837 = vector.shape_cast %swap3A_1836 : vector<1x16xf32> to vector<16xf32>
      %swap3A_1838 = vector.shape_cast %add3A_1833 : vector<16xf32> to vector<1x16xf32>
      tpu.vector_store %arg7[%swap3A_1834, %swap3A_1835], %swap3A_1838 {strides = array<i32>} : memref<32x64xf32, #tpu.memory_space<vmem>>, vector<1x16xf32>,
      %get3A_1839 = arith.constant 0 : i32
      %get3A_1840 = arith.index_cast %scan3A_777 : i32 to index
      %get3A_1841 = arith.index_cast %get3A_1839 : i32 to index
      %get3A_1842 = arith.constant 48 : index
      %get3A_1843 = tpu.vector_load %arg6[%get3A_1840, %get3A_1841, %get3A_1842] {strides = array<i32>} : memref<32x50x64xf32, #tpu.memory_space<vmem>>, vector<1x1x16xf32>,
      %get3A_1844 = vector.shape_cast %get3A_1843 : vector<1x1x16xf32> to vector<16xf32>
      %get3A_1845 = arith.constant 1 : i32
      %get3A_1846 = arith.index_cast %scan3A_777 : i32 to index
      %get3A_1847 = arith.index_cast %get3A_1845 : i32 to index
      %get3A_1848 = arith.constant 48 : index
      %get3A_1849 = tpu.vector_load %arg6[%get3A_1846, %get3A_1847, %get3A_1848] {strides = array<i32>} : memref<32x50x64xf32, #tpu.memory_space<vmem>>, vector<1x1x16xf32>,
      %get3A_1850 = vector.shape_cast %get3A_1849 : vector<1x1x16xf32> to vector<16xf32>
      %add3A_1851 = arith.addf %get3A_1844, %get3A_1850 : vector<16xf32>
      %get3A_1852 = arith.constant 2 : i32
      %get3A_1853 = arith.index_cast %scan3A_777 : i32 to index
      %get3A_1854 = arith.index_cast %get3A_1852 : i32 to index
      %get3A_1855 = arith.constant 48 : index
      %get3A_1856 = tpu.vector_load %arg6[%get3A_1853, %get3A_1854, %get3A_1855] {strides = array<i32>} : memref<32x50x64xf32, #tpu.memory_space<vmem>>, vector<1x1x16xf32>,
      %get3A_1857 = vector.shape_cast %get3A_1856 : vector<1x1x16xf32> to vector<16xf32>
      %add3A_1858 = arith.addf %add3A_1851, %get3A_1857 : vector<16xf32>
      %get3A_1859 = arith.constant 3 : i32
      %get3A_1860 = arith.index_cast %scan3A_777 : i32 to index
      %get3A_1861 = arith.index_cast %get3A_1859 : i32 to index
      %get3A_1862 = arith.constant 48 : index
      %get3A_1863 = tpu.vector_load %arg6[%get3A_1860, %get3A_1861, %get3A_1862] {strides = array<i32>} : memref<32x50x64xf32, #tpu.memory_space<vmem>>, vector<1x1x16xf32>,
      %get3A_1864 = vector.shape_cast %get3A_1863 : vector<1x1x16xf32> to vector<16xf32>
      %add3A_1865 = arith.addf %add3A_1858, %get3A_1864 : vector<16xf32>
      %get3A_1866 = arith.constant 4 : i32
      %get3A_1867 = arith.index_cast %scan3A_777 : i32 to index
      %get3A_1868 = arith.index_cast %get3A_1866 : i32 to index
      %get3A_1869 = arith.constant 48 : index
      %get3A_1870 = tpu.vector_load %arg6[%get3A_1867, %get3A_1868, %get3A_1869] {strides = array<i32>} : memref<32x50x64xf32, #tpu.memory_space<vmem>>, vector<1x1x16xf32>,
      %get3A_1871 = vector.shape_cast %get3A_1870 : vector<1x1x16xf32> to vector<16xf32>
      %add3A_1872 = arith.addf %add3A_1865, %get3A_1871 : vector<16xf32>
      %get3A_1873 = arith.constant 5 : i32
      %get3A_1874 = arith.index_cast %scan3A_777 : i32 to index
      %get3A_1875 = arith.index_cast %get3A_1873 : i32 to index
      %get3A_1876 = arith.constant 48 : index
      %get3A_1877 = tpu.vector_load %arg6[%get3A_1874, %get3A_1875, %get3A_1876] {strides = array<i32>} : memref<32x50x64xf32, #tpu.memory_space<vmem>>, vector<1x1x16xf32>,
      %get3A_1878 = vector.shape_cast %get3A_1877 : vector<1x1x16xf32> to vector<16xf32>
      %add3A_1879 = arith.addf %add3A_1872, %get3A_1878 : vector<16xf32>
      %get3A_1880 = arith.constant 6 : i32
      %get3A_1881 = arith.index_cast %scan3A_777 : i32 to index
      %get3A_1882 = arith.index_cast %get3A_1880 : i32 to index
      %get3A_1883 = arith.constant 48 : index
      %get3A_1884 = tpu.vector_load %arg6[%get3A_1881, %get3A_1882, %get3A_1883] {strides = array<i32>} : memref<32x50x64xf32, #tpu.memory_space<vmem>>, vector<1x1x16xf32>,
      %get3A_1885 = vector.shape_cast %get3A_1884 : vector<1x1x16xf32> to vector<16xf32>
      %add3A_1886 = arith.addf %add3A_1879, %get3A_1885 : vector<16xf32>
      %get3A_1887 = arith.constant 7 : i32
      %get3A_1888 = arith.index_cast %scan3A_777 : i32 to index
      %get3A_1889 = arith.index_cast %get3A_1887 : i32 to index
      %get3A_1890 = arith.constant 48 : index
      %get3A_1891 = tpu.vector_load %arg6[%get3A_1888, %get3A_1889, %get3A_1890] {strides = array<i32>} : memref<32x50x64xf32, #tpu.memory_space<vmem>>, vector<1x1x16xf32>,
      %get3A_1892 = vector.shape_cast %get3A_1891 : vector<1x1x16xf32> to vector<16xf32>
      %add3A_1893 = arith.addf %add3A_1886, %get3A_1892 : vector<16xf32>
      %get3A_1894 = arith.constant 8 : i32
      %get3A_1895 = arith.index_cast %scan3A_777 : i32 to index
      %get3A_1896 = arith.index_cast %get3A_1894 : i32 to index
      %get3A_1897 = arith.constant 48 : index
      %get3A_1898 = tpu.vector_load %arg6[%get3A_1895, %get3A_1896, %get3A_1897] {strides = array<i32>} : memref<32x50x64xf32, #tpu.memory_space<vmem>>, vector<1x1x16xf32>,
      %get3A_1899 = vector.shape_cast %get3A_1898 : vector<1x1x16xf32> to vector<16xf32>
      %add3A_1900 = arith.addf %add3A_1893, %get3A_1899 : vector<16xf32>
      %get3A_1901 = arith.constant 9 : i32
      %get3A_1902 = arith.index_cast %scan3A_777 : i32 to index
      %get3A_1903 = arith.index_cast %get3A_1901 : i32 to index
      %get3A_1904 = arith.constant 48 : index
      %get3A_1905 = tpu.vector_load %arg6[%get3A_1902, %get3A_1903, %get3A_1904] {strides = array<i32>} : memref<32x50x64xf32, #tpu.memory_space<vmem>>, vector<1x1x16xf32>,
      %get3A_1906 = vector.shape_cast %get3A_1905 : vector<1x1x16xf32> to vector<16xf32>
      %add3A_1907 = arith.addf %add3A_1900, %get3A_1906 : vector<16xf32>
      %get3A_1908 = arith.constant 10 : i32
      %get3A_1909 = arith.index_cast %scan3A_777 : i32 to index
      %get3A_1910 = arith.index_cast %get3A_1908 : i32 to index
      %get3A_1911 = arith.constant 48 : index
      %get3A_1912 = tpu.vector_load %arg6[%get3A_1909, %get3A_1910, %get3A_1911] {strides = array<i32>} : memref<32x50x64xf32, #tpu.memory_space<vmem>>, vector<1x1x16xf32>,
      %get3A_1913 = vector.shape_cast %get3A_1912 : vector<1x1x16xf32> to vector<16xf32>
      %add3A_1914 = arith.addf %add3A_1907, %get3A_1913 : vector<16xf32>
      %get3A_1915 = arith.constant 11 : i32
      %get3A_1916 = arith.index_cast %scan3A_777 : i32 to index
      %get3A_1917 = arith.index_cast %get3A_1915 : i32 to index
      %get3A_1918 = arith.constant 48 : index
      %get3A_1919 = tpu.vector_load %arg6[%get3A_1916, %get3A_1917, %get3A_1918] {strides = array<i32>} : memref<32x50x64xf32, #tpu.memory_space<vmem>>, vector<1x1x16xf32>,
      %get3A_1920 = vector.shape_cast %get3A_1919 : vector<1x1x16xf32> to vector<16xf32>
      %add3A_1921 = arith.addf %add3A_1914, %get3A_1920 : vector<16xf32>
      %get3A_1922 = arith.constant 12 : i32
      %get3A_1923 = arith.index_cast %scan3A_777 : i32 to index
      %get3A_1924 = arith.index_cast %get3A_1922 : i32 to index
      %get3A_1925 = arith.constant 48 : index
      %get3A_1926 = tpu.vector_load %arg6[%get3A_1923, %get3A_1924, %get3A_1925] {strides = array<i32>} : memref<32x50x64xf32, #tpu.memory_space<vmem>>, vector<1x1x16xf32>,
      %get3A_1927 = vector.shape_cast %get3A_1926 : vector<1x1x16xf32> to vector<16xf32>
      %add3A_1928 = arith.addf %add3A_1921, %get3A_1927 : vector<16xf32>
      %get3A_1929 = arith.constant 13 : i32
      %get3A_1930 = arith.index_cast %scan3A_777 : i32 to index
      %get3A_1931 = arith.index_cast %get3A_1929 : i32 to index
      %get3A_1932 = arith.constant 48 : index
      %get3A_1933 = tpu.vector_load %arg6[%get3A_1930, %get3A_1931, %get3A_1932] {strides = array<i32>} : memref<32x50x64xf32, #tpu.memory_space<vmem>>, vector<1x1x16xf32>,
      %get3A_1934 = vector.shape_cast %get3A_1933 : vector<1x1x16xf32> to vector<16xf32>
      %add3A_1935 = arith.addf %add3A_1928, %get3A_1934 : vector<16xf32>
      %get3A_1936 = arith.constant 14 : i32
      %get3A_1937 = arith.index_cast %scan3A_777 : i32 to index
      %get3A_1938 = arith.index_cast %get3A_1936 : i32 to index
      %get3A_1939 = arith.constant 48 : index
      %get3A_1940 = tpu.vector_load %arg6[%get3A_1937, %get3A_1938, %get3A_1939] {strides = array<i32>} : memref<32x50x64xf32, #tpu.memory_space<vmem>>, vector<1x1x16xf32>,
      %get3A_1941 = vector.shape_cast %get3A_1940 : vector<1x1x16xf32> to vector<16xf32>
      %add3A_1942 = arith.addf %add3A_1935, %get3A_1941 : vector<16xf32>
      %get3A_1943 = arith.constant 15 : i32
      %get3A_1944 = arith.index_cast %scan3A_777 : i32 to index
      %get3A_1945 = arith.index_cast %get3A_1943 : i32 to index
      %get3A_1946 = arith.constant 48 : index
      %get3A_1947 = tpu.vector_load %arg6[%get3A_1944, %get3A_1945, %get3A_1946] {strides = array<i32>} : memref<32x50x64xf32, #tpu.memory_space<vmem>>, vector<1x1x16xf32>,
      %get3A_1948 = vector.shape_cast %get3A_1947 : vector<1x1x16xf32> to vector<16xf32>
      %add3A_1949 = arith.addf %add3A_1942, %get3A_1948 : vector<16xf32>
      %get3A_1950 = arith.constant 16 : i32
      %get3A_1951 = arith.index_cast %scan3A_777 : i32 to index
      %get3A_1952 = arith.index_cast %get3A_1950 : i32 to index
      %get3A_1953 = arith.constant 48 : index
      %get3A_1954 = tpu.vector_load %arg6[%get3A_1951, %get3A_1952, %get3A_1953] {strides = array<i32>} : memref<32x50x64xf32, #tpu.memory_space<vmem>>, vector<1x1x16xf32>,
      %get3A_1955 = vector.shape_cast %get3A_1954 : vector<1x1x16xf32> to vector<16xf32>
      %add3A_1956 = arith.addf %add3A_1949, %get3A_1955 : vector<16xf32>
      %get3A_1957 = arith.constant 17 : i32
      %get3A_1958 = arith.index_cast %scan3A_777 : i32 to index
      %get3A_1959 = arith.index_cast %get3A_1957 : i32 to index
      %get3A_1960 = arith.constant 48 : index
      %get3A_1961 = tpu.vector_load %arg6[%get3A_1958, %get3A_1959, %get3A_1960] {strides = array<i32>} : memref<32x50x64xf32, #tpu.memory_space<vmem>>, vector<1x1x16xf32>,
      %get3A_1962 = vector.shape_cast %get3A_1961 : vector<1x1x16xf32> to vector<16xf32>
      %add3A_1963 = arith.addf %add3A_1956, %get3A_1962 : vector<16xf32>
      %get3A_1964 = arith.constant 18 : i32
      %get3A_1965 = arith.index_cast %scan3A_777 : i32 to index
      %get3A_1966 = arith.index_cast %get3A_1964 : i32 to index
      %get3A_1967 = arith.constant 48 : index
      %get3A_1968 = tpu.vector_load %arg6[%get3A_1965, %get3A_1966, %get3A_1967] {strides = array<i32>} : memref<32x50x64xf32, #tpu.memory_space<vmem>>, vector<1x1x16xf32>,
      %get3A_1969 = vector.shape_cast %get3A_1968 : vector<1x1x16xf32> to vector<16xf32>
      %add3A_1970 = arith.addf %add3A_1963, %get3A_1969 : vector<16xf32>
      %get3A_1971 = arith.constant 19 : i32
      %get3A_1972 = arith.index_cast %scan3A_777 : i32 to index
      %get3A_1973 = arith.index_cast %get3A_1971 : i32 to index
      %get3A_1974 = arith.constant 48 : index
      %get3A_1975 = tpu.vector_load %arg6[%get3A_1972, %get3A_1973, %get3A_1974] {strides = array<i32>} : memref<32x50x64xf32, #tpu.memory_space<vmem>>, vector<1x1x16xf32>,
      %get3A_1976 = vector.shape_cast %get3A_1975 : vector<1x1x16xf32> to vector<16xf32>
      %add3A_1977 = arith.addf %add3A_1970, %get3A_1976 : vector<16xf32>
      %get3A_1978 = arith.constant 20 : i32
      %get3A_1979 = arith.index_cast %scan3A_777 : i32 to index
      %get3A_1980 = arith.index_cast %get3A_1978 : i32 to index
      %get3A_1981 = arith.constant 48 : index
      %get3A_1982 = tpu.vector_load %arg6[%get3A_1979, %get3A_1980, %get3A_1981] {strides = array<i32>} : memref<32x50x64xf32, #tpu.memory_space<vmem>>, vector<1x1x16xf32>,
      %get3A_1983 = vector.shape_cast %get3A_1982 : vector<1x1x16xf32> to vector<16xf32>
      %add3A_1984 = arith.addf %add3A_1977, %get3A_1983 : vector<16xf32>
      %get3A_1985 = arith.constant 21 : i32
      %get3A_1986 = arith.index_cast %scan3A_777 : i32 to index
      %get3A_1987 = arith.index_cast %get3A_1985 : i32 to index
      %get3A_1988 = arith.constant 48 : index
      %get3A_1989 = tpu.vector_load %arg6[%get3A_1986, %get3A_1987, %get3A_1988] {strides = array<i32>} : memref<32x50x64xf32, #tpu.memory_space<vmem>>, vector<1x1x16xf32>,
      %get3A_1990 = vector.shape_cast %get3A_1989 : vector<1x1x16xf32> to vector<16xf32>
      %add3A_1991 = arith.addf %add3A_1984, %get3A_1990 : vector<16xf32>
      %get3A_1992 = arith.constant 22 : i32
      %get3A_1993 = arith.index_cast %scan3A_777 : i32 to index
      %get3A_1994 = arith.index_cast %get3A_1992 : i32 to index
      %get3A_1995 = arith.constant 48 : index
      %get3A_1996 = tpu.vector_load %arg6[%get3A_1993, %get3A_1994, %get3A_1995] {strides = array<i32>} : memref<32x50x64xf32, #tpu.memory_space<vmem>>, vector<1x1x16xf32>,
      %get3A_1997 = vector.shape_cast %get3A_1996 : vector<1x1x16xf32> to vector<16xf32>
      %add3A_1998 = arith.addf %add3A_1991, %get3A_1997 : vector<16xf32>
      %get3A_1999 = arith.constant 23 : i32
      %get3A_2000 = arith.index_cast %scan3A_777 : i32 to index
      %get3A_2001 = arith.index_cast %get3A_1999 : i32 to index
      %get3A_2002 = arith.constant 48 : index
      %get3A_2003 = tpu.vector_load %arg6[%get3A_2000, %get3A_2001, %get3A_2002] {strides = array<i32>} : memref<32x50x64xf32, #tpu.memory_space<vmem>>, vector<1x1x16xf32>,
      %get3A_2004 = vector.shape_cast %get3A_2003 : vector<1x1x16xf32> to vector<16xf32>
      %add3A_2005 = arith.addf %add3A_1998, %get3A_2004 : vector<16xf32>
      %get3A_2006 = arith.constant 24 : i32
      %get3A_2007 = arith.index_cast %scan3A_777 : i32 to index
      %get3A_2008 = arith.index_cast %get3A_2006 : i32 to index
      %get3A_2009 = arith.constant 48 : index
      %get3A_2010 = tpu.vector_load %arg6[%get3A_2007, %get3A_2008, %get3A_2009] {strides = array<i32>} : memref<32x50x64xf32, #tpu.memory_space<vmem>>, vector<1x1x16xf32>,
      %get3A_2011 = vector.shape_cast %get3A_2010 : vector<1x1x16xf32> to vector<16xf32>
      %add3A_2012 = arith.addf %add3A_2005, %get3A_2011 : vector<16xf32>
      %get3A_2013 = arith.constant 25 : i32
      %get3A_2014 = arith.index_cast %scan3A_777 : i32 to index
      %get3A_2015 = arith.index_cast %get3A_2013 : i32 to index
      %get3A_2016 = arith.constant 48 : index
      %get3A_2017 = tpu.vector_load %arg6[%get3A_2014, %get3A_2015, %get3A_2016] {strides = array<i32>} : memref<32x50x64xf32, #tpu.memory_space<vmem>>, vector<1x1x16xf32>,
      %get3A_2018 = vector.shape_cast %get3A_2017 : vector<1x1x16xf32> to vector<16xf32>
      %add3A_2019 = arith.addf %add3A_2012, %get3A_2018 : vector<16xf32>
      %get3A_2020 = arith.constant 26 : i32
      %get3A_2021 = arith.index_cast %scan3A_777 : i32 to index
      %get3A_2022 = arith.index_cast %get3A_2020 : i32 to index
      %get3A_2023 = arith.constant 48 : index
      %get3A_2024 = tpu.vector_load %arg6[%get3A_2021, %get3A_2022, %get3A_2023] {strides = array<i32>} : memref<32x50x64xf32, #tpu.memory_space<vmem>>, vector<1x1x16xf32>,
      %get3A_2025 = vector.shape_cast %get3A_2024 : vector<1x1x16xf32> to vector<16xf32>
      %add3A_2026 = arith.addf %add3A_2019, %get3A_2025 : vector<16xf32>
      %get3A_2027 = arith.constant 27 : i32
      %get3A_2028 = arith.index_cast %scan3A_777 : i32 to index
      %get3A_2029 = arith.index_cast %get3A_2027 : i32 to index
      %get3A_2030 = arith.constant 48 : index
      %get3A_2031 = tpu.vector_load %arg6[%get3A_2028, %get3A_2029, %get3A_2030] {strides = array<i32>} : memref<32x50x64xf32, #tpu.memory_space<vmem>>, vector<1x1x16xf32>,
      %get3A_2032 = vector.shape_cast %get3A_2031 : vector<1x1x16xf32> to vector<16xf32>
      %add3A_2033 = arith.addf %add3A_2026, %get3A_2032 : vector<16xf32>
      %get3A_2034 = arith.constant 28 : i32
      %get3A_2035 = arith.index_cast %scan3A_777 : i32 to index
      %get3A_2036 = arith.index_cast %get3A_2034 : i32 to index
      %get3A_2037 = arith.constant 48 : index
      %get3A_2038 = tpu.vector_load %arg6[%get3A_2035, %get3A_2036, %get3A_2037] {strides = array<i32>} : memref<32x50x64xf32, #tpu.memory_space<vmem>>, vector<1x1x16xf32>,
      %get3A_2039 = vector.shape_cast %get3A_2038 : vector<1x1x16xf32> to vector<16xf32>
      %add3A_2040 = arith.addf %add3A_2033, %get3A_2039 : vector<16xf32>
      %get3A_2041 = arith.constant 29 : i32
      %get3A_2042 = arith.index_cast %scan3A_777 : i32 to index
      %get3A_2043 = arith.index_cast %get3A_2041 : i32 to index
      %get3A_2044 = arith.constant 48 : index
      %get3A_2045 = tpu.vector_load %arg6[%get3A_2042, %get3A_2043, %get3A_2044] {strides = array<i32>} : memref<32x50x64xf32, #tpu.memory_space<vmem>>, vector<1x1x16xf32>,
      %get3A_2046 = vector.shape_cast %get3A_2045 : vector<1x1x16xf32> to vector<16xf32>
      %add3A_2047 = arith.addf %add3A_2040, %get3A_2046 : vector<16xf32>
      %get3A_2048 = arith.constant 30 : i32
      %get3A_2049 = arith.index_cast %scan3A_777 : i32 to index
      %get3A_2050 = arith.index_cast %get3A_2048 : i32 to index
      %get3A_2051 = arith.constant 48 : index
      %get3A_2052 = tpu.vector_load %arg6[%get3A_2049, %get3A_2050, %get3A_2051] {strides = array<i32>} : memref<32x50x64xf32, #tpu.memory_space<vmem>>, vector<1x1x16xf32>,
      %get3A_2053 = vector.shape_cast %get3A_2052 : vector<1x1x16xf32> to vector<16xf32>
      %add3A_2054 = arith.addf %add3A_2047, %get3A_2053 : vector<16xf32>
      %get3A_2055 = arith.constant 31 : i32
      %get3A_2056 = arith.index_cast %scan3A_777 : i32 to index
      %get3A_2057 = arith.index_cast %get3A_2055 : i32 to index
      %get3A_2058 = arith.constant 48 : index
      %get3A_2059 = tpu.vector_load %arg6[%get3A_2056, %get3A_2057, %get3A_2058] {strides = array<i32>} : memref<32x50x64xf32, #tpu.memory_space<vmem>>, vector<1x1x16xf32>,
      %get3A_2060 = vector.shape_cast %get3A_2059 : vector<1x1x16xf32> to vector<16xf32>
      %add3A_2061 = arith.addf %add3A_2054, %get3A_2060 : vector<16xf32>
      %get3A_2062 = arith.constant 32 : i32
      %get3A_2063 = arith.index_cast %scan3A_777 : i32 to index
      %get3A_2064 = arith.index_cast %get3A_2062 : i32 to index
      %get3A_2065 = arith.constant 48 : index
      %get3A_2066 = tpu.vector_load %arg6[%get3A_2063, %get3A_2064, %get3A_2065] {strides = array<i32>} : memref<32x50x64xf32, #tpu.memory_space<vmem>>, vector<1x1x16xf32>,
      %get3A_2067 = vector.shape_cast %get3A_2066 : vector<1x1x16xf32> to vector<16xf32>
      %add3A_2068 = arith.addf %add3A_2061, %get3A_2067 : vector<16xf32>
      %get3A_2069 = arith.constant 33 : i32
      %get3A_2070 = arith.index_cast %scan3A_777 : i32 to index
      %get3A_2071 = arith.index_cast %get3A_2069 : i32 to index
      %get3A_2072 = arith.constant 48 : index
      %get3A_2073 = tpu.vector_load %arg6[%get3A_2070, %get3A_2071, %get3A_2072] {strides = array<i32>} : memref<32x50x64xf32, #tpu.memory_space<vmem>>, vector<1x1x16xf32>,
      %get3A_2074 = vector.shape_cast %get3A_2073 : vector<1x1x16xf32> to vector<16xf32>
      %add3A_2075 = arith.addf %add3A_2068, %get3A_2074 : vector<16xf32>
      %get3A_2076 = arith.constant 34 : i32
      %get3A_2077 = arith.index_cast %scan3A_777 : i32 to index
      %get3A_2078 = arith.index_cast %get3A_2076 : i32 to index
      %get3A_2079 = arith.constant 48 : index
      %get3A_2080 = tpu.vector_load %arg6[%get3A_2077, %get3A_2078, %get3A_2079] {strides = array<i32>} : memref<32x50x64xf32, #tpu.memory_space<vmem>>, vector<1x1x16xf32>,
      %get3A_2081 = vector.shape_cast %get3A_2080 : vector<1x1x16xf32> to vector<16xf32>
      %add3A_2082 = arith.addf %add3A_2075, %get3A_2081 : vector<16xf32>
      %get3A_2083 = arith.constant 35 : i32
      %get3A_2084 = arith.index_cast %scan3A_777 : i32 to index
      %get3A_2085 = arith.index_cast %get3A_2083 : i32 to index
      %get3A_2086 = arith.constant 48 : index
      %get3A_2087 = tpu.vector_load %arg6[%get3A_2084, %get3A_2085, %get3A_2086] {strides = array<i32>} : memref<32x50x64xf32, #tpu.memory_space<vmem>>, vector<1x1x16xf32>,
      %get3A_2088 = vector.shape_cast %get3A_2087 : vector<1x1x16xf32> to vector<16xf32>
      %add3A_2089 = arith.addf %add3A_2082, %get3A_2088 : vector<16xf32>
      %get3A_2090 = arith.constant 36 : i32
      %get3A_2091 = arith.index_cast %scan3A_777 : i32 to index
      %get3A_2092 = arith.index_cast %get3A_2090 : i32 to index
      %get3A_2093 = arith.constant 48 : index
      %get3A_2094 = tpu.vector_load %arg6[%get3A_2091, %get3A_2092, %get3A_2093] {strides = array<i32>} : memref<32x50x64xf32, #tpu.memory_space<vmem>>, vector<1x1x16xf32>,
      %get3A_2095 = vector.shape_cast %get3A_2094 : vector<1x1x16xf32> to vector<16xf32>
      %add3A_2096 = arith.addf %add3A_2089, %get3A_2095 : vector<16xf32>
      %get3A_2097 = arith.constant 37 : i32
      %get3A_2098 = arith.index_cast %scan3A_777 : i32 to index
      %get3A_2099 = arith.index_cast %get3A_2097 : i32 to index
      %get3A_2100 = arith.constant 48 : index
      %get3A_2101 = tpu.vector_load %arg6[%get3A_2098, %get3A_2099, %get3A_2100] {strides = array<i32>} : memref<32x50x64xf32, #tpu.memory_space<vmem>>, vector<1x1x16xf32>,
      %get3A_2102 = vector.shape_cast %get3A_2101 : vector<1x1x16xf32> to vector<16xf32>
      %add3A_2103 = arith.addf %add3A_2096, %get3A_2102 : vector<16xf32>
      %get3A_2104 = arith.constant 38 : i32
      %get3A_2105 = arith.index_cast %scan3A_777 : i32 to index
      %get3A_2106 = arith.index_cast %get3A_2104 : i32 to index
      %get3A_2107 = arith.constant 48 : index
      %get3A_2108 = tpu.vector_load %arg6[%get3A_2105, %get3A_2106, %get3A_2107] {strides = array<i32>} : memref<32x50x64xf32, #tpu.memory_space<vmem>>, vector<1x1x16xf32>,
      %get3A_2109 = vector.shape_cast %get3A_2108 : vector<1x1x16xf32> to vector<16xf32>
      %add3A_2110 = arith.addf %add3A_2103, %get3A_2109 : vector<16xf32>
      %get3A_2111 = arith.constant 39 : i32
      %get3A_2112 = arith.index_cast %scan3A_777 : i32 to index
      %get3A_2113 = arith.index_cast %get3A_2111 : i32 to index
      %get3A_2114 = arith.constant 48 : index
      %get3A_2115 = tpu.vector_load %arg6[%get3A_2112, %get3A_2113, %get3A_2114] {strides = array<i32>} : memref<32x50x64xf32, #tpu.memory_space<vmem>>, vector<1x1x16xf32>,
      %get3A_2116 = vector.shape_cast %get3A_2115 : vector<1x1x16xf32> to vector<16xf32>
      %add3A_2117 = arith.addf %add3A_2110, %get3A_2116 : vector<16xf32>
      %get3A_2118 = arith.constant 40 : i32
      %get3A_2119 = arith.index_cast %scan3A_777 : i32 to index
      %get3A_2120 = arith.index_cast %get3A_2118 : i32 to index
      %get3A_2121 = arith.constant 48 : index
      %get3A_2122 = tpu.vector_load %arg6[%get3A_2119, %get3A_2120, %get3A_2121] {strides = array<i32>} : memref<32x50x64xf32, #tpu.memory_space<vmem>>, vector<1x1x16xf32>,
      %get3A_2123 = vector.shape_cast %get3A_2122 : vector<1x1x16xf32> to vector<16xf32>
      %add3A_2124 = arith.addf %add3A_2117, %get3A_2123 : vector<16xf32>
      %get3A_2125 = arith.constant 41 : i32
      %get3A_2126 = arith.index_cast %scan3A_777 : i32 to index
      %get3A_2127 = arith.index_cast %get3A_2125 : i32 to index
      %get3A_2128 = arith.constant 48 : index
      %get3A_2129 = tpu.vector_load %arg6[%get3A_2126, %get3A_2127, %get3A_2128] {strides = array<i32>} : memref<32x50x64xf32, #tpu.memory_space<vmem>>, vector<1x1x16xf32>,
      %get3A_2130 = vector.shape_cast %get3A_2129 : vector<1x1x16xf32> to vector<16xf32>
      %add3A_2131 = arith.addf %add3A_2124, %get3A_2130 : vector<16xf32>
      %get3A_2132 = arith.constant 42 : i32
      %get3A_2133 = arith.index_cast %scan3A_777 : i32 to index
      %get3A_2134 = arith.index_cast %get3A_2132 : i32 to index
      %get3A_2135 = arith.constant 48 : index
      %get3A_2136 = tpu.vector_load %arg6[%get3A_2133, %get3A_2134, %get3A_2135] {strides = array<i32>} : memref<32x50x64xf32, #tpu.memory_space<vmem>>, vector<1x1x16xf32>,
      %get3A_2137 = vector.shape_cast %get3A_2136 : vector<1x1x16xf32> to vector<16xf32>
      %add3A_2138 = arith.addf %add3A_2131, %get3A_2137 : vector<16xf32>
      %get3A_2139 = arith.constant 43 : i32
      %get3A_2140 = arith.index_cast %scan3A_777 : i32 to index
      %get3A_2141 = arith.index_cast %get3A_2139 : i32 to index
      %get3A_2142 = arith.constant 48 : index
      %get3A_2143 = tpu.vector_load %arg6[%get3A_2140, %get3A_2141, %get3A_2142] {strides = array<i32>} : memref<32x50x64xf32, #tpu.memory_space<vmem>>, vector<1x1x16xf32>,
      %get3A_2144 = vector.shape_cast %get3A_2143 : vector<1x1x16xf32> to vector<16xf32>
      %add3A_2145 = arith.addf %add3A_2138, %get3A_2144 : vector<16xf32>
      %get3A_2146 = arith.constant 44 : i32
      %get3A_2147 = arith.index_cast %scan3A_777 : i32 to index
      %get3A_2148 = arith.index_cast %get3A_2146 : i32 to index
      %get3A_2149 = arith.constant 48 : index
      %get3A_2150 = tpu.vector_load %arg6[%get3A_2147, %get3A_2148, %get3A_2149] {strides = array<i32>} : memref<32x50x64xf32, #tpu.memory_space<vmem>>, vector<1x1x16xf32>,
      %get3A_2151 = vector.shape_cast %get3A_2150 : vector<1x1x16xf32> to vector<16xf32>
      %add3A_2152 = arith.addf %add3A_2145, %get3A_2151 : vector<16xf32>
      %get3A_2153 = arith.constant 45 : i32
      %get3A_2154 = arith.index_cast %scan3A_777 : i32 to index
      %get3A_2155 = arith.index_cast %get3A_2153 : i32 to index
      %get3A_2156 = arith.constant 48 : index
      %get3A_2157 = tpu.vector_load %arg6[%get3A_2154, %get3A_2155, %get3A_2156] {strides = array<i32>} : memref<32x50x64xf32, #tpu.memory_space<vmem>>, vector<1x1x16xf32>,
      %get3A_2158 = vector.shape_cast %get3A_2157 : vector<1x1x16xf32> to vector<16xf32>
      %add3A_2159 = arith.addf %add3A_2152, %get3A_2158 : vector<16xf32>
      %get3A_2160 = arith.constant 46 : i32
      %get3A_2161 = arith.index_cast %scan3A_777 : i32 to index
      %get3A_2162 = arith.index_cast %get3A_2160 : i32 to index
      %get3A_2163 = arith.constant 48 : index
      %get3A_2164 = tpu.vector_load %arg6[%get3A_2161, %get3A_2162, %get3A_2163] {strides = array<i32>} : memref<32x50x64xf32, #tpu.memory_space<vmem>>, vector<1x1x16xf32>,
      %get3A_2165 = vector.shape_cast %get3A_2164 : vector<1x1x16xf32> to vector<16xf32>
      %add3A_2166 = arith.addf %add3A_2159, %get3A_2165 : vector<16xf32>
      %get3A_2167 = arith.constant 47 : i32
      %get3A_2168 = arith.index_cast %scan3A_777 : i32 to index
      %get3A_2169 = arith.index_cast %get3A_2167 : i32 to index
      %get3A_2170 = arith.constant 48 : index
      %get3A_2171 = tpu.vector_load %arg6[%get3A_2168, %get3A_2169, %get3A_2170] {strides = array<i32>} : memref<32x50x64xf32, #tpu.memory_space<vmem>>, vector<1x1x16xf32>,
      %get3A_2172 = vector.shape_cast %get3A_2171 : vector<1x1x16xf32> to vector<16xf32>
      %add3A_2173 = arith.addf %add3A_2166, %get3A_2172 : vector<16xf32>
      %get3A_2174 = arith.constant 48 : i32
      %get3A_2175 = arith.index_cast %scan3A_777 : i32 to index
      %get3A_2176 = arith.index_cast %get3A_2174 : i32 to index
      %get3A_2177 = arith.constant 48 : index
      %get3A_2178 = tpu.vector_load %arg6[%get3A_2175, %get3A_2176, %get3A_2177] {strides = array<i32>} : memref<32x50x64xf32, #tpu.memory_space<vmem>>, vector<1x1x16xf32>,
      %get3A_2179 = vector.shape_cast %get3A_2178 : vector<1x1x16xf32> to vector<16xf32>
      %add3A_2180 = arith.addf %add3A_2173, %get3A_2179 : vector<16xf32>
      %get3A_2181 = arith.constant 49 : i32
      %get3A_2182 = arith.index_cast %scan3A_777 : i32 to index
      %get3A_2183 = arith.index_cast %get3A_2181 : i32 to index
      %get3A_2184 = arith.constant 48 : index
      %get3A_2185 = tpu.vector_load %arg6[%get3A_2182, %get3A_2183, %get3A_2184] {strides = array<i32>} : memref<32x50x64xf32, #tpu.memory_space<vmem>>, vector<1x1x16xf32>,
      %get3A_2186 = vector.shape_cast %get3A_2185 : vector<1x1x16xf32> to vector<16xf32>
      %add3A_2187 = arith.addf %add3A_2180, %get3A_2186 : vector<16xf32>
      %swap3A_2188 = arith.index_cast %scan3A_777 : i32 to index
      %swap3A_2189 = arith.constant 48 : index
      %swap3A_2190 = tpu.vector_load %arg7[%swap3A_2188, %swap3A_2189] {strides = array<i32>} : memref<32x64xf32, #tpu.memory_space<vmem>>, vector<1x16xf32>,
      %swap3A_2191 = vector.shape_cast %swap3A_2190 : vector<1x16xf32> to vector<16xf32>
      %swap3A_2192 = vector.shape_cast %add3A_2187 : vector<16xf32> to vector<1x16xf32>
      tpu.vector_store %arg7[%swap3A_2188, %swap3A_2189], %swap3A_2192 {strides = array<i32>} : memref<32x64xf32, #tpu.memory_space<vmem>>, vector<1x16xf32>,
      %scan3A_2193 = arith.constant 0 : i32
      scf.yield %scan3A_2193 : i32
    }
    %scan3A_774 = arith.constant 32 : i32
    %mul3A_775 = arith.constant 32 : i32
    %mul3A_776 = arith.muli %add3A, %mul3A_775 : i32
    "tpu.region"() ({
      %run_scoped3A = tpu.sem_alloc : memref<!tpu.dma_semaphore, #tpu.memory_space<semaphore_mem>>
      %dma_start3A_777 = arith.constant 0 : i32
      %dma_start3A_778 = tpu.memref_slice %arg4[%mul3A_776, %dma_start3A_777] : memref<1024x64xf32, #tpu.memory_space<hbm>> -> memref<32x64xf32, #tpu.memory_space<hbm>>
      %dma_start3A_779 = arith.constant 0 : i32
      %dma_start3A_780 = tpu.memref_slice %arg4[%mul3A_776, %dma_start3A_779] : memref<1024x64xf32, #tpu.memory_space<hbm>> -> memref<32x64xf32, #tpu.memory_space<hbm>>
      tpu.enqueue_dma source(%arg7 : memref<32x64xf32, #tpu.memory_space<vmem>>) target(%dma_start3A_780 : memref<32x64xf32, #tpu.memory_space<hbm>>) target_semaphore(%run_scoped3A : memref<!tpu.dma_semaphore, #tpu.memory_space<semaphore_mem>>)
      %dma_wait3A_781 = arith.constant 0 : i32
      %dma_wait3A_782 = tpu.memref_slice %arg4[%mul3A_776, %dma_wait3A_781] : memref<1024x64xf32, #tpu.memory_space<hbm>> -> memref<32x64xf32, #tpu.memory_space<hbm>>
      %dma_wait3A_783 = arith.constant 0 : i32
      %dma_wait3A_784 = tpu.memref_slice %arg4[%mul3A_776, %dma_wait3A_783] : memref<1024x64xf32, #tpu.memory_space<hbm>> -> memref<32x64xf32, #tpu.memory_space<hbm>>
      tpu.wait_dma2 semaphore(%run_scoped3A : memref<!tpu.dma_semaphore, #tpu.memory_space<semaphore_mem>>) src(%arg7 : memref<32x64xf32, #tpu.memory_space<vmem>>) dst(%dma_wait3A_784 : memref<32x64xf32, #tpu.memory_space<hbm>>)
      tpu.yield
    }) : () -> ()
    return
  }
}

module attributes {stable_mosaic.version = 14 : i64} {
  func.func @_mm_body(%arg0: i32, %arg1: memref<64x64xbf16, #tpu.memory_space<vmem>>, %arg2: memref<64x100000xbf16, #tpu.memory_space<vmem>>, %arg3: memref<1x100000xf32, #tpu.memory_space<vmem>>, %arg4: memref<64x100000xbf16, #tpu.memory_space<vmem>>) attributes {dimension_semantics = [#tpu.dimension_semantics<arbitrary>], iteration_bounds = array<i64: 16>, scalar_prefetch = 0 : i64, scratch_operands = 0 : i64, tpu.core_type = #tpu.core_type<tc>, window_params = [{transform_indices = @transform_0, window_bounds = array<i64: 64, 64>}, {pipeline_mode = #tpu.pipeline_mode<synchronous>, transform_indices = @transform_1, window_bounds = array<i64: 64, 100000>}, {pipeline_mode = #tpu.pipeline_mode<synchronous>, transform_indices = @transform_2, window_bounds = array<i64: 1, 100000>}, {transform_indices = @transform_3, window_bounds = array<i64: 64, 100000>}]} {
    %get3A = arith.constant 0 : index
    %get3A_0 = arith.constant 0 : index
    %get3A_1 = vector.load %arg1[%get3A, %get3A_0] : memref<64x64xbf16, #tpu.memory_space<vmem>>, vector<64x64xbf16>
    %get3A_2 = arith.constant 0 : index
    %get3A_3 = arith.constant 0 : index
    %get3A_4 = vector.load %arg2[%get3A_2, %get3A_3] : memref<64x100000xbf16, #tpu.memory_space<vmem>>, vector<64x100000xbf16>
    %dot_general3A = arith.constant dense<0.000000e+00> : vector<64x100000xf32>
    %dot_general3A_5 = tpu.matmul %get3A_1, %get3A_4, %dot_general3A {dimension_numbers = #tpu.dot_dimension_numbers<[1], [0], [0], [1], [0, 0, 1, 1], [], []>, transpose_lhs_hint = false} : vector<64x64xbf16>, vector<64x100000xbf16>, vector<64x100000xf32> -> vector<64x100000xf32>
    %get3A_6 = arith.constant 0 : index
    %get3A_7 = arith.constant 0 : index
    %get3A_8 = vector.load %arg3[%get3A_6, %get3A_7] : memref<1x100000xf32, #tpu.memory_space<vmem>>, vector<1x100000xf32>
    %add3A = vector.broadcast %get3A_8 : vector<1x100000xf32> to vector<64x100000xf32>
    %add3A_9 = arith.addf %dot_general3A_5, %add3A : vector<64x100000xf32>
    %convert_element_type3A = arith.truncf %add3A_9 : vector<64x100000xf32> to vector<64x100000xbf16>
    %swap3A = arith.constant 0 : index
    %swap3A_10 = arith.constant 0 : index
    %swap3A_11 = vector.load %arg4[%swap3A, %swap3A_10] : memref<64x100000xbf16, #tpu.memory_space<vmem>>, vector<64x100000xbf16>
    tpu.vector_store %arg4[%swap3A, %swap3A_10], %convert_element_type3A {strides = array<i32>} : memref<64x100000xbf16, #tpu.memory_space<vmem>>, vector<64x100000xbf16>,
    return
  }
  func.func @transform_0(%arg0: i32) -> (i32, i32) {
    %c0_i32 = arith.constant 0 : i32
    %c0_i32_0 = arith.constant 0 : i32
    return %arg0, %c0_i32 : i32, i32
  }
  func.func @transform_1(%arg0: i32) -> (i32, i32) {
    %c0_i32 = arith.constant 0 : i32
    %c0_i32_0 = arith.constant 0 : i32
    %c0_i32_1 = arith.constant 0 : i32
    return %c0_i32, %c0_i32_0 : i32, i32
  }
  func.func @transform_2(%arg0: i32) -> (i32, i32) {
    %c0_i32 = arith.constant 0 : i32
    %c0_i32_0 = arith.constant 0 : i32
    %c0_i32_1 = arith.constant 0 : i32
    return %c0_i32, %c0_i32_0 : i32, i32
  }
  func.func @transform_3(%arg0: i32) -> (i32, i32) {
    %c0_i32 = arith.constant 0 : i32
    %c0_i32_0 = arith.constant 0 : i32
    return %arg0, %c0_i32 : i32, i32
  }
}

</mosaic_0001>

<sc_bundles>
// kernel: kernel.4.cloned.1.call-start
scs
__scs_entry_jumppad:
0x0: {  	(pc) =	sbr.rel $0x88, $3  }
0x1: {  	(tag) =	ssettag $0x0;
	lr =	simm.s32 $0x1  }
0x2: {  	[smem:$0x3F9D] =	sst lr;
	_ =	strace $0xD0000000  }
0x3: {  	_ = 	snop  }
0x4: {  	_ = 	snop  }
0x5: {  	_ = 	snop  }
0x6: {  	_ = 	snop  }
0x7: {  	_ = 	snop  }
__scs_overlays_trampoline_lowered:
0x8: {  	[smem:$0x3FAC] =	sst s0  }
0x9: {  	[smem:$0x3FAD] =	sst s1  }
0xa: {  	[smem:$0x3FAE] =	sst s2  }
0xb: {  	[smem:$0x3FAF] =	sst s3  }
0xc: {  	[smem:$0x3FB0] =	sst s4  }
0xd: {  	[smem:$0x3FB1] =	sst s5  }
0xe: {  	[smem:$0x3FB2] =	sst s6  }
0xf: {  	[smem:$0x3FB3] =	sst s7  }
0x10: {  	[smem:$0x3FB4] =	sst s8  }
0x11: {  	[smem:$0x3FB5] =	sst s9;
	s0 =	simm.s32 @!p0 $0x0  }
0x12: {  	s1 =	sld [smem:$0x3F9B];
	s0 =	simm.s32 @p0 $0x1  }
0x13: {  	[smem:$0x3FB6] =	sst s0;
	s0 =	simm.s32 @!p1 $0x0  }
0x14: {  	s2 =	sld [smem:$0x3F9A];
	s0 =	simm.s32 @p1 $0x1  }
0x15: {  	[smem:$0x3FB7] =	sst s0;
	s0 =	simm.s32 @!p2 $0x0  }
0x16: {  	s3 =	sld [smem:$0x3FDB];
	s0 =	simm.s32 @p2 $0x1  }
0x17: {  	s4 =	simm.s32 $0x1BF5;
	[smem:$0x3FB9] =	sst s0  }
0x18: {  	s0 =	sld [smem:$0x3F9C];
	_ =	swait.ge [sflag:s4], $0x0  }
0x19: {  	s7 =	sld [smem:$0x3F9D]  }
0x1a: {  	s8 =	sadd.s32 $0xFFFFE003, lr  }
0x1b: {  	s9 =	sadd.s32 $0xFFFFFEF7, lr;
	s5 =	simm.s32 $0xFFFFFFFF;
	p2 =	slt.u32 s8, $0xFFFFF086  }
0x1c: {  	p1 =	slt.u32 s9, $0xF7A;
	s5 =	simm.s32 @!p2 $0x0  }
0x1d: {  	s5 =	simm.s32 @p1 $0x1;
	p0 =	seq.s32 s7, s2  }
0x1e: {  	s7 =	smul.u32 @!p0 $0xF7A, s2;
	p2 =	seq.s32 @!p0 s5, $0x0  }
0x1f: {  	s9 =	smul.u32 $0xF7A, s1;
	s8 =	simm.s32 @!p0 $0x1BF5;
	p2 =	por !p2, p0  }
0x20: {  	[sflag:s8] =	ssyncset.s32 @!p0 $0xFFFFF086;
	s6 =	sadd.s32 @!p0 s3, s7;
	s7 =	simm.s32 @!p0 $0x108  }
0x21: {  	s3 =	sadd.s32 s3, s9;
	s6 =	sadd.s32 @!p0 $0x88, s6;
	s7 =	simm.s32 @p2 $0x1082  }
0x22: {  	[simem:s7], [sflag:s8] =	dma.local @!p0 [hbm:s6], $0xF7A  }
0x23: {  	s9 =	sor.u32 $0xD0000000, s2;
	s6 =	simm.s32 $0x108;
	_ =	swait.ge @!p0 [sflag:s8], $0x0  }
0x24: {  	s3 =	sadd.s32 $0x88, s3;
	s6 =	simm.s32 @!p1 $0x1082;
	[sflag:s4] =	ssyncset.s32 $0xFFFFF086  }
0x25: {  	[simem:s6], [sflag:s4] =	dma.local [hbm:s3], $0xF7A  }
0x26: {  	[smem:$0x3F9D] =	sst s1;
	(tag) =	ssettag s2;
	_ =	strace s9  }
0x27: {  	s1 =	sld [smem:$0x3FAD]  }
0x28: {  	s2 =	sld [smem:$0x3FAE]  }
0x29: {  	s4 =	sld [smem:$0x3FB0]  }
0x2a: {  	p0 =	seq.s32 s5, $0x0;
	s5 =	sld [smem:$0x3FB1]  }
0x2b: {  	s6 =	sld [smem:$0x3FB2]  }
0x2c: {  	s7 =	sld [smem:$0x3FB3]  }
0x2d: {  	s3 =	simm.s32 $0x108;
	s8 =	sld [smem:$0x3FB4]  }
0x2e: {  	s3 =	simm.s32 @!p0 $0x1082;
	s9 =	sld [smem:$0x3FB5]  }
0x2f: {  	lr =	sadd.s32 s0, s3;
	s0 =	sld [smem:$0x3FAC]  }
0x30: {  	s3 =	sld [smem:$0x3FAF]  }
0x31: {  	[smem:$0x3FB8] =	sst s10  }
0x32: {  	s10 =	sld [smem:$0x3FB6];
	_ =	sdelay $0x3  }
0x33: {  	p0 =	seq.s32 s10, $0x1;
	s10 =	sld [smem:$0x3FB8];
	_ =	sdelay $0x3  }
0x34: {  	[smem:$0x3FB8] =	sst s10  }
0x35: {  	s10 =	sld [smem:$0x3FB7];
	_ =	sdelay $0x3  }
0x36: {  	p1 =	seq.s32 s10, $0x1;
	s10 =	sld [smem:$0x3FB8];
	_ =	sdelay $0x3  }
0x37: {  	[smem:$0x3FB8] =	sst s10  }
0x38: {  	s10 =	sld [smem:$0x3FB9]  }
0x39: {  	_ = 	snop;
	(pc) =	sbr.ind lr, $3  }
0x3a: {  	_ = 	snop  }
0x3b: {  	_ = 	snop  }
0x3c: {  	p2 =	seq.s32 s10, $0x1;
	s10 =	sld [smem:$0x3FB8]  }
0x3d: {  	_ =	shalt  }
0x3e: {  	_ =	shalt  }
0x3f: {  	_ =	shalt  }
0x40: {  	_ =	shalt  }
0x41: {  	_ =	shalt  }
0x42: {  	_ =	shalt  }
0x43: {  	_ =	shalt  }
0x44: {  	_ =	shalt  }
0x45: {  	_ =	shalt  }
0x46: {  	_ =	shalt  }
0x47: {  	_ =	shalt  }
0x48: {  	_ =	shalt  }
0x49: {  	_ =	shalt  }
0x4a: {  	_ =	shalt  }
0x4b: {  	_ =	shalt  }
0x4c: {  	_ =	shalt  }
0x4d: {  	_ =	shalt  }
0x4e: {  	_ =	shalt  }
0x4f: {  	_ =	shalt  }
0x50: {  	_ =	shalt  }
0x51: {  	_ =	shalt  }
0x52: {  	_ =	shalt  }
0x53: {  	_ =	shalt  }
0x54: {  	_ =	shalt  }
0x55: {  	_ =	shalt  }
0x56: {  	_ =	shalt  }
0x57: {  	_ =	shalt  }
0x58: {  	_ =	shalt  }
0x59: {  	_ =	shalt  }
0x5a: {  	_ =	shalt  }
0x5b: {  	_ =	shalt  }
0x5c: {  	_ =	shalt  }
0x5d: {  	_ =	shalt  }
0x5e: {  	_ =	shalt  }
0x5f: {  	_ =	shalt  }
0x60: {  	_ =	shalt  }
0x61: {  	_ =	shalt  }
0x62: {  	_ =	shalt  }
0x63: {  	_ =	shalt  }
0x64: {  	_ =	shalt  }
0x65: {  	_ =	shalt  }
0x66: {  	_ =	shalt  }
0x67: {  	_ =	shalt  }
0x68: {  	_ =	shalt  }
0x69: {  	_ =	shalt  }
0x6a: {  	_ =	shalt  }
0x6b: {  	_ =	shalt  }
0x6c: {  	_ =	shalt  }
0x6d: {  	_ =	shalt  }
0x6e: {  	_ =	shalt  }
0x6f: {  	_ =	shalt  }
0x70: {  	_ =	shalt  }
0x71: {  	_ =	shalt  }
0x72: {  	_ =	shalt  }
0x73: {  	_ =	shalt  }
0x74: {  	_ =	shalt  }
0x75: {  	_ =	shalt  }
0x76: {  	_ =	shalt  }
0x77: {  	_ =	shalt  }
0x78: {  	_ =	shalt  }
0x79: {  	_ =	shalt  }
0x7a: {  	_ =	shalt  }
0x7b: {  	_ =	shalt  }
0x7c: {  	_ =	shalt  }
0x7d: {  	_ =	shalt  }
0x7e: {  	_ =	shalt  }
0x7f: {  	_ =	shalt  }
0x80: {  	_ =	shalt  }
0x81: {  	_ =	shalt  }
0x82: {  	_ =	shalt  }
0x83: {  	_ =	shalt  }
0x84: {  	_ =	shalt  }
0x85: {  	_ =	shalt  }
0x86: {  	_ =	shalt  }
0x87: {  	_ =	shalt  }
.Lfunc_end0:
.L_simem_size_0:
called_computation_lowered:
.L_overlay_start_0:
0x88: {  	s2 =	sld [smem:$0x3FD9]  }
0x89: {  	s3 =	sld [smem:$0x3FFE];
	_ =	sdelay $0x1  }
0x8a: {  	s1 =	srdreg.scid  }
0x8b: {  	s0 =	sand.u32 $0x1, s1  }
0x8c: {  	s16 =	sshll.u32 s0, $0xA;
	s2 =	sadd.s32 s3, s2  }
0x8d: {  	s2 =	sadd.s32 s2, s16  }
0x8e: {  	[smem:$0x3FC4] =	sst s2  }
0x8f: {  	_ = 	snop  }
0x90: {  	(tm) =	ssettm $0x1  }
0x91: {  	s17 =	sld [smem:$0x3FFB];
	_ =	sdelay $0x3  }
0x92: {  	_ =	strace s17  }
0x93: {  	s2 =	sld [smem:$0x3FFC];
	_ =	sdelay $0x3  }
0x94: {  	_ =	strace s2  }
0x95: {  	s2 =	sld [smem:$0x3FFD];
	_ =	sdelay $0x3  }
0x96: {  	_ =	strace s2  }
0x97: {  	_ =	strace $0x8FFFFFFF  }
0x98: {  	s18 =	sld [smem:$0x3FDB];
	_ =	sdelay $0x1  }
0x99: {  	s19 =	simm.s32 $_scs_section_size  }
0x9a: {  	s4 =	simm.s32 $_size__tile_overlayer_lowered;
	s5 =	simm.s32 $_tile_overlayer_lowered  }
0x9b: {  	s22 =	simm.s32 $0x1BFF;
	s21 =	sshll.u32 s5, $0x1;
	s2 =	sadd.s32 s19, s18  }
0x9c: {  	s6 =	simm.s32 $0x0;
	s20 =	sshll.u32 s4, $0x1;
	s4 =	sadd.s32 s21, s2  }
0x9d: {  	[timem:s6], [sflag:s22] =	dma.local [hbm:s4], s20  }
0x9e: {  	_ =	swait.ge [sflag:s22], s20  }
0x9f: {  	s3 =	ssub.s32 $0x0, s20;
	[sflag:s22] =	ssyncset.done $0x0  }
0xa0: {  	[sflag:s22] =	ssyncadd.s32 s3;
	_ =	sdelay $0x1  }
0xa1: {  	s23 =	simm.s32 $0x1B8B  }
0xa2: {  	_ =	swait.ge [sflag:s23], $0x1  }
0xa3: {  	[sflag:s23] =	ssyncset.done $0x0  }
0xa4: {  	s25 =	simm.s32 $0x1B8E;
	s24 =	sld [smem:$0x3FFE];
	[sflag:s23] =	ssyncadd.s32 $0xFFFFFFFF  }
0xa5: {  	s26 =	simm.s32 $execute0_lowered;
	[smem:$0x3FD2] =	sst s25  }
0xa6: {  	s4 =	sshll.u32 s26, $0x1;
	_ =	strace $0x80000046;
	[dreg:$0x1] =	wrdreg $0xFFFFFFFF  }
0xa7: {  	s28 =	simm.s32 $_size_execute0_lowered;
	s2 =	sadd.s32 s2, s4;
	[dreg:$0x0] =	wrdreg $0x0  }
0xa8: {  	s4 =	sshll.u32 s28, $0x1;
	[dreg:$0x2] =	wrdreg s2  }
0xa9: {  	[dreg:$0x3] =	wrdreg s4  }
0xaa: {  	[dreg:$0x4] =	wrdreg $0xC0  }
0xab: {  	_ =	task [dreg:s6], $0x5FFFF  }
0xac: {  	[dreg:$0x1] =	wrdreg $0xFFFFFFFF  }
0xad: {  	[dreg:$0x0] =	wrdreg $0x60  }
0xae: {  	[dreg:$0x2] =	wrdreg s24  }
0xaf: {  	[dreg:$0x3] =	wrdreg $0x9  }
0xb0: {  	_ =	task.clear_ibuf [dreg:s6], $0x4FFFF;
	_ =	strace $0x90000046  }
0xb1: {  	s29 =	simm.s32 $0x9;
	_ =	strace $0x80000048  }
0xb2: {  	_ =	swait.ge [sflag:s29], $0x1  }
0xb3: {  	[sflag:s29] =	ssyncadd.s32 $0xFFFFFFFF  }
0xb4: {  	_ =	strace $0x90000048  }
0xb5: {  	_ =	sfence  }
0xb6: {  	s30 =	sld [smem:$0x0];
	_ =	sdelay $0x2  }
0xb7: {  	s31 =	sshll.u32 s1, $0xD;
	s1 =	sshrl.u32 s1, $0x2  }
0xb8: {  	s3 =	sand.u32 $0x4000, s31;
	s1 =	sadd.s32 s1, s30  }
0xb9: {  	s0 =	sor.u32 s3, s0;
	s1 =	sshll.u32 s1, $0x11  }
0xba: {  	s0 =	sor.u32 s1, s0  }
0xbb: {  	s0 =	sadd.s32 $0x8F2B, s0  }
0xbc: {  	[sflag:s0] =	ssyncadd.remote.s32 $0x1  }
0xbd: {  	_ =	sfence.sel $0xFFFF  }
0xbe: {  	[dreg:$0x0] =	wrdreg $0xFFFFFFFF;
	(pc) =	sbr.abs _section_cstart, $3  }
0xbf: {  	[dreg:$0x1] =	wrdreg $0xFFFFFFFF  }
0xc0: {  	_ =	task.clear_ibuf [dreg:s6], $0x2FFFF;
	_ =	strace $0x9FFFFFFF  }
0xc1: {  	(tm) =	ssettm $0x7FFFFFFF  }
tec
execute0_lowered:
.L_overlay_start_1:
0x0: {  	(tag) =	ssettag $0x1  }
0x1: {  	s0 =	srdreg.scid  }
0x2: {  	s2 =	stileid.u32;
	s1 =	rddreg [dreg:$0x0];
	s7 =	simm.s32 $0x2  }
0x3: {  	s8 =	simm.s32 $0x32;
	s9 =	simm.s32 $0x13300;
	s10 =	simm.s32 $0x578  }
0x4: {  	s11 =	simm.s32 $0x13F80;
	s12 =	simm.s32 $0x5B0;
	s13 =	simm.s32 $0x14C00  }
0x5: {  	s14 =	simm.s32 $0x5E8;
	s15 =	simm.s32 $0x15880;
	s16 =	simm.s32 $0x620  }
0x6: {  	s17 =	simm.s32 $0x16500;
	s18 =	simm.s32 $0x658;
	s19 =	simm.s32 $0x17180  }
0x7: {  	s20 =	simm.s32 $0x690;
	s21 =	simm.s32 $0x17E00;
	s22 =	simm.s32 $0x6C8  }
0x8: {  	s23 =	simm.s32 $0x18A80;
	s24 =	simm.s32 $0x1;
	s25 =	simm.s32 $0x19700  }
0x9: {  	s26 =	simm.s32 $0x0;
	s0 =	sand.u32 $0x1, s0;
	s3 =	sshll.u32 s2, $0x6  }
0xa: {  	s2 =	simm.s32 $0x0;
	s4 =	sshll.u32 s0, $0x5;
	s0 =	ssub.s32 $0x2, s0  }
0xb: {  	[smem:$0x7FF] =	sst s2;
	s3 =	sor.u32 s4, s3;
	s31 =	sshrl.u32 s0, $0x1  }
0xc: {  	_ =	strace $0x80000047;
	s4 =	smul.u32 $0x7, s3;
	s0 =	ssub.s32 s0, s31  }
0xd: {  	s5 =	sshll.u32 s3, $0x3;
	s3 =	sadd.s32 $0x3E00, s1;
	s6 =	smax.u32 s0, $0x1  }
0xe: {  	s0 =	simm.s32 $0x540;
	s4 =	sadd.s32 s4, s1;
	s1 =	sadd.s32 s5, s1  }
0xf: {  	s4 =	sadd.s32 $0x2200, s4;
	s5 =	sadd.s32 $0xC7400, s1;
	s1 =	simm.s32 $0x12680  }
.LBB2_1:
0x10: {  	[tilespmem:s2], [sflag:$0x2] =	stream.linear.gather [hbm4b:s4+s2], $0x700, $0x38;
	[tilespmem:$0x19F00] =	vst v63  }
0x11: {  	_ =	swait.ge [sflag:s7], $0x700  }
0x12: {  	[sflag:s7] =	ssyncset.done $0x0  }
0x13: {  	s28 =	simm.s32 $0x700;
	[sflag:s7] =	ssyncadd.s32 $0xFFFFF900  }
0x14: {  	[tilespmem:s28], [sflag:$0x1] =	stream.indirect.gather [hbm4b:s3+s8], $0x40, s2, s8, $0xb8;
	[tilespmem:$0x19F00] =	vst v63  }
0x15: {  	s29 =	simm.s32 $0x1380;
	s28 =	simm.s32 $0x38  }
0x16: {  	[tilespmem:s29], [sflag:$0x1] =	stream.indirect.gather [hbm4b:s3+s8], $0x40, s28, s8, $0xb8;
	[tilespmem:$0x19F00] =	vst v63  }
0x17: {  	s28 =	simm.s32 $0x70;
	s29 =	simm.s32 $0x2000  }
0x18: {  	[tilespmem:s29], [sflag:$0x1] =	stream.indirect.gather [hbm4b:s3+s8], $0x40, s28, s8, $0xb8;
	[tilespmem:$0x19F00] =	vst v63  }
0x19: {  	s28 =	simm.s32 $0xA8;
	s29 =	simm.s32 $0x2C80  }
0x1a: {  	[tilespmem:s29], [sflag:$0x1] =	stream.indirect.gather [hbm4b:s3+s8], $0x40, s28, s8, $0xb8;
	[tilespmem:$0x19F00] =	vst v63  }
0x1b: {  	s28 =	simm.s32 $0xE0;
	s29 =	simm.s32 $0x3900  }
0x1c: {  	[tilespmem:s29], [sflag:$0x1] =	stream.indirect.gather [hbm4b:s3+s8], $0x40, s28, s8, $0xb8;
	[tilespmem:$0x19F00] =	vst v63  }
0x1d: {  	s28 =	simm.s32 $0x118;
	s29 =	simm.s32 $0x4580  }
0x1e: {  	[tilespmem:s29], [sflag:$0x1] =	stream.indirect.gather [hbm4b:s3+s8], $0x40, s28, s8, $0xb8;
	[tilespmem:$0x19F00] =	vst v63  }
0x1f: {  	s28 =	simm.s32 $0x150;
	s29 =	simm.s32 $0x5200  }
0x20: {  	[tilespmem:s29], [sflag:$0x1] =	stream.indirect.gather [hbm4b:s3+s8], $0x40, s28, s8, $0xb8;
	[tilespmem:$0x19F00] =	vst v63  }
0x21: {  	s28 =	simm.s32 $0x188;
	s29 =	simm.s32 $0x5E80  }
0x22: {  	[tilespmem:s29], [sflag:$0x1] =	stream.indirect.gather [hbm4b:s3+s8], $0x40, s28, s8, $0xb8;
	[tilespmem:$0x19F00] =	vst v63  }
0x23: {  	s28 =	simm.s32 $0x1C0;
	s29 =	simm.s32 $0x6B00  }
0x24: {  	[tilespmem:s29], [sflag:$0x1] =	stream.indirect.gather [hbm4b:s3+s8], $0x40, s28, s8, $0xb8;
	[tilespmem:$0x19F00] =	vst v63  }
0x25: {  	s28 =	simm.s32 $0x1F8;
	s29 =	simm.s32 $0x7780  }
0x26: {  	[tilespmem:s29], [sflag:$0x1] =	stream.indirect.gather [hbm4b:s3+s8], $0x40, s28, s8, $0xb8;
	[tilespmem:$0x19F00] =	vst v63  }
0x27: {  	s28 =	simm.s32 $0x230;
	s29 =	simm.s32 $0x8400  }
0x28: {  	[tilespmem:s29], [sflag:$0x1] =	stream.indirect.gather [hbm4b:s3+s8], $0x40, s28, s8, $0xb8;
	[tilespmem:$0x19F00] =	vst v63  }
0x29: {  	s28 =	simm.s32 $0x268;
	s29 =	simm.s32 $0x9080  }
0x2a: {  	[tilespmem:s29], [sflag:$0x1] =	stream.indirect.gather [hbm4b:s3+s8], $0x40, s28, s8, $0xb8;
	[tilespmem:$0x19F00] =	vst v63  }
0x2b: {  	s28 =	simm.s32 $0x2A0;
	s29 =	simm.s32 $0x9D00  }
0x2c: {  	[tilespmem:s29], [sflag:$0x1] =	stream.indirect.gather [hbm4b:s3+s8], $0x40, s28, s8, $0xb8;
	[tilespmem:$0x19F00] =	vst v63  }
0x2d: {  	s28 =	simm.s32 $0x2D8;
	s29 =	simm.s32 $0xA980  }
0x2e: {  	[tilespmem:s29], [sflag:$0x1] =	stream.indirect.gather [hbm4b:s3+s8], $0x40, s28, s8, $0xb8;
	[tilespmem:$0x19F00] =	vst v63  }
0x2f: {  	s28 =	simm.s32 $0x310;
	s29 =	simm.s32 $0xB600  }
0x30: {  	[tilespmem:s29], [sflag:$0x1] =	stream.indirect.gather [hbm4b:s3+s8], $0x40, s28, s8, $0xb8;
	[tilespmem:$0x19F00] =	vst v63  }
0x31: {  	s28 =	simm.s32 $0x348;
	s29 =	simm.s32 $0xC280  }
0x32: {  	[tilespmem:s29], [sflag:$0x1] =	stream.indirect.gather [hbm4b:s3+s8], $0x40, s28, s8, $0xb8;
	[tilespmem:$0x19F00] =	vst v63  }
0x33: {  	s28 =	simm.s32 $0x380;
	s29 =	simm.s32 $0xCF00  }
0x34: {  	[tilespmem:s29], [sflag:$0x1] =	stream.indirect.gather [hbm4b:s3+s8], $0x40, s28, s8, $0xb8;
	[tilespmem:$0x19F00] =	vst v63  }
0x35: {  	s28 =	simm.s32 $0x3B8;
	s29 =	simm.s32 $0xDB80  }
0x36: {  	[tilespmem:s29], [sflag:$0x1] =	stream.indirect.gather [hbm4b:s3+s8], $0x40, s28, s8, $0xb8;
	[tilespmem:$0x19F00] =	vst v63  }
0x37: {  	s28 =	simm.s32 $0x3F0;
	s29 =	simm.s32 $0xE800  }
0x38: {  	[tilespmem:s29], [sflag:$0x1] =	stream.indirect.gather [hbm4b:s3+s8], $0x40, s28, s8, $0xb8;
	[tilespmem:$0x19F00] =	vst v63  }
0x39: {  	s28 =	simm.s32 $0x428;
	s29 =	simm.s32 $0xF480  }
0x3a: {  	[tilespmem:s29], [sflag:$0x1] =	stream.indirect.gather [hbm4b:s3+s8], $0x40, s28, s8, $0xb8;
	[tilespmem:$0x19F00] =	vst v63  }
0x3b: {  	s28 =	simm.s32 $0x460;
	s29 =	simm.s32 $0x10100  }
0x3c: {  	[tilespmem:s29], [sflag:$0x1] =	stream.indirect.gather [hbm4b:s3+s8], $0x40, s28, s8, $0xb8;
	[tilespmem:$0x19F00] =	vst v63  }
0x3d: {  	s28 =	simm.s32 $0x498;
	s29 =	simm.s32 $0x10D80  }
0x3e: {  	[tilespmem:s29], [sflag:$0x1] =	stream.indirect.gather [hbm4b:s3+s8], $0x40, s28, s8, $0xb8;
	[tilespmem:$0x19F00] =	vst v63  }
0x3f: {  	s28 =	simm.s32 $0x4D0;
	s29 =	simm.s32 $0x11A00  }
0x40: {  	[tilespmem:s29], [sflag:$0x1] =	stream.indirect.gather [hbm4b:s3+s8], $0x40, s28, s8, $0xb8;
	[tilespmem:$0x19F00] =	vst v63  }
0x41: {  	s28 =	simm.s32 $0x508  }
0x42: {  	[tilespmem:s1], [sflag:$0x1] =	stream.indirect.gather [hbm4b:s3+s8], $0x40, s28, s8, $0xb8;
	[tilespmem:$0x19F00] =	vst v63  }
0x43: {  	_ = 	snop  }
0x44: {  	[tilespmem:s9], [sflag:$0x1] =	stream.indirect.gather [hbm4b:s3+s8], $0x40, s0, s8, $0xb8;
	[tilespmem:$0x19F00] =	vst v63  }
0x45: {  	_ = 	snop  }
0x46: {  	[tilespmem:s11], [sflag:$0x1] =	stream.indirect.gather [hbm4b:s3+s8], $0x40, s10, s8, $0xb8;
	[tilespmem:$0x19F00] =	vst v63  }
0x47: {  	_ = 	snop  }
0x48: {  	[tilespmem:s13], [sflag:$0x1] =	stream.indirect.gather [hbm4b:s3+s8], $0x40, s12, s8, $0xb8;
	[tilespmem:$0x19F00] =	vst v63  }
0x49: {  	_ = 	snop  }
0x4a: {  	[tilespmem:s15], [sflag:$0x1] =	stream.indirect.gather [hbm4b:s3+s8], $0x40, s14, s8, $0xb8;
	[tilespmem:$0x19F00] =	vst v63  }
0x4b: {  	_ = 	snop  }
0x4c: {  	[tilespmem:s17], [sflag:$0x1] =	stream.indirect.gather [hbm4b:s3+s8], $0x40, s16, s8, $0xb8;
	[tilespmem:$0x19F00] =	vst v63  }
0x4d: {  	_ = 	snop  }
0x4e: {  	[tilespmem:s19], [sflag:$0x1] =	stream.indirect.gather [hbm4b:s3+s8], $0x40, s18, s8, $0xb8;
	[tilespmem:$0x19F00] =	vst v63  }
0x4f: {  	_ = 	snop  }
0x50: {  	[tilespmem:s21], [sflag:$0x1] =	stream.indirect.gather [hbm4b:s3+s8], $0x40, s20, s8, $0xb8;
	[tilespmem:$0x19F00] =	vst v63  }
0x51: {  	_ = 	snop  }
0x52: {  	[tilespmem:s23], [sflag:$0x1] =	stream.indirect.gather [hbm4b:s3+s8], $0x40, s22, s8, $0xb8;
	[tilespmem:$0x19F00] =	vst v63  }
0x53: {  	_ =	swait.ge [sflag:s24], $0xC80  }
0x54: {  	[sflag:s24] =	ssyncset.done $0x0  }
0x55: {  	[sflag:s24] =	ssyncadd.s32 $0xFFFFF380  }
0x56: {  	_ =	swait.ge [sflag:s24], $0xC80  }
0x57: {  	[sflag:s24] =	ssyncset.done $0x0  }
0x58: {  	[sflag:s24] =	ssyncadd.s32 $0xFFFFF380  }
0x59: {  	_ =	swait.ge [sflag:s24], $0xC80  }
0x5a: {  	[sflag:s24] =	ssyncset.done $0x0  }
0x5b: {  	[sflag:s24] =	ssyncadd.s32 $0xFFFFF380  }
0x5c: {  	_ =	swait.ge [sflag:s24], $0xC80  }
0x5d: {  	[sflag:s24] =	ssyncset.done $0x0  }
0x5e: {  	[sflag:s24] =	ssyncadd.s32 $0xFFFFF380  }
0x5f: {  	_ =	swait.ge [sflag:s24], $0xC80  }
0x60: {  	[sflag:s24] =	ssyncset.done $0x0  }
0x61: {  	[sflag:s24] =	ssyncadd.s32 $0xFFFFF380  }
0x62: {  	_ =	swait.ge [sflag:s24], $0xC80  }
0x63: {  	[sflag:s24] =	ssyncset.done $0x0  }
0x64: {  	[sflag:s24] =	ssyncadd.s32 $0xFFFFF380  }
0x65: {  	_ =	swait.ge [sflag:s24], $0xC80  }
0x66: {  	[sflag:s24] =	ssyncset.done $0x0  }
0x67: {  	[sflag:s24] =	ssyncadd.s32 $0xFFFFF380  }
0x68: {  	_ =	swait.ge [sflag:s24], $0xC80  }
0x69: {  	[sflag:s24] =	ssyncset.done $0x0  }
0x6a: {  	[sflag:s24] =	ssyncadd.s32 $0xFFFFF380  }
0x6b: {  	_ =	swait.ge [sflag:s24], $0xC80  }
0x6c: {  	[sflag:s24] =	ssyncset.done $0x0  }
0x6d: {  	[sflag:s24] =	ssyncadd.s32 $0xFFFFF380  }
0x6e: {  	_ =	swait.ge [sflag:s24], $0xC80  }
0x6f: {  	[sflag:s24] =	ssyncset.done $0x0  }
0x70: {  	[sflag:s24] =	ssyncadd.s32 $0xFFFFF380  }
0x71: {  	_ =	swait.ge [sflag:s24], $0xC80  }
0x72: {  	[sflag:s24] =	ssyncset.done $0x0  }
0x73: {  	[sflag:s24] =	ssyncadd.s32 $0xFFFFF380  }
0x74: {  	_ =	swait.ge [sflag:s24], $0xC80  }
0x75: {  	[sflag:s24] =	ssyncset.done $0x0  }
0x76: {  	[sflag:s24] =	ssyncadd.s32 $0xFFFFF380  }
0x77: {  	_ =	swait.ge [sflag:s24], $0xC80  }
0x78: {  	[sflag:s24] =	ssyncset.done $0x0  }
0x79: {  	[sflag:s24] =	ssyncadd.s32 $0xFFFFF380  }
0x7a: {  	_ =	swait.ge [sflag:s24], $0xC80  }
0x7b: {  	[sflag:s24] =	ssyncset.done $0x0  }
0x7c: {  	[sflag:s24] =	ssyncadd.s32 $0xFFFFF380  }
0x7d: {  	_ =	swait.ge [sflag:s24], $0xC80  }
0x7e: {  	[sflag:s24] =	ssyncset.done $0x0  }
0x7f: {  	[sflag:s24] =	ssyncadd.s32 $0xFFFFF380  }
0x80: {  	_ =	swait.ge [sflag:s24], $0xC80  }
0x81: {  	[sflag:s24] =	ssyncset.done $0x0  }
0x82: {  	[sflag:s24] =	ssyncadd.s32 $0xFFFFF380  }
0x83: {  	_ =	swait.ge [sflag:s24], $0xC80  }
0x84: {  	[sflag:s24] =	ssyncset.done $0x0  }
0x85: {  	[sflag:s24] =	ssyncadd.s32 $0xFFFFF380  }
0x86: {  	_ =	swait.ge [sflag:s24], $0xC80  }
0x87: {  	[sflag:s24] =	ssyncset.done $0x0  }
0x88: {  	[sflag:s24] =	ssyncadd.s32 $0xFFFFF380  }
0x89: {  	_ =	swait.ge [sflag:s24], $0xC80  }
0x8a: {  	[sflag:s24] =	ssyncset.done $0x0  }
0x8b: {  	[sflag:s24] =	ssyncadd.s32 $0xFFFFF380  }
0x8c: {  	_ =	swait.ge [sflag:s24], $0xC80  }
0x8d: {  	[sflag:s24] =	ssyncset.done $0x0  }
0x8e: {  	[sflag:s24] =	ssyncadd.s32 $0xFFFFF380  }
0x8f: {  	_ =	swait.ge [sflag:s24], $0xC80  }
0x90: {  	[sflag:s24] =	ssyncset.done $0x0  }
0x91: {  	[sflag:s24] =	ssyncadd.s32 $0xFFFFF380  }
0x92: {  	_ =	swait.ge [sflag:s24], $0xC80  }
0x93: {  	[sflag:s24] =	ssyncset.done $0x0  }
0x94: {  	[sflag:s24] =	ssyncadd.s32 $0xFFFFF380  }
0x95: {  	_ =	swait.ge [sflag:s24], $0xC80  }
0x96: {  	[sflag:s24] =	ssyncset.done $0x0  }
0x97: {  	[sflag:s24] =	ssyncadd.s32 $0xFFFFF380  }
0x98: {  	_ =	swait.ge [sflag:s24], $0xC80  }
0x99: {  	[sflag:s24] =	ssyncset.done $0x0  }
0x9a: {  	[sflag:s24] =	ssyncadd.s32 $0xFFFFF380  }
0x9b: {  	_ =	swait.ge [sflag:s24], $0xC80  }
0x9c: {  	[sflag:s24] =	ssyncset.done $0x0  }
0x9d: {  	[sflag:s24] =	ssyncadd.s32 $0xFFFFF380  }
0x9e: {  	_ =	swait.ge [sflag:s24], $0xC80  }
0x9f: {  	[sflag:s24] =	ssyncset.done $0x0  }
0xa0: {  	[sflag:s24] =	ssyncadd.s32 $0xFFFFF380  }
0xa1: {  	_ =	swait.ge [sflag:s24], $0xC80  }
0xa2: {  	[sflag:s24] =	ssyncset.done $0x0  }
0xa3: {  	[sflag:s24] =	ssyncadd.s32 $0xFFFFF380  }
0xa4: {  	_ =	swait.ge [sflag:s24], $0xC80  }
0xa5: {  	[sflag:s24] =	ssyncset.done $0x0  }
0xa6: {  	[sflag:s24] =	ssyncadd.s32 $0xFFFFF380  }
0xa7: {  	_ =	swait.ge [sflag:s24], $0xC80  }
0xa8: {  	[sflag:s24] =	ssyncset.done $0x0  }
0xa9: {  	[sflag:s24] =	ssyncadd.s32 $0xFFFFF380  }
0xaa: {  	_ =	swait.ge [sflag:s24], $0xC80  }
0xab: {  	[sflag:s24] =	ssyncset.done $0x0  }
0xac: {  	[sflag:s24] =	ssyncadd.s32 $0xFFFFF380  }
0xad: {  	_ =	swait.ge [sflag:s24], $0xC80  }
0xae: {  	[sflag:s24] =	ssyncset.done $0x0  }
0xaf: {  	[sflag:s24] =	ssyncadd.s32 $0xFFFFF380  }
0xb0: {  	s28 =	smul.u32 $0x3200, s2;
	_ =	swait.ge [sflag:s24], $0xC80  }
0xb1: {  	[sflag:s24] =	ssyncset.done $0x0  }
0xb2: {  	s29 =	sshra.s32 s28, $0x2;
	[sflag:s24] =	ssyncadd.s32 $0xFFFFF380  }
0xb3: {  	v0 =	vld [tilespmem:s29+$0x700]  }
0xb4: {  	v1 =	vld [tilespmem:s29+$0x740];
	_ =	sdelay $0x1  }
0xb5: {  	v2 =	vld [tilespmem:s29+$0x780];
	_ =	sdelay $0x1  }
0xb6: {  	v3 =	vld [tilespmem:s29+$0x7C0]  }
0xb7: {  	v0 =	vadd.f32 v1, v0  }
0xb8: {  	v1 =	vld [tilespmem:s29+$0x800]  }
0xb9: {  	v0 =	vadd.f32 v2, v0  }
0xba: {  	v2 =	vld [tilespmem:s29+$0x840]  }
0xbb: {  	v0 =	vadd.f32 v3, v0  }
0xbc: {  	v3 =	vld [tilespmem:s29+$0x880]  }
0xbd: {  	v0 =	vadd.f32 v1, v0  }
0xbe: {  	v1 =	vld [tilespmem:s29+$0x8C0]  }
0xbf: {  	v0 =	vadd.f32 v2, v0  }
0xc0: {  	v2 =	vld [tilespmem:s29+$0x900]  }
0xc1: {  	v0 =	vadd.f32 v3, v0  }
0xc2: {  	v3 =	vld [tilespmem:s29+$0x940]  }
0xc3: {  	v0 =	vadd.f32 v1, v0  }
0xc4: {  	v1 =	vld [tilespmem:s29+$0x980]  }
0xc5: {  	v0 =	vadd.f32 v2, v0  }
0xc6: {  	v2 =	vld [tilespmem:s29+$0x9C0]  }
0xc7: {  	v0 =	vadd.f32 v3, v0  }
0xc8: {  	v3 =	vld [tilespmem:s29+$0xA00]  }
0xc9: {  	v0 =	vadd.f32 v1, v0  }
0xca: {  	v1 =	vld [tilespmem:s29+$0xA40]  }
0xcb: {  	v0 =	vadd.f32 v2, v0  }
0xcc: {  	v2 =	vld [tilespmem:s29+$0xA80]  }
0xcd: {  	v0 =	vadd.f32 v3, v0  }
0xce: {  	v3 =	vld [tilespmem:s29+$0xAC0]  }
0xcf: {  	v0 =	vadd.f32 v1, v0  }
0xd0: {  	v1 =	vld [tilespmem:s29+$0xB00]  }
0xd1: {  	v0 =	vadd.f32 v2, v0  }
0xd2: {  	v2 =	vld [tilespmem:s29+$0xB40]  }
0xd3: {  	v0 =	vadd.f32 v3, v0  }
0xd4: {  	v3 =	vld [tilespmem:s29+$0xB80]  }
0xd5: {  	v0 =	vadd.f32 v1, v0  }
0xd6: {  	v1 =	vld [tilespmem:s29+$0xBC0]  }
0xd7: {  	v0 =	vadd.f32 v2, v0  }
0xd8: {  	v2 =	vld [tilespmem:s29+$0xC00]  }
0xd9: {  	v0 =	vadd.f32 v3, v0  }
0xda: {  	v3 =	vld [tilespmem:s29+$0xC40]  }
0xdb: {  	v0 =	vadd.f32 v1, v0  }
0xdc: {  	v1 =	vld [tilespmem:s29+$0xC80]  }
0xdd: {  	v0 =	vadd.f32 v2, v0  }
0xde: {  	v2 =	vld [tilespmem:s29+$0xCC0]  }
0xdf: {  	v0 =	vadd.f32 v3, v0  }
0xe0: {  	v3 =	vld [tilespmem:s29+$0xD00]  }
0xe1: {  	v0 =	vadd.f32 v1, v0  }
0xe2: {  	v1 =	vld [tilespmem:s29+$0xD40]  }
0xe3: {  	v0 =	vadd.f32 v2, v0  }
0xe4: {  	v2 =	vld [tilespmem:s29+$0xD80]  }
0xe5: {  	v0 =	vadd.f32 v3, v0  }
0xe6: {  	v3 =	vld [tilespmem:s29+$0xDC0]  }
0xe7: {  	v0 =	vadd.f32 v1, v0  }
0xe8: {  	v1 =	vld [tilespmem:s29+$0xE00]  }
0xe9: {  	v0 =	vadd.f32 v2, v0  }
0xea: {  	v2 =	vld [tilespmem:s29+$0xE40]  }
0xeb: {  	v0 =	vadd.f32 v3, v0  }
0xec: {  	v3 =	vld [tilespmem:s29+$0xE80]  }
0xed: {  	v0 =	vadd.f32 v1, v0  }
0xee: {  	v1 =	vld [tilespmem:s29+$0xEC0]  }
0xef: {  	v0 =	vadd.f32 v2, v0  }
0xf0: {  	v2 =	vld [tilespmem:s29+$0xF00]  }
0xf1: {  	v0 =	vadd.f32 v3, v0  }
0xf2: {  	v3 =	vld [tilespmem:s29+$0xF40]  }
0xf3: {  	v0 =	vadd.f32 v1, v0  }
0xf4: {  	v1 =	vld [tilespmem:s29+$0xF80]  }
0xf5: {  	v0 =	vadd.f32 v2, v0  }
0xf6: {  	v2 =	vld [tilespmem:s29+$0xFC0]  }
0xf7: {  	v0 =	vadd.f32 v3, v0  }
0xf8: {  	v3 =	vld [tilespmem:s29+$0x1000]  }
0xf9: {  	v0 =	vadd.f32 v1, v0  }
0xfa: {  	v1 =	vld [tilespmem:s29+$0x1040]  }
0xfb: {  	v0 =	vadd.f32 v2, v0  }
0xfc: {  	v2 =	vld [tilespmem:s29+$0x1080]  }
0xfd: {  	v0 =	vadd.f32 v3, v0  }
0xfe: {  	v3 =	vld [tilespmem:s29+$0x10C0]  }
0xff: {  	v0 =	vadd.f32 v1, v0  }
0x100: {  	v1 =	vld [tilespmem:s29+$0x1100]  }
0x101: {  	v0 =	vadd.f32 v2, v0  }
0x102: {  	v2 =	vld [tilespmem:s29+$0x1140]  }
0x103: {  	v0 =	vadd.f32 v3, v0  }
0x104: {  	v3 =	vld [tilespmem:s29+$0x1180]  }
0x105: {  	v0 =	vadd.f32 v1, v0  }
0x106: {  	v1 =	vld [tilespmem:s29+$0x11C0]  }
0x107: {  	v0 =	vadd.f32 v2, v0  }
0x108: {  	v2 =	vld [tilespmem:s29+$0x1200]  }
0x109: {  	v0 =	vadd.f32 v3, v0  }
0x10a: {  	v3 =	vld [tilespmem:s29+$0x1240]  }
0x10b: {  	v0 =	vadd.f32 v1, v0  }
0x10c: {  	v1 =	vld [tilespmem:s29+$0x1280]  }
0x10d: {  	v0 =	vadd.f32 v2, v0  }
0x10e: {  	v2 =	vld [tilespmem:s29+$0x12C0]  }
0x10f: {  	v0 =	vadd.f32 v3, v0  }
0x110: {  	v3 =	vld [tilespmem:s29+$0x1300]  }
0x111: {  	v0 =	vadd.f32 v1, v0  }
0x112: {  	v1 =	vld [tilespmem:s29+$0x1340]  }
0x113: {  	v0 =	vadd.f32 v2, v0;
	_ =	sdelay $0x1  }
0x114: {  	v0 =	vadd.f32 v3, v0;
	_ =	sdelay $0x1  }
0x115: {  	s28 =	simm.s32 $0x0;
	v0 =	vadd.f32 v1, v0  }
0x116: {  	s28 =	sand.u32 $0x3FFFFFC0, s28  }
0x117: {  	[tilespmem:s28+$0x19700] =	vst v0  }
0x118: {  	v0 =	vld [tilespmem:s29+$0x710]  }
0x119: {  	v1 =	vld [tilespmem:s29+$0x750];
	_ =	sdelay $0x1  }
0x11a: {  	v2 =	vld [tilespmem:s29+$0x790];
	_ =	sdelay $0x1  }
0x11b: {  	v3 =	vld [tilespmem:s29+$0x7D0]  }
0x11c: {  	v0 =	vadd.f32 v1, v0  }
0x11d: {  	v1 =	vld [tilespmem:s29+$0x810]  }
0x11e: {  	v0 =	vadd.f32 v2, v0  }
0x11f: {  	v2 =	vld [tilespmem:s29+$0x850]  }
0x120: {  	v0 =	vadd.f32 v3, v0  }
0x121: {  	v3 =	vld [tilespmem:s29+$0x890]  }
0x122: {  	v0 =	vadd.f32 v1, v0  }
0x123: {  	v1 =	vld [tilespmem:s29+$0x8D0]  }
0x124: {  	v0 =	vadd.f32 v2, v0  }
0x125: {  	v2 =	vld [tilespmem:s29+$0x910]  }
0x126: {  	v0 =	vadd.f32 v3, v0  }
0x127: {  	v3 =	vld [tilespmem:s29+$0x950]  }
0x128: {  	v0 =	vadd.f32 v1, v0  }
0x129: {  	v1 =	vld [tilespmem:s29+$0x990]  }
0x12a: {  	v0 =	vadd.f32 v2, v0  }
0x12b: {  	v2 =	vld [tilespmem:s29+$0x9D0]  }
0x12c: {  	v0 =	vadd.f32 v3, v0  }
0x12d: {  	v3 =	vld [tilespmem:s29+$0xA10]  }
0x12e: {  	v0 =	vadd.f32 v1, v0  }
0x12f: {  	v1 =	vld [tilespmem:s29+$0xA50]  }
0x130: {  	v0 =	vadd.f32 v2, v0  }
0x131: {  	v2 =	vld [tilespmem:s29+$0xA90]  }
0x132: {  	v0 =	vadd.f32 v3, v0  }
0x133: {  	v3 =	vld [tilespmem:s29+$0xAD0]  }
0x134: {  	v0 =	vadd.f32 v1, v0  }
0x135: {  	v1 =	vld [tilespmem:s29+$0xB10]  }
0x136: {  	v0 =	vadd.f32 v2, v0  }
0x137: {  	v2 =	vld [tilespmem:s29+$0xB50]  }
0x138: {  	v0 =	vadd.f32 v3, v0  }
0x139: {  	v3 =	vld [tilespmem:s29+$0xB90]  }
0x13a: {  	v0 =	vadd.f32 v1, v0  }
0x13b: {  	v1 =	vld [tilespmem:s29+$0xBD0]  }
0x13c: {  	v0 =	vadd.f32 v2, v0  }
0x13d: {  	v2 =	vld [tilespmem:s29+$0xC10]  }
0x13e: {  	v0 =	vadd.f32 v3, v0  }
0x13f: {  	v3 =	vld [tilespmem:s29+$0xC50]  }
0x140: {  	v0 =	vadd.f32 v1, v0  }
0x141: {  	v1 =	vld [tilespmem:s29+$0xC90]  }
0x142: {  	v0 =	vadd.f32 v2, v0  }
0x143: {  	v2 =	vld [tilespmem:s29+$0xCD0]  }
0x144: {  	v0 =	vadd.f32 v3, v0  }
0x145: {  	v3 =	vld [tilespmem:s29+$0xD10]  }
0x146: {  	v0 =	vadd.f32 v1, v0  }
0x147: {  	v1 =	vld [tilespmem:s29+$0xD50]  }
0x148: {  	v0 =	vadd.f32 v2, v0  }
0x149: {  	v2 =	vld [tilespmem:s29+$0xD90]  }
0x14a: {  	v0 =	vadd.f32 v3, v0  }
0x14b: {  	v3 =	vld [tilespmem:s29+$0xDD0]  }
0x14c: {  	v0 =	vadd.f32 v1, v0  }
0x14d: {  	v1 =	vld [tilespmem:s29+$0xE10]  }
0x14e: {  	v0 =	vadd.f32 v2, v0  }
0x14f: {  	v2 =	vld [tilespmem:s29+$0xE50]  }
0x150: {  	v0 =	vadd.f32 v3, v0  }
0x151: {  	v3 =	vld [tilespmem:s29+$0xE90]  }
0x152: {  	v0 =	vadd.f32 v1, v0  }
0x153: {  	v1 =	vld [tilespmem:s29+$0xED0]  }
0x154: {  	v0 =	vadd.f32 v2, v0  }
0x155: {  	v2 =	vld [tilespmem:s29+$0xF10]  }
0x156: {  	v0 =	vadd.f32 v3, v0  }
0x157: {  	v3 =	vld [tilespmem:s29+$0xF50]  }
0x158: {  	v0 =	vadd.f32 v1, v0  }
0x159: {  	v1 =	vld [tilespmem:s29+$0xF90]  }
0x15a: {  	v0 =	vadd.f32 v2, v0  }
0x15b: {  	v2 =	vld [tilespmem:s29+$0xFD0]  }
0x15c: {  	v0 =	vadd.f32 v3, v0  }
0x15d: {  	v3 =	vld [tilespmem:s29+$0x1010]  }
0x15e: {  	v0 =	vadd.f32 v1, v0  }
0x15f: {  	v1 =	vld [tilespmem:s29+$0x1050]  }
0x160: {  	v0 =	vadd.f32 v2, v0  }
0x161: {  	v2 =	vld [tilespmem:s29+$0x1090]  }
0x162: {  	v0 =	vadd.f32 v3, v0  }
0x163: {  	v3 =	vld [tilespmem:s29+$0x10D0]  }
0x164: {  	v0 =	vadd.f32 v1, v0  }
0x165: {  	v1 =	vld [tilespmem:s29+$0x1110]  }
0x166: {  	v0 =	vadd.f32 v2, v0  }
0x167: {  	v2 =	vld [tilespmem:s29+$0x1150]  }
0x168: {  	v0 =	vadd.f32 v3, v0  }
0x169: {  	v3 =	vld [tilespmem:s29+$0x1190]  }
0x16a: {  	v0 =	vadd.f32 v1, v0  }
0x16b: {  	v1 =	vld [tilespmem:s29+$0x11D0]  }
0x16c: {  	v0 =	vadd.f32 v2, v0  }
0x16d: {  	v2 =	vld [tilespmem:s29+$0x1210]  }
0x16e: {  	v0 =	vadd.f32 v3, v0  }
0x16f: {  	v3 =	vld [tilespmem:s29+$0x1250]  }
0x170: {  	v0 =	vadd.f32 v1, v0  }
0x171: {  	v1 =	vld [tilespmem:s29+$0x1290]  }
0x172: {  	v0 =	vadd.f32 v2, v0  }
0x173: {  	v2 =	vld [tilespmem:s29+$0x12D0]  }
0x174: {  	v0 =	vadd.f32 v3, v0  }
0x175: {  	v3 =	vld [tilespmem:s29+$0x1310]  }
0x176: {  	v0 =	vadd.f32 v1, v0  }
0x177: {  	v1 =	vld [tilespmem:s29+$0x1350]  }
0x178: {  	v0 =	vadd.f32 v2, v0;
	_ =	sdelay $0x1  }
0x179: {  	v0 =	vadd.f32 v3, v0;
	_ =	sdelay $0x1  }
0x17a: {  	v0 =	vadd.f32 v1, v0;
	_ =	sdelay $0x1  }
0x17b: {  	[tilespmem:s28+$0x19710] =	vst v0  }
0x17c: {  	v0 =	vld [tilespmem:s29+$0x720]  }
0x17d: {  	v1 =	vld [tilespmem:s29+$0x760];
	_ =	sdelay $0x1  }
0x17e: {  	v2 =	vld [tilespmem:s29+$0x7A0];
	_ =	sdelay $0x1  }
0x17f: {  	v3 =	vld [tilespmem:s29+$0x7E0]  }
0x180: {  	v0 =	vadd.f32 v1, v0  }
0x181: {  	v1 =	vld [tilespmem:s29+$0x820]  }
0x182: {  	v0 =	vadd.f32 v2, v0  }
0x183: {  	v2 =	vld [tilespmem:s29+$0x860]  }
0x184: {  	v0 =	vadd.f32 v3, v0  }
0x185: {  	v3 =	vld [tilespmem:s29+$0x8A0]  }
0x186: {  	v0 =	vadd.f32 v1, v0  }
0x187: {  	v1 =	vld [tilespmem:s29+$0x8E0]  }
0x188: {  	v0 =	vadd.f32 v2, v0  }
0x189: {  	v2 =	vld [tilespmem:s29+$0x920]  }
0x18a: {  	v0 =	vadd.f32 v3, v0  }
0x18b: {  	v3 =	vld [tilespmem:s29+$0x960]  }
0x18c: {  	v0 =	vadd.f32 v1, v0  }
0x18d: {  	v1 =	vld [tilespmem:s29+$0x9A0]  }
0x18e: {  	v0 =	vadd.f32 v2, v0  }
0x18f: {  	v2 =	vld [tilespmem:s29+$0x9E0]  }
0x190: {  	v0 =	vadd.f32 v3, v0  }
0x191: {  	v3 =	vld [tilespmem:s29+$0xA20]  }
0x192: {  	v0 =	vadd.f32 v1, v0  }
0x193: {  	v1 =	vld [tilespmem:s29+$0xA60]  }
0x194: {  	v0 =	vadd.f32 v2, v0  }
0x195: {  	v2 =	vld [tilespmem:s29+$0xAA0]  }
0x196: {  	v0 =	vadd.f32 v3, v0  }
0x197: {  	v3 =	vld [tilespmem:s29+$0xAE0]  }
0x198: {  	v0 =	vadd.f32 v1, v0  }
0x199: {  	v1 =	vld [tilespmem:s29+$0xB20]  }
0x19a: {  	v0 =	vadd.f32 v2, v0  }
0x19b: {  	v2 =	vld [tilespmem:s29+$0xB60]  }
0x19c: {  	v0 =	vadd.f32 v3, v0  }
0x19d: {  	v3 =	vld [tilespmem:s29+$0xBA0]  }
0x19e: {  	v0 =	vadd.f32 v1, v0  }
0x19f: {  	v1 =	vld [tilespmem:s29+$0xBE0]  }
0x1a0: {  	v0 =	vadd.f32 v2, v0  }
0x1a1: {  	v2 =	vld [tilespmem:s29+$0xC20]  }
0x1a2: {  	v0 =	vadd.f32 v3, v0  }
0x1a3: {  	v3 =	vld [tilespmem:s29+$0xC60]  }
0x1a4: {  	v0 =	vadd.f32 v1, v0  }
0x1a5: {  	v1 =	vld [tilespmem:s29+$0xCA0]  }
0x1a6: {  	v0 =	vadd.f32 v2, v0  }
0x1a7: {  	v2 =	vld [tilespmem:s29+$0xCE0]  }
0x1a8: {  	v0 =	vadd.f32 v3, v0  }
0x1a9: {  	v3 =	vld [tilespmem:s29+$0xD20]  }
0x1aa: {  	v0 =	vadd.f32 v1, v0  }
0x1ab: {  	v1 =	vld [tilespmem:s29+$0xD60]  }
0x1ac: {  	v0 =	vadd.f32 v2, v0  }
0x1ad: {  	v2 =	vld [tilespmem:s29+$0xDA0]  }
0x1ae: {  	v0 =	vadd.f32 v3, v0  }
0x1af: {  	v3 =	vld [tilespmem:s29+$0xDE0]  }
0x1b0: {  	v0 =	vadd.f32 v1, v0  }
0x1b1: {  	v1 =	vld [tilespmem:s29+$0xE20]  }
0x1b2: {  	v0 =	vadd.f32 v2, v0  }
0x1b3: {  	v2 =	vld [tilespmem:s29+$0xE60]  }
0x1b4: {  	v0 =	vadd.f32 v3, v0  }
0x1b5: {  	v3 =	vld [tilespmem:s29+$0xEA0]  }
0x1b6: {  	v0 =	vadd.f32 v1, v0  }
0x1b7: {  	v1 =	vld [tilespmem:s29+$0xEE0]  }
0x1b8: {  	v0 =	vadd.f32 v2, v0  }
0x1b9: {  	v2 =	vld [tilespmem:s29+$0xF20]  }
0x1ba: {  	v0 =	vadd.f32 v3, v0  }
0x1bb: {  	v3 =	vld [tilespmem:s29+$0xF60]  }
0x1bc: {  	v0 =	vadd.f32 v1, v0  }
0x1bd: {  	v1 =	vld [tilespmem:s29+$0xFA0]  }
0x1be: {  	v0 =	vadd.f32 v2, v0  }
0x1bf: {  	v2 =	vld [tilespmem:s29+$0xFE0]  }
0x1c0: {  	v0 =	vadd.f32 v3, v0  }
0x1c1: {  	v3 =	vld [tilespmem:s29+$0x1020]  }
0x1c2: {  	v0 =	vadd.f32 v1, v0  }
0x1c3: {  	v1 =	vld [tilespmem:s29+$0x1060]  }
0x1c4: {  	v0 =	vadd.f32 v2, v0  }
0x1c5: {  	v2 =	vld [tilespmem:s29+$0x10A0]  }
0x1c6: {  	v0 =	vadd.f32 v3, v0  }
0x1c7: {  	v3 =	vld [tilespmem:s29+$0x10E0]  }
0x1c8: {  	v0 =	vadd.f32 v1, v0  }
0x1c9: {  	v1 =	vld [tilespmem:s29+$0x1120]  }
0x1ca: {  	v0 =	vadd.f32 v2, v0  }
0x1cb: {  	v2 =	vld [tilespmem:s29+$0x1160]  }
0x1cc: {  	v0 =	vadd.f32 v3, v0  }
0x1cd: {  	v3 =	vld [tilespmem:s29+$0x11A0]  }
0x1ce: {  	v0 =	vadd.f32 v1, v0  }
0x1cf: {  	v1 =	vld [tilespmem:s29+$0x11E0]  }
0x1d0: {  	v0 =	vadd.f32 v2, v0  }
0x1d1: {  	v2 =	vld [tilespmem:s29+$0x1220]  }
0x1d2: {  	v0 =	vadd.f32 v3, v0  }
0x1d3: {  	v3 =	vld [tilespmem:s29+$0x1260]  }
0x1d4: {  	v0 =	vadd.f32 v1, v0  }
0x1d5: {  	v1 =	vld [tilespmem:s29+$0x12A0]  }
0x1d6: {  	v0 =	vadd.f32 v2, v0  }
0x1d7: {  	v2 =	vld [tilespmem:s29+$0x12E0]  }
0x1d8: {  	v0 =	vadd.f32 v3, v0  }
0x1d9: {  	v3 =	vld [tilespmem:s29+$0x1320]  }
0x1da: {  	v0 =	vadd.f32 v1, v0  }
0x1db: {  	v1 =	vld [tilespmem:s29+$0x1360]  }
0x1dc: {  	v0 =	vadd.f32 v2, v0;
	_ =	sdelay $0x1  }
0x1dd: {  	v0 =	vadd.f32 v3, v0;
	_ =	sdelay $0x1  }
0x1de: {  	v0 =	vadd.f32 v1, v0;
	_ =	sdelay $0x1  }
0x1df: {  	[tilespmem:s28+$0x19720] =	vst v0  }
0x1e0: {  	v0 =	vld [tilespmem:s29+$0x730]  }
0x1e1: {  	v1 =	vld [tilespmem:s29+$0x770];
	_ =	sdelay $0x1  }
0x1e2: {  	v2 =	vld [tilespmem:s29+$0x7B0];
	_ =	sdelay $0x1  }
0x1e3: {  	v3 =	vld [tilespmem:s29+$0x7F0]  }
0x1e4: {  	v0 =	vadd.f32 v1, v0  }
0x1e5: {  	v1 =	vld [tilespmem:s29+$0x830]  }
0x1e6: {  	v0 =	vadd.f32 v2, v0  }
0x1e7: {  	v2 =	vld [tilespmem:s29+$0x870]  }
0x1e8: {  	v0 =	vadd.f32 v3, v0  }
0x1e9: {  	v3 =	vld [tilespmem:s29+$0x8B0]  }
0x1ea: {  	v0 =	vadd.f32 v1, v0  }
0x1eb: {  	v1 =	vld [tilespmem:s29+$0x8F0]  }
0x1ec: {  	v0 =	vadd.f32 v2, v0  }
0x1ed: {  	v2 =	vld [tilespmem:s29+$0x930]  }
0x1ee: {  	v0 =	vadd.f32 v3, v0  }
0x1ef: {  	v3 =	vld [tilespmem:s29+$0x970]  }
0x1f0: {  	v0 =	vadd.f32 v1, v0  }
0x1f1: {  	v1 =	vld [tilespmem:s29+$0x9B0]  }
0x1f2: {  	v0 =	vadd.f32 v2, v0  }
0x1f3: {  	v2 =	vld [tilespmem:s29+$0x9F0]  }
0x1f4: {  	v0 =	vadd.f32 v3, v0  }
0x1f5: {  	v3 =	vld [tilespmem:s29+$0xA30]  }
0x1f6: {  	v0 =	vadd.f32 v1, v0  }
0x1f7: {  	v1 =	vld [tilespmem:s29+$0xA70]  }
0x1f8: {  	v0 =	vadd.f32 v2, v0  }
0x1f9: {  	v2 =	vld [tilespmem:s29+$0xAB0]  }
0x1fa: {  	v0 =	vadd.f32 v3, v0  }
0x1fb: {  	v3 =	vld [tilespmem:s29+$0xAF0]  }
0x1fc: {  	v0 =	vadd.f32 v1, v0  }
0x1fd: {  	v1 =	vld [tilespmem:s29+$0xB30]  }
0x1fe: {  	v0 =	vadd.f32 v2, v0  }
0x1ff: {  	v2 =	vld [tilespmem:s29+$0xB70]  }
0x200: {  	v0 =	vadd.f32 v3, v0  }
0x201: {  	v3 =	vld [tilespmem:s29+$0xBB0]  }
0x202: {  	v0 =	vadd.f32 v1, v0  }
0x203: {  	v1 =	vld [tilespmem:s29+$0xBF0]  }
0x204: {  	v0 =	vadd.f32 v2, v0  }
0x205: {  	v2 =	vld [tilespmem:s29+$0xC30]  }
0x206: {  	v0 =	vadd.f32 v3, v0  }
0x207: {  	v3 =	vld [tilespmem:s29+$0xC70]  }
0x208: {  	v0 =	vadd.f32 v1, v0  }
0x209: {  	v1 =	vld [tilespmem:s29+$0xCB0]  }
0x20a: {  	v0 =	vadd.f32 v2, v0  }
0x20b: {  	v2 =	vld [tilespmem:s29+$0xCF0]  }
0x20c: {  	v0 =	vadd.f32 v3, v0  }
0x20d: {  	v3 =	vld [tilespmem:s29+$0xD30]  }
0x20e: {  	v0 =	vadd.f32 v1, v0  }
0x20f: {  	v1 =	vld [tilespmem:s29+$0xD70]  }
0x210: {  	v0 =	vadd.f32 v2, v0  }
0x211: {  	v2 =	vld [tilespmem:s29+$0xDB0]  }
0x212: {  	v0 =	vadd.f32 v3, v0  }
0x213: {  	v3 =	vld [tilespmem:s29+$0xDF0]  }
0x214: {  	v0 =	vadd.f32 v1, v0  }
0x215: {  	v1 =	vld [tilespmem:s29+$0xE30]  }
0x216: {  	v0 =	vadd.f32 v2, v0  }
0x217: {  	v2 =	vld [tilespmem:s29+$0xE70]  }
0x218: {  	v0 =	vadd.f32 v3, v0  }
0x219: {  	v3 =	vld [tilespmem:s29+$0xEB0]  }
0x21a: {  	v0 =	vadd.f32 v1, v0  }
0x21b: {  	v1 =	vld [tilespmem:s29+$0xEF0]  }
0x21c: {  	v0 =	vadd.f32 v2, v0  }
0x21d: {  	v2 =	vld [tilespmem:s29+$0xF30]  }
0x21e: {  	v0 =	vadd.f32 v3, v0  }
0x21f: {  	v3 =	vld [tilespmem:s29+$0xF70]  }
0x220: {  	v0 =	vadd.f32 v1, v0  }
0x221: {  	v1 =	vld [tilespmem:s29+$0xFB0]  }
0x222: {  	v0 =	vadd.f32 v2, v0  }
0x223: {  	v2 =	vld [tilespmem:s29+$0xFF0]  }
0x224: {  	v0 =	vadd.f32 v3, v0  }
0x225: {  	v3 =	vld [tilespmem:s29+$0x1030]  }
0x226: {  	v0 =	vadd.f32 v1, v0  }
0x227: {  	v1 =	vld [tilespmem:s29+$0x1070]  }
0x228: {  	v0 =	vadd.f32 v2, v0  }
0x229: {  	v2 =	vld [tilespmem:s29+$0x10B0]  }
0x22a: {  	v0 =	vadd.f32 v3, v0  }
0x22b: {  	v3 =	vld [tilespmem:s29+$0x10F0]  }
0x22c: {  	v0 =	vadd.f32 v1, v0  }
0x22d: {  	v1 =	vld [tilespmem:s29+$0x1130]  }
0x22e: {  	v0 =	vadd.f32 v2, v0  }
0x22f: {  	v2 =	vld [tilespmem:s29+$0x1170]  }
0x230: {  	v0 =	vadd.f32 v3, v0  }
0x231: {  	v3 =	vld [tilespmem:s29+$0x11B0]  }
0x232: {  	v0 =	vadd.f32 v1, v0  }
0x233: {  	v1 =	vld [tilespmem:s29+$0x11F0]  }
0x234: {  	v0 =	vadd.f32 v2, v0  }
0x235: {  	v2 =	vld [tilespmem:s29+$0x1230]  }
0x236: {  	v0 =	vadd.f32 v3, v0  }
0x237: {  	v3 =	vld [tilespmem:s29+$0x1270]  }
0x238: {  	v0 =	vadd.f32 v1, v0  }
0x239: {  	v1 =	vld [tilespmem:s29+$0x12B0]  }
0x23a: {  	v0 =	vadd.f32 v2, v0;
	_ =	sdelay $0x1  }
0x23b: {  	v2 =	vld [tilespmem:s29+$0x12F0];
	v0 =	vadd.f32 v3, v0;
	_ =	sdelay $0x1  }
0x23c: {  	v3 =	vadd.f32 v1, v0;
	v1 =	vld [tilespmem:s29+$0x1330];
	_ =	sdelay $0x1  }
0x23d: {  	v0 =	vld [tilespmem:s29+$0x1370]  }
0x23e: {  	s29 =	simm.s32 $0x1;
	v2 =	vadd.f32 v2, v3  }
.LBB2_2:
0x23f: {  	p0 =	sne.s32 s29, $0x1F;
	s31 =	smov.u32 s29;
	s29 =	sadd.s32 $0x1, s29  }
0x240: {  	v1 =	vadd.f32 v1, v2  }
0x241: {  	s30 =	smul.u32 $0x3200, s31  }
0x242: {  	v0 =	vadd.f32 v0, v1  }
0x243: {  	s30 =	sshra.s32 s30, $0x2  }
0x244: {  	[tilespmem:s28+$0x19730] =	vst v0  }
0x245: {  	v0 =	vld [tilespmem:s30+$0x700]  }
0x246: {  	v1 =	vld [tilespmem:s30+$0x740];
	_ =	sdelay $0x1  }
0x247: {  	v2 =	vld [tilespmem:s30+$0x780];
	_ =	sdelay $0x1  }
0x248: {  	v3 =	vld [tilespmem:s30+$0x7C0]  }
0x249: {  	v0 =	vadd.f32 v1, v0  }
0x24a: {  	v1 =	vld [tilespmem:s30+$0x800]  }
0x24b: {  	v0 =	vadd.f32 v2, v0  }
0x24c: {  	v2 =	vld [tilespmem:s30+$0x840]  }
0x24d: {  	v0 =	vadd.f32 v3, v0  }
0x24e: {  	v3 =	vld [tilespmem:s30+$0x880]  }
0x24f: {  	v0 =	vadd.f32 v1, v0  }
0x250: {  	v1 =	vld [tilespmem:s30+$0x8C0]  }
0x251: {  	v0 =	vadd.f32 v2, v0  }
0x252: {  	v2 =	vld [tilespmem:s30+$0x900]  }
0x253: {  	v0 =	vadd.f32 v3, v0  }
0x254: {  	v3 =	vld [tilespmem:s30+$0x940]  }
0x255: {  	v0 =	vadd.f32 v1, v0  }
0x256: {  	v1 =	vld [tilespmem:s30+$0x980]  }
0x257: {  	v0 =	vadd.f32 v2, v0  }
0x258: {  	v2 =	vld [tilespmem:s30+$0x9C0]  }
0x259: {  	v0 =	vadd.f32 v3, v0  }
0x25a: {  	v3 =	vld [tilespmem:s30+$0xA00]  }
0x25b: {  	v0 =	vadd.f32 v1, v0  }
0x25c: {  	v1 =	vld [tilespmem:s30+$0xA40]  }
0x25d: {  	v0 =	vadd.f32 v2, v0  }
0x25e: {  	v2 =	vld [tilespmem:s30+$0xA80]  }
0x25f: {  	v0 =	vadd.f32 v3, v0  }
0x260: {  	v3 =	vld [tilespmem:s30+$0xAC0]  }
0x261: {  	v0 =	vadd.f32 v1, v0  }
0x262: {  	v1 =	vld [tilespmem:s30+$0xB00]  }
0x263: {  	v0 =	vadd.f32 v2, v0  }
0x264: {  	v2 =	vld [tilespmem:s30+$0xB40]  }
0x265: {  	v0 =	vadd.f32 v3, v0  }
0x266: {  	v3 =	vld [tilespmem:s30+$0xB80]  }
0x267: {  	v0 =	vadd.f32 v1, v0  }
0x268: {  	v1 =	vld [tilespmem:s30+$0xBC0]  }
0x269: {  	v0 =	vadd.f32 v2, v0  }
0x26a: {  	v2 =	vld [tilespmem:s30+$0xC00]  }
0x26b: {  	v0 =	vadd.f32 v3, v0  }
0x26c: {  	v3 =	vld [tilespmem:s30+$0xC40]  }
0x26d: {  	v0 =	vadd.f32 v1, v0  }
0x26e: {  	v1 =	vld [tilespmem:s30+$0xC80]  }
0x26f: {  	v0 =	vadd.f32 v2, v0  }
0x270: {  	v2 =	vld [tilespmem:s30+$0xCC0]  }
0x271: {  	v0 =	vadd.f32 v3, v0  }
0x272: {  	v3 =	vld [tilespmem:s30+$0xD00]  }
0x273: {  	v0 =	vadd.f32 v1, v0  }
0x274: {  	v1 =	vld [tilespmem:s30+$0xD40]  }
0x275: {  	v0 =	vadd.f32 v2, v0  }
0x276: {  	v2 =	vld [tilespmem:s30+$0xD80]  }
0x277: {  	v0 =	vadd.f32 v3, v0  }
0x278: {  	v3 =	vld [tilespmem:s30+$0xDC0]  }
0x279: {  	v0 =	vadd.f32 v1, v0  }
0x27a: {  	v1 =	vld [tilespmem:s30+$0xE00]  }
0x27b: {  	v0 =	vadd.f32 v2, v0  }
0x27c: {  	v2 =	vld [tilespmem:s30+$0xE40]  }
0x27d: {  	v0 =	vadd.f32 v3, v0  }
0x27e: {  	v3 =	vld [tilespmem:s30+$0xE80]  }
0x27f: {  	v0 =	vadd.f32 v1, v0  }
0x280: {  	v1 =	vld [tilespmem:s30+$0xEC0]  }
0x281: {  	v0 =	vadd.f32 v2, v0  }
0x282: {  	v2 =	vld [tilespmem:s30+$0xF00]  }
0x283: {  	v0 =	vadd.f32 v3, v0  }
0x284: {  	v3 =	vld [tilespmem:s30+$0xF40]  }
0x285: {  	v0 =	vadd.f32 v1, v0  }
0x286: {  	v1 =	vld [tilespmem:s30+$0xF80]  }
0x287: {  	v0 =	vadd.f32 v2, v0  }
0x288: {  	v2 =	vld [tilespmem:s30+$0xFC0]  }
0x289: {  	v0 =	vadd.f32 v3, v0  }
0x28a: {  	v3 =	vld [tilespmem:s30+$0x1000]  }
0x28b: {  	v0 =	vadd.f32 v1, v0  }
0x28c: {  	v1 =	vld [tilespmem:s30+$0x1040]  }
0x28d: {  	v0 =	vadd.f32 v2, v0  }
0x28e: {  	v2 =	vld [tilespmem:s30+$0x1080]  }
0x28f: {  	v0 =	vadd.f32 v3, v0  }
0x290: {  	v3 =	vld [tilespmem:s30+$0x10C0]  }
0x291: {  	v0 =	vadd.f32 v1, v0  }
0x292: {  	v1 =	vld [tilespmem:s30+$0x1100]  }
0x293: {  	v0 =	vadd.f32 v2, v0  }
0x294: {  	v2 =	vld [tilespmem:s30+$0x1140]  }
0x295: {  	v0 =	vadd.f32 v3, v0  }
0x296: {  	v3 =	vld [tilespmem:s30+$0x1180]  }
0x297: {  	v0 =	vadd.f32 v1, v0  }
0x298: {  	v1 =	vld [tilespmem:s30+$0x11C0]  }
0x299: {  	v0 =	vadd.f32 v2, v0  }
0x29a: {  	v2 =	vld [tilespmem:s30+$0x1200]  }
0x29b: {  	v0 =	vadd.f32 v3, v0  }
0x29c: {  	v3 =	vld [tilespmem:s30+$0x1240]  }
0x29d: {  	v0 =	vadd.f32 v1, v0  }
0x29e: {  	v1 =	vld [tilespmem:s30+$0x1280]  }
0x29f: {  	v0 =	vadd.f32 v2, v0  }
0x2a0: {  	v2 =	vld [tilespmem:s30+$0x12C0]  }
0x2a1: {  	v0 =	vadd.f32 v3, v0  }
0x2a2: {  	v3 =	vld [tilespmem:s30+$0x1300]  }
0x2a3: {  	v0 =	vadd.f32 v1, v0  }
0x2a4: {  	v1 =	vld [tilespmem:s30+$0x1340]  }
0x2a5: {  	v0 =	vadd.f32 v2, v0;
	_ =	sdelay $0x1  }
0x2a6: {  	v0 =	vadd.f32 v3, v0;
	_ =	sdelay $0x1  }
0x2a7: {  	s28 =	sshll.u32 s31, $0x6;
	v0 =	vadd.f32 v1, v0  }
0x2a8: {  	s28 =	sand.u32 $0x3FFFFFC0, s28  }
0x2a9: {  	[tilespmem:s28+$0x19700] =	vst v0  }
0x2aa: {  	v0 =	vld [tilespmem:s30+$0x710]  }
0x2ab: {  	v1 =	vld [tilespmem:s30+$0x750];
	_ =	sdelay $0x1  }
0x2ac: {  	v2 =	vld [tilespmem:s30+$0x790];
	_ =	sdelay $0x1  }
0x2ad: {  	v3 =	vld [tilespmem:s30+$0x7D0]  }
0x2ae: {  	v0 =	vadd.f32 v1, v0  }
0x2af: {  	v1 =	vld [tilespmem:s30+$0x810]  }
0x2b0: {  	v0 =	vadd.f32 v2, v0  }
0x2b1: {  	v2 =	vld [tilespmem:s30+$0x850]  }
0x2b2: {  	v0 =	vadd.f32 v3, v0  }
0x2b3: {  	v3 =	vld [tilespmem:s30+$0x890]  }
0x2b4: {  	v0 =	vadd.f32 v1, v0  }
0x2b5: {  	v1 =	vld [tilespmem:s30+$0x8D0]  }
0x2b6: {  	v0 =	vadd.f32 v2, v0  }
0x2b7: {  	v2 =	vld [tilespmem:s30+$0x910]  }
0x2b8: {  	v0 =	vadd.f32 v3, v0  }
0x2b9: {  	v3 =	vld [tilespmem:s30+$0x950]  }
0x2ba: {  	v0 =	vadd.f32 v1, v0  }
0x2bb: {  	v1 =	vld [tilespmem:s30+$0x990]  }
0x2bc: {  	v0 =	vadd.f32 v2, v0  }
0x2bd: {  	v2 =	vld [tilespmem:s30+$0x9D0]  }
0x2be: {  	v0 =	vadd.f32 v3, v0  }
0x2bf: {  	v3 =	vld [tilespmem:s30+$0xA10]  }
0x2c0: {  	v0 =	vadd.f32 v1, v0  }
0x2c1: {  	v1 =	vld [tilespmem:s30+$0xA50]  }
0x2c2: {  	v0 =	vadd.f32 v2, v0  }
0x2c3: {  	v2 =	vld [tilespmem:s30+$0xA90]  }
0x2c4: {  	v0 =	vadd.f32 v3, v0  }
0x2c5: {  	v3 =	vld [tilespmem:s30+$0xAD0]  }
0x2c6: {  	v0 =	vadd.f32 v1, v0  }
0x2c7: {  	v1 =	vld [tilespmem:s30+$0xB10]  }
0x2c8: {  	v0 =	vadd.f32 v2, v0  }
0x2c9: {  	v2 =	vld [tilespmem:s30+$0xB50]  }
0x2ca: {  	v0 =	vadd.f32 v3, v0  }
0x2cb: {  	v3 =	vld [tilespmem:s30+$0xB90]  }
0x2cc: {  	v0 =	vadd.f32 v1, v0  }
0x2cd: {  	v1 =	vld [tilespmem:s30+$0xBD0]  }
0x2ce: {  	v0 =	vadd.f32 v2, v0  }
0x2cf: {  	v2 =	vld [tilespmem:s30+$0xC10]  }
0x2d0: {  	v0 =	vadd.f32 v3, v0  }
0x2d1: {  	v3 =	vld [tilespmem:s30+$0xC50]  }
0x2d2: {  	v0 =	vadd.f32 v1, v0  }
0x2d3: {  	v1 =	vld [tilespmem:s30+$0xC90]  }
0x2d4: {  	v0 =	vadd.f32 v2, v0  }
0x2d5: {  	v2 =	vld [tilespmem:s30+$0xCD0]  }
0x2d6: {  	v0 =	vadd.f32 v3, v0  }
0x2d7: {  	v3 =	vld [tilespmem:s30+$0xD10]  }
0x2d8: {  	v0 =	vadd.f32 v1, v0  }
0x2d9: {  	v1 =	vld [tilespmem:s30+$0xD50]  }
0x2da: {  	v0 =	vadd.f32 v2, v0  }
0x2db: {  	v2 =	vld [tilespmem:s30+$0xD90]  }
0x2dc: {  	v0 =	vadd.f32 v3, v0  }
0x2dd: {  	v3 =	vld [tilespmem:s30+$0xDD0]  }
0x2de: {  	v0 =	vadd.f32 v1, v0  }
0x2df: {  	v1 =	vld [tilespmem:s30+$0xE10]  }
0x2e0: {  	v0 =	vadd.f32 v2, v0  }
0x2e1: {  	v2 =	vld [tilespmem:s30+$0xE50]  }
0x2e2: {  	v0 =	vadd.f32 v3, v0  }
0x2e3: {  	v3 =	vld [tilespmem:s30+$0xE90]  }
0x2e4: {  	v0 =	vadd.f32 v1, v0  }
0x2e5: {  	v1 =	vld [tilespmem:s30+$0xED0]  }
0x2e6: {  	v0 =	vadd.f32 v2, v0  }
0x2e7: {  	v2 =	vld [tilespmem:s30+$0xF10]  }
0x2e8: {  	v0 =	vadd.f32 v3, v0  }
0x2e9: {  	v3 =	vld [tilespmem:s30+$0xF50]  }
0x2ea: {  	v0 =	vadd.f32 v1, v0  }
0x2eb: {  	v1 =	vld [tilespmem:s30+$0xF90]  }
0x2ec: {  	v0 =	vadd.f32 v2, v0  }
0x2ed: {  	v2 =	vld [tilespmem:s30+$0xFD0]  }
0x2ee: {  	v0 =	vadd.f32 v3, v0  }
0x2ef: {  	v3 =	vld [tilespmem:s30+$0x1010]  }
0x2f0: {  	v0 =	vadd.f32 v1, v0  }
0x2f1: {  	v1 =	vld [tilespmem:s30+$0x1050]  }
0x2f2: {  	v0 =	vadd.f32 v2, v0  }
0x2f3: {  	v2 =	vld [tilespmem:s30+$0x1090]  }
0x2f4: {  	v0 =	vadd.f32 v3, v0  }
0x2f5: {  	v3 =	vld [tilespmem:s30+$0x10D0]  }
0x2f6: {  	v0 =	vadd.f32 v1, v0  }
0x2f7: {  	v1 =	vld [tilespmem:s30+$0x1110]  }
0x2f8: {  	v0 =	vadd.f32 v2, v0  }
0x2f9: {  	v2 =	vld [tilespmem:s30+$0x1150]  }
0x2fa: {  	v0 =	vadd.f32 v3, v0  }
0x2fb: {  	v3 =	vld [tilespmem:s30+$0x1190]  }
0x2fc: {  	v0 =	vadd.f32 v1, v0  }
0x2fd: {  	v1 =	vld [tilespmem:s30+$0x11D0]  }
0x2fe: {  	v0 =	vadd.f32 v2, v0  }
0x2ff: {  	v2 =	vld [tilespmem:s30+$0x1210]  }
0x300: {  	v0 =	vadd.f32 v3, v0  }
0x301: {  	v3 =	vld [tilespmem:s30+$0x1250]  }
0x302: {  	v0 =	vadd.f32 v1, v0  }
0x303: {  	v1 =	vld [tilespmem:s30+$0x1290]  }
0x304: {  	v0 =	vadd.f32 v2, v0  }
0x305: {  	v2 =	vld [tilespmem:s30+$0x12D0]  }
0x306: {  	v0 =	vadd.f32 v3, v0  }
0x307: {  	v3 =	vld [tilespmem:s30+$0x1310]  }
0x308: {  	v0 =	vadd.f32 v1, v0  }
0x309: {  	v1 =	vld [tilespmem:s30+$0x1350]  }
0x30a: {  	v0 =	vadd.f32 v2, v0;
	_ =	sdelay $0x1  }
0x30b: {  	v0 =	vadd.f32 v3, v0;
	_ =	sdelay $0x1  }
0x30c: {  	v0 =	vadd.f32 v1, v0;
	_ =	sdelay $0x1  }
0x30d: {  	[tilespmem:s28+$0x19710] =	vst v0  }
0x30e: {  	v0 =	vld [tilespmem:s30+$0x720]  }
0x30f: {  	v1 =	vld [tilespmem:s30+$0x760];
	_ =	sdelay $0x1  }
0x310: {  	v2 =	vld [tilespmem:s30+$0x7A0];
	_ =	sdelay $0x1  }
0x311: {  	v3 =	vld [tilespmem:s30+$0x7E0]  }
0x312: {  	v0 =	vadd.f32 v1, v0  }
0x313: {  	v1 =	vld [tilespmem:s30+$0x820]  }
0x314: {  	v0 =	vadd.f32 v2, v0  }
0x315: {  	v2 =	vld [tilespmem:s30+$0x860]  }
0x316: {  	v0 =	vadd.f32 v3, v0  }
0x317: {  	v3 =	vld [tilespmem:s30+$0x8A0]  }
0x318: {  	v0 =	vadd.f32 v1, v0  }
0x319: {  	v1 =	vld [tilespmem:s30+$0x8E0]  }
0x31a: {  	v0 =	vadd.f32 v2, v0  }
0x31b: {  	v2 =	vld [tilespmem:s30+$0x920]  }
0x31c: {  	v0 =	vadd.f32 v3, v0  }
0x31d: {  	v3 =	vld [tilespmem:s30+$0x960]  }
0x31e: {  	v0 =	vadd.f32 v1, v0  }
0x31f: {  	v1 =	vld [tilespmem:s30+$0x9A0]  }
0x320: {  	v0 =	vadd.f32 v2, v0  }
0x321: {  	v2 =	vld [tilespmem:s30+$0x9E0]  }
0x322: {  	v0 =	vadd.f32 v3, v0  }
0x323: {  	v3 =	vld [tilespmem:s30+$0xA20]  }
0x324: {  	v0 =	vadd.f32 v1, v0  }
0x325: {  	v1 =	vld [tilespmem:s30+$0xA60]  }
0x326: {  	v0 =	vadd.f32 v2, v0  }
0x327: {  	v2 =	vld [tilespmem:s30+$0xAA0]  }
0x328: {  	v0 =	vadd.f32 v3, v0  }
0x329: {  	v3 =	vld [tilespmem:s30+$0xAE0]  }
0x32a: {  	v0 =	vadd.f32 v1, v0  }
0x32b: {  	v1 =	vld [tilespmem:s30+$0xB20]  }
0x32c: {  	v0 =	vadd.f32 v2, v0  }
0x32d: {  	v2 =	vld [tilespmem:s30+$0xB60]  }
0x32e: {  	v0 =	vadd.f32 v3, v0  }
0x32f: {  	v3 =	vld [tilespmem:s30+$0xBA0]  }
0x330: {  	v0 =	vadd.f32 v1, v0  }
0x331: {  	v1 =	vld [tilespmem:s30+$0xBE0]  }
0x332: {  	v0 =	vadd.f32 v2, v0  }
0x333: {  	v2 =	vld [tilespmem:s30+$0xC20]  }
0x334: {  	v0 =	vadd.f32 v3, v0  }
0x335: {  	v3 =	vld [tilespmem:s30+$0xC60]  }
0x336: {  	v0 =	vadd.f32 v1, v0  }
0x337: {  	v1 =	vld [tilespmem:s30+$0xCA0]  }
0x338: {  	v0 =	vadd.f32 v2, v0  }
0x339: {  	v2 =	vld [tilespmem:s30+$0xCE0]  }
0x33a: {  	v0 =	vadd.f32 v3, v0  }
0x33b: {  	v3 =	vld [tilespmem:s30+$0xD20]  }
0x33c: {  	v0 =	vadd.f32 v1, v0  }
0x33d: {  	v1 =	vld [tilespmem:s30+$0xD60]  }
0x33e: {  	v0 =	vadd.f32 v2, v0  }
0x33f: {  	v2 =	vld [tilespmem:s30+$0xDA0]  }
0x340: {  	v0 =	vadd.f32 v3, v0  }
0x341: {  	v3 =	vld [tilespmem:s30+$0xDE0]  }
0x342: {  	v0 =	vadd.f32 v1, v0  }
0x343: {  	v1 =	vld [tilespmem:s30+$0xE20]  }
0x344: {  	v0 =	vadd.f32 v2, v0  }
0x345: {  	v2 =	vld [tilespmem:s30+$0xE60]  }
0x346: {  	v0 =	vadd.f32 v3, v0  }
0x347: {  	v3 =	vld [tilespmem:s30+$0xEA0]  }
0x348: {  	v0 =	vadd.f32 v1, v0  }
0x349: {  	v1 =	vld [tilespmem:s30+$0xEE0]  }
0x34a: {  	v0 =	vadd.f32 v2, v0  }
0x34b: {  	v2 =	vld [tilespmem:s30+$0xF20]  }
0x34c: {  	v0 =	vadd.f32 v3, v0  }
0x34d: {  	v3 =	vld [tilespmem:s30+$0xF60]  }
0x34e: {  	v0 =	vadd.f32 v1, v0  }
0x34f: {  	v1 =	vld [tilespmem:s30+$0xFA0]  }
0x350: {  	v0 =	vadd.f32 v2, v0  }
0x351: {  	v2 =	vld [tilespmem:s30+$0xFE0]  }
0x352: {  	v0 =	vadd.f32 v3, v0  }
0x353: {  	v3 =	vld [tilespmem:s30+$0x1020]  }
0x354: {  	v0 =	vadd.f32 v1, v0  }
0x355: {  	v1 =	vld [tilespmem:s30+$0x1060]  }
0x356: {  	v0 =	vadd.f32 v2, v0  }
0x357: {  	v2 =	vld [tilespmem:s30+$0x10A0]  }
0x358: {  	v0 =	vadd.f32 v3, v0  }
0x359: {  	v3 =	vld [tilespmem:s30+$0x10E0]  }
0x35a: {  	v0 =	vadd.f32 v1, v0  }
0x35b: {  	v1 =	vld [tilespmem:s30+$0x1120]  }
0x35c: {  	v0 =	vadd.f32 v2, v0  }
0x35d: {  	v2 =	vld [tilespmem:s30+$0x1160]  }
0x35e: {  	v0 =	vadd.f32 v3, v0  }
0x35f: {  	v3 =	vld [tilespmem:s30+$0x11A0]  }
0x360: {  	v0 =	vadd.f32 v1, v0  }
0x361: {  	v1 =	vld [tilespmem:s30+$0x11E0]  }
0x362: {  	v0 =	vadd.f32 v2, v0  }
0x363: {  	v2 =	vld [tilespmem:s30+$0x1220]  }
0x364: {  	v0 =	vadd.f32 v3, v0  }
0x365: {  	v3 =	vld [tilespmem:s30+$0x1260]  }
0x366: {  	v0 =	vadd.f32 v1, v0  }
0x367: {  	v1 =	vld [tilespmem:s30+$0x12A0]  }
0x368: {  	v0 =	vadd.f32 v2, v0  }
0x369: {  	v2 =	vld [tilespmem:s30+$0x12E0]  }
0x36a: {  	v0 =	vadd.f32 v3, v0  }
0x36b: {  	v3 =	vld [tilespmem:s30+$0x1320]  }
0x36c: {  	v0 =	vadd.f32 v1, v0  }
0x36d: {  	v1 =	vld [tilespmem:s30+$0x1360]  }
0x36e: {  	v0 =	vadd.f32 v2, v0;
	_ =	sdelay $0x1  }
0x36f: {  	v0 =	vadd.f32 v3, v0;
	_ =	sdelay $0x1  }
0x370: {  	v0 =	vadd.f32 v1, v0;
	_ =	sdelay $0x1  }
0x371: {  	[tilespmem:s28+$0x19720] =	vst v0  }
0x372: {  	v0 =	vld [tilespmem:s30+$0x730]  }
0x373: {  	v1 =	vld [tilespmem:s30+$0x770]  }
0x374: {  	v2 =	vld [tilespmem:s30+$0x7B0]  }
0x375: {  	v3 =	vld [tilespmem:s30+$0x7F0]  }
0x376: {  	v4 =	vld [tilespmem:s30+$0x830]  }
0x377: {  	v5 =	vld [tilespmem:s30+$0x870]  }
0x378: {  	v0 =	vadd.f32 v1, v0;
	v1 =	vld [tilespmem:s30+$0x8B0]  }
0x379: {  	v6 =	vld [tilespmem:s30+$0x8F0]  }
0x37a: {  	v0 =	vadd.f32 v2, v0;
	v2 =	vld [tilespmem:s30+$0x930]  }
0x37b: {  	v7 =	vld [tilespmem:s30+$0x970]  }
0x37c: {  	v0 =	vadd.f32 v3, v0;
	v3 =	vld [tilespmem:s30+$0x9B0]  }
0x37d: {  	v8 =	vld [tilespmem:s30+$0x9F0]  }
0x37e: {  	v0 =	vadd.f32 v4, v0;
	v4 =	vld [tilespmem:s30+$0xA30]  }
0x37f: {  	v9 =	vld [tilespmem:s30+$0xA70]  }
0x380: {  	v0 =	vadd.f32 v5, v0;
	v5 =	vld [tilespmem:s30+$0xAB0]  }
0x381: {  	v10 =	vld [tilespmem:s30+$0xAF0]  }
0x382: {  	v0 =	vadd.f32 v1, v0;
	v1 =	vld [tilespmem:s30+$0xB30]  }
0x383: {  	v11 =	vld [tilespmem:s30+$0xB70]  }
0x384: {  	v0 =	vadd.f32 v6, v0;
	v6 =	vld [tilespmem:s30+$0xBB0]  }
0x385: {  	v12 =	vld [tilespmem:s30+$0xBF0]  }
0x386: {  	v0 =	vadd.f32 v2, v0;
	v2 =	vld [tilespmem:s30+$0xC30]  }
0x387: {  	v13 =	vld [tilespmem:s30+$0xC70]  }
0x388: {  	v0 =	vadd.f32 v7, v0;
	v7 =	vld [tilespmem:s30+$0xCB0]  }
0x389: {  	v14 =	vld [tilespmem:s30+$0xCF0]  }
0x38a: {  	v0 =	vadd.f32 v3, v0;
	v3 =	vld [tilespmem:s30+$0xD30]  }
0x38b: {  	v15 =	vld [tilespmem:s30+$0xD70]  }
0x38c: {  	v0 =	vadd.f32 v8, v0;
	v8 =	vld [tilespmem:s30+$0xDB0]  }
0x38d: {  	v16 =	vld [tilespmem:s30+$0xDF0]  }
0x38e: {  	v0 =	vadd.f32 v4, v0;
	v4 =	vld [tilespmem:s30+$0xE30]  }
0x38f: {  	v17 =	vld [tilespmem:s30+$0xE70]  }
0x390: {  	v0 =	vadd.f32 v9, v0;
	v9 =	vld [tilespmem:s30+$0xEB0]  }
0x391: {  	v18 =	vld [tilespmem:s30+$0xEF0]  }
0x392: {  	v0 =	vadd.f32 v5, v0;
	v5 =	vld [tilespmem:s30+$0xF30]  }
0x393: {  	v19 =	vld [tilespmem:s30+$0xF70]  }
0x394: {  	v0 =	vadd.f32 v10, v0;
	v10 =	vld [tilespmem:s30+$0xFB0]  }
0x395: {  	v20 =	vld [tilespmem:s30+$0xFF0]  }
0x396: {  	v0 =	vadd.f32 v1, v0;
	v21 =	vld [tilespmem:s30+$0x1030]  }
0x397: {  	v22 =	vld [tilespmem:s30+$0x1070]  }
0x398: {  	v0 =	vadd.f32 v11, v0;
	v11 =	vld [tilespmem:s30+$0x10B0]  }
0x399: {  	v23 =	vld [tilespmem:s30+$0x10F0]  }
0x39a: {  	v0 =	vadd.f32 v6, v0;
	v6 =	vld [tilespmem:s30+$0x1130]  }
0x39b: {  	v24 =	vld [tilespmem:s30+$0x1170]  }
0x39c: {  	v0 =	vadd.f32 v12, v0;
	v12 =	vld [tilespmem:s30+$0x11B0]  }
0x39d: {  	v25 =	vld [tilespmem:s30+$0x11F0]  }
0x39e: {  	v0 =	vadd.f32 v2, v0;
	v2 =	vld [tilespmem:s30+$0x1230]  }
0x39f: {  	v26 =	vld [tilespmem:s30+$0x1270]  }
0x3a0: {  	v0 =	vadd.f32 v13, v0;
	v13 =	vld [tilespmem:s30+$0x12B0]  }
0x3a1: {  	v27 =	vld [tilespmem:s30+$0x12F0]  }
0x3a2: {  	v7 =	vadd.f32 v7, v0;
	v1 =	vld [tilespmem:s30+$0x1330]  }
0x3a3: {  	v0 =	vld [tilespmem:s30+$0x1370]  }
0x3a4: {  	v7 =	vadd.f32 v14, v7;
	_ =	sdelay $0x1  }
0x3a5: {  	v3 =	vadd.f32 v3, v7;
	_ =	sdelay $0x1  }
0x3a6: {  	v3 =	vadd.f32 v15, v3;
	_ =	sdelay $0x1  }
0x3a7: {  	v3 =	vadd.f32 v8, v3;
	_ =	sdelay $0x1  }
0x3a8: {  	v3 =	vadd.f32 v16, v3;
	_ =	sdelay $0x1  }
0x3a9: {  	v3 =	vadd.f32 v4, v3;
	_ =	sdelay $0x1  }
0x3aa: {  	v3 =	vadd.f32 v17, v3;
	_ =	sdelay $0x1  }
0x3ab: {  	v3 =	vadd.f32 v9, v3;
	_ =	sdelay $0x1  }
0x3ac: {  	v3 =	vadd.f32 v18, v3;
	_ =	sdelay $0x1  }
0x3ad: {  	v3 =	vadd.f32 v5, v3;
	_ =	sdelay $0x1  }
0x3ae: {  	v3 =	vadd.f32 v19, v3;
	_ =	sdelay $0x1  }
0x3af: {  	v3 =	vadd.f32 v10, v3;
	_ =	sdelay $0x1  }
0x3b0: {  	v3 =	vadd.f32 v20, v3;
	_ =	sdelay $0x1  }
0x3b1: {  	v3 =	vadd.f32 v21, v3;
	_ =	sdelay $0x1  }
0x3b2: {  	v3 =	vadd.f32 v22, v3;
	_ =	sdelay $0x1  }
0x3b3: {  	v3 =	vadd.f32 v11, v3;
	_ =	sdelay $0x1  }
0x3b4: {  	v3 =	vadd.f32 v23, v3;
	_ =	sdelay $0x1  }
0x3b5: {  	v3 =	vadd.f32 v6, v3;
	_ =	sdelay $0x1  }
0x3b6: {  	v3 =	vadd.f32 v24, v3;
	_ =	sdelay $0x1  }
0x3b7: {  	v3 =	vadd.f32 v12, v3;
	_ =	sdelay $0x1  }
0x3b8: {  	v3 =	vadd.f32 v25, v3;
	_ =	sdelay $0x1  }
0x3b9: {  	v2 =	vadd.f32 v2, v3;
	_ =	sdelay $0x1  }
.Ltmp0:
0x3ba: {  	v2 =	vadd.f32 v26, v2;
	(pc) =	sbr.rel @p0 .LBB2_2-.Ltmp0, $3  }
0x3bb: {  	_ = 	snop  }
0x3bc: {  	v2 =	vadd.f32 v13, v2;
	_ =	sdelay $0x1  }
0x3bd: {  	v2 =	vadd.f32 v27, v2  }
0x3be: {  	_ = 	snop  }
0x3bf: {  	v1 =	vadd.f32 v1, v2;
	_ =	sdelay $0x1  }
0x3c0: {  	s26 =	sadd.s32 $0x1, s26;
	v0 =	vadd.f32 v0, v1  }
0x3c1: {  	p0 =	sne.s32 s26, s6  }
.Ltmp1:
0x3c2: {  	[tilespmem:s28+$0x19730] =	vst v0;
	(pc) =	sbr.rel @p0 .LBB2_1-.Ltmp1, $4  }
0x3c3: {  	[hbm4b:s5+s2] =	stream.linear.scatter [tilespmem:s25], [sflag:$0x2], $0x800, $0x38;
	[tilespmem:$0x19F00] =	vst v63  }
0x3c4: {  	_ =	swait.ge [sflag:s7], $0x800  }
0x3c5: {  	[sflag:s7] =	ssyncset.done $0x0  }
0x3c6: {  	[sflag:s7] =	ssyncadd.s32 $0xFFFFF800  }
0x3c7: {  	_ =	sfence.sel $0x180000  }
0x3c8: {  	[bflag:$0x0] =	sbarrier.arrive $0xFFFF  }
0x3c9: {  	_ =	strace $0x90000047  }
0x3ca: {  	s0 =	stileid.u32;
	[bflag:$0x2] =	sbarrier.arrive $0xFFFF  }
0x3cb: {  	p0 =	sne.s32 s0, $0x0;
	s0 =	rddreg [dreg:$0x1]  }
0x3cc: {  	s0 =	sadd.s32 @!p0 $0x100000, s0  }
0x3cd: {  	[sflag:s0] =	ssyncadd.tile.s32 @!p0 $0x1;
	_ =	shalt  }
.Lfunc_end2:
_tile_overlayer_lowered:
.L_overlay_start_2:
0x3ce: {  	(tag) =	ssettag $0x2  }
0x3cf: {  	s0 =	rddreg [dreg:$0x0];
	s2 =	stileid.u32  }
0x3d0: {  	s1 =	rddreg [dreg:$0x1];
	p0 =	sne.s32 s2, $0x0  }
0x3d1: {  	s3 =	rddreg [dreg:$0x2];
	[bflag:$0x3] =	sbarrier.arrive $0xFFFF;
	s2 =	simm.s32 @!p0 $0x1C02  }
0x3d2: {  	[timem:s3], [sflag:s2] =	dma.local @!p0 [hbm:s0], s1  }
0x3d3: {  	s0 =	simm.s32 @!p0 $0x2  }
0x3d4: {  	_ =	swait.ge @!p0 [sflag:s0], s1  }
0x3d5: {  	s1 =	ssub.s32 @!p0 $0x0, s1;
	[sflag:s0] =	ssyncset.done @!p0 $0x0  }
0x3d6: {  	[sflag:s0] =	ssyncadd.s32 @!p0 s1  }
0x3d7: {  	[bflag:$0x3] =	sbarrier.arrive $0xFFFF  }
0x3d8: {  	_ =	shalt  }

</sc_bundles>
